<compile_context>
chip_gen: v7x
topology: tpu7x:2x2x1
jax: 0.10.2.dev20260603
libtpu: 0.0.44.dev20260713+nightly
codegen_flags: <defaults>
</compile_context>

<pallas_src>
import functools

import jax
import jax.numpy as jnp
from jax import lax
from jax.experimental import pallas as pl
from jax.experimental.pallas import tpu as pltpu
from jax.experimental.pallas import tpu_sc as plsc

_K = 4
_KP = 8
_TB = 512
_FP = 384
_NW = 32


def _rank_body(mag_ref, im_ref, choose_ref, carry_ref):
    nt = pl.program_id(1)

    @pl.when(nt == 0)
    def _init():
        carry_ref[...] = jnp.full(carry_ref.shape, 1e-8, jnp.float32)

    magb = mag_ref[0, 0]
    im = im_ref[0, 0]

    vals = jnp.dot(im.astype(jnp.bfloat16), magb.astype(jnp.bfloat16),
                   preferred_element_type=jnp.float32)
    n, tb = vals.shape
    idx2d = lax.broadcasted_iota(jnp.int32, (n, tb), 0)

    pos_rows = []
    v = vals
    for _ in range(_K):
        mx = jnp.max(v, axis=0)
        cand = jnp.where(v >= mx[None, :], idx2d, jnp.int32(2**30))
        ix = jnp.min(cand, axis=0)
        pos_rows.append(ix)
        v = jnp.where(idx2d == ix[None, :], jnp.float32(-1e30), v)
    posf = jnp.stack(pos_rows, axis=0).astype(jnp.float32)

    carry = carry_ref[0:_K, 0:2]
    pfull = jnp.concatenate([carry, posf], axis=1)
    carry_ref[0:_K, 0:2] = posf[:, tb - 2:tb]
    sm = (pfull[:, 0:tb] + pfull[:, 1:tb + 1] + pfull[:, 2:tb + 2]) / 3.0
    choose_ref[0, 0:_K, :] = sm.astype(jnp.int32)


def _rank_call(mag, integral_m):
    B, C, F, T = mag.shape
    N = integral_m.shape[2]
    return pl.pallas_call(
        _rank_body,
        grid=(B, T // _TB),
        in_specs=[
            pl.BlockSpec((1, 1, F, _TB), lambda b, t: (b, 0, 0, t)),
            pl.BlockSpec((1, 1, N, F), lambda b, t: (0, 0, 0, 0)),
        ],
        out_specs=pl.BlockSpec((1, _KP, _TB), lambda b, t: (b, 0, t)),
        out_shape=jax.ShapeDtypeStruct((B, _KP, T), jnp.int32),
        scratch_shapes=[pltpu.VMEM((8, 128), jnp.float32)],
        compiler_params=pltpu.CompilerParams(
            dimension_semantics=("arbitrary", "arbitrary"),
        ),
    )(mag, integral_m)


_CH = 64


def _gather_body(table_hbm, choose_hbm, out_hbm, idx_v,
                 r0, r1, r2, r3, sem):
    wid = lax.axis_index("s") * 2 + lax.axis_index("c")
    n_frames = out_hbm.shape[0]
    fpw = n_frames // _NW
    fbase = wid * fpw
    t_len = choose_hbm.shape[2]
    b = fbase // t_len
    t0 = fbase % t_len

    for k in range(_K):
        pltpu.sync_copy(choose_hbm.at[b, k, pl.ds(t0, fpw)], idx_v.at[k])

    nv = _FP // 16
    one = jnp.full((16,), 1.0, jnp.float32)
    zero = jnp.full((16,), 0.0, jnp.float32)
    rows = (r0, r1, r2, r3)

    for ch in range(fpw // _CH):
        cps = [
            pltpu.async_copy(
                table_hbm.at[idx_v.at[k, pl.ds(ch * _CH, _CH)]],
                rows[k], sem)
            for k in range(_K)
        ]
        for cp in cps:
            cp.wait()

        def _comb(j, _):
            for c in range(nv):
                s = pl.ds(c * 16, 16)
                a = ((r0[j, s] + r1[j, s]) + (r2[j, s] + r3[j, s]))
                r0[j, s] = jnp.where(a > 0.0, one, zero)
            return 0

        lax.fori_loop(0, _CH, _comb, 0)
        pltpu.sync_copy(r0, out_hbm.at[pl.ds(fbase + ch * _CH, _CH)])


def _gather_call(table_pad, choose):
    B, _, T = choose.shape
    fpw = (B * T) // _NW
    mesh = plsc.VectorSubcoreMesh(core_axis_name="c", subcore_axis_name="s")
    run = functools.partial(
        pl.kernel,
        mesh=mesh,
        out_type=jax.ShapeDtypeStruct((B * T, _FP), jnp.float32),
        scratch_types=[
            pltpu.VMEM((_K, fpw), jnp.int32),
            pltpu.VMEM((_CH, _FP), jnp.float32),
            pltpu.VMEM((_CH, _FP), jnp.float32),
            pltpu.VMEM((_CH, _FP), jnp.float32),
            pltpu.VMEM((_CH, _FP), jnp.float32),
            pltpu.SemaphoreType.DMA,
        ],
    )(_gather_body)
    return run(table_pad, choose)


@jax.jit
def _run(mag, integral_m, harmonic_loc):
    B, C, F, T = mag.shape
    table_pad = jnp.pad(harmonic_loc[0, 0], ((0, 0), (0, _FP - F)))
    choose = _rank_call(mag, integral_m)
    out_t = _gather_call(table_pad, choose)
    out = out_t.reshape(B, T, _FP)[:, :, :F]
    return jnp.transpose(out, (0, 2, 1))[:, None]


def kernel(mag, integral_m, harmonic_loc, freq_dim):
    del freq_dim
    return _run(mag, integral_m, harmonic_loc)

# --- scband reference (transcript-rebuilt; emitter-appended) ---
"""Pipeline reference for scband-harmonic-integral-63110249447948 (READ-ONLY COPY).

The authoritative reference and input builder live on the scoring server;
editing this copy changes nothing except your own understanding.
"""

import jax, jax.numpy as jnp
import numpy as np

HARMONIC_NUM = 4

def setup_inputs(seed: int = 0):
    key = jax.random.key(seed)
    k1, k2, k3 = jax.random.split(key, 3)
    mag = jax.random.normal(k1, (2, 1, 321, 2048), dtype=jnp.float32)
    integral_m = jax.random.normal(k2, (1, 1, 4200, 321), dtype=jnp.float32)
    harmonic_loc = jax.random.normal(k3, (1, 1, 4200, 321), dtype=jnp.float32)
    return {"mag": mag, "integral_m": integral_m, "harmonic_loc": harmonic_loc, "freq_dim": 321}

def _causal_pool(x):
    # CausalPool1d(ker=3, str=1): left-pad by 2 with 1e-8, then avg pool k=3 s=1
    p = jnp.pad(x, ((0, 0), (0, 0), (2, 0)), constant_values=1e-08)
    return (p[..., 0:-2] + p[..., 1:-1] + p[..., 2:]) / 3.0

def reference(mag, integral_m, harmonic_loc, freq_dim):
    # harmonic_nominee: [1,1,4200,321] @ [B,C,321,T] -> [B,C,4200,T]
    hn = jnp.matmul(integral_m, mag)
    # torch.topk(..., k, dim=-2): move candidate axis to last for lax.top_k
    hn_t = jnp.swapaxes(hn, -1, -2)               # [B,C,T,4200]
    vals_t, pos_t = jax.lax.top_k(hn_t, HARMONIC_NUM)  # [B,C,T,k]
    position = jnp.swapaxes(pos_t, -1, -2)        # [B,C,k,T]
    B, C, F, T = mag.shape
    choosed = jnp.zeros((B, C, F, T), dtype=jnp.float32) + (jnp.asarray(freq_dim) * 0).astype(jnp.float32)
    loc = harmonic_loc[0, 0]                      # [4200, 321]
    for i in range(HARMONIC_NUM):
        smoothed = _causal_pool(position[:, :, i, :].astype(jnp.float32))
        choose = smoothed.astype(jnp.int32)       # truncation, matches .to(torch.long) for nonneg
        gathered = jnp.take(loc, choose, axis=0)  # [B,C,T,321]
        choosed = choosed + jnp.transpose(gathered, (0, 1, 3, 2))  # [B,C,321,T]
    return (choosed > 0).astype(jnp.float32)

if __name__ == "__main__":
    import jax
    _d = setup_inputs()
    print(jax.jit(kernel)(*tuple(_d.values())))

</pallas_src>

<mosaic_0001>
#map = affine_map<(d0, d1) -> (0, 0)>
#map1 = affine_map<(d0, d1) -> (0, 0, 0)>
module attributes {stable_mosaic.version = 14 : i64} {
  func.func @_gather_body(%arg0: i32, %arg1: i32, %arg2: memref<4200x384xf32, #tpu.memory_space<hbm>>, %arg3: memref<2x8x2048xi32, #tpu.memory_space<hbm>>, %arg4: memref<4096x384xf32, #tpu.memory_space<hbm>>, %arg5: memref<4x128xi32, #tpu.memory_space<vmem>>, %arg6: memref<64x384xf32, #tpu.memory_space<vmem>>, %arg7: memref<64x384xf32, #tpu.memory_space<vmem>>, %arg8: memref<64x384xf32, #tpu.memory_space<vmem>>, %arg9: memref<64x384xf32, #tpu.memory_space<vmem>>, %arg10: memref<!tpu.dma_semaphore, #tpu.memory_space<semaphore_mem>>) attributes {dimension_semantics = [#tpu.dimension_semantics<core_parallel>, #tpu.dimension_semantics<subcore_parallel>], iteration_bounds = array<i64: 2, 16>, scalar_prefetch = 0 : i64, scratch_operands = 6 : i64, tpu.core_type = #tpu.core_type<sc_vector_subcore>, window_params = [{transform_indices = #map}, {transform_indices = #map1}, {transform_indices = #map}]} {
    %mul3A = arith.constant 2 : i32
    %mul3A_0 = arith.muli %arg1, %mul3A : i32
    %add3A = arith.addi %mul3A_0, %arg0 : i32
    %mul3A_1 = arith.constant 128 : i32
    %mul3A_2 = arith.muli %add3A, %mul3A_1 : i32
    %jit3A = arith.constant 2048 : i32
    %div3A = arith.divsi %mul3A_2, %jit3A : i32
    %sign3A = arith.constant 0 : i32
    %sign3A_3 = arith.cmpi sgt, %mul3A_2, %sign3A : i32
    %sign3A_4 = arith.extui %sign3A_3 : i1 to i32
    %sign3A_5 = arith.constant 0 : i32
    %sign3A_6 = arith.cmpi slt, %mul3A_2, %sign3A_5 : i32
    %sign3A_7 = arith.extui %sign3A_6 : i1 to i32
    %sign3A_8 = arith.subi %sign3A_4, %sign3A_7 : i32
    %sign3A_9 = arith.constant 0 : i32
    %sign3A_10 = arith.cmpi sgt, %jit3A, %sign3A_9 : i32
    %sign3A_11 = arith.extui %sign3A_10 : i1 to i32
    %sign3A_12 = arith.constant 0 : i32
    %sign3A_13 = arith.cmpi slt, %jit3A, %sign3A_12 : i32
    %sign3A_14 = arith.extui %sign3A_13 : i1 to i32
    %sign3A_15 = arith.subi %sign3A_11, %sign3A_14 : i32
    %ne3A = arith.cmpi ne, %sign3A_8, %sign3A_15 : i32
    %rem3A = arith.remsi %mul3A_2, %jit3A : i32
    %ne3A_16 = arith.constant 0 : i32
    %ne3A_17 = arith.cmpi ne, %rem3A, %ne3A_16 : i32
    %and3A = arith.andi %ne3A, %ne3A_17 : i1
    %sub3A = arith.constant 1 : i32
    %sub3A_18 = arith.subi %div3A, %sub3A : i32
    %select_n3A = arith.select %and3A, %sub3A_18, %div3A : i32
    %jit3A_19 = arith.constant 2048 : i32
    %eq3A = arith.constant 0 : i32
    %eq3A_20 = arith.cmpi eq, %jit3A_19, %eq3A : i32
    %jit3A_21 = arith.constant 1 : i32
    %select_n3A_22 = arith.select %eq3A_20, %jit3A_21, %jit3A_19 : i32
    %rem3A_23 = arith.remsi %mul3A_2, %select_n3A_22 : i32
    %ne3A_24 = arith.constant 0 : i32
    %ne3A_25 = arith.cmpi ne, %rem3A_23, %ne3A_24 : i32
    %lt3A = arith.constant 0 : i32
    %lt3A_26 = arith.cmpi slt, %rem3A_23, %lt3A : i32
    %lt3A_27 = arith.constant 0 : i32
    %lt3A_28 = arith.cmpi slt, %select_n3A_22, %lt3A_27 : i32
    %ne3A_29 = arith.xori %lt3A_26, %lt3A_28 : i1
    %and3A_30 = arith.andi %ne3A_29, %ne3A_25 : i1
    %add3A_31 = arith.addi %rem3A_23, %select_n3A_22 : i32
    %select_n3A_32 = arith.select %and3A_30, %add3A_31, %rem3A_23 : i32
    %run_scoped3A = arith.constant 0 : i32
    %run_scoped3A_33 = arith.constant 0 : i32
    "tpu.region"() ({
      %run_scoped3A_170 = tpu.sem_alloc : memref<!tpu.dma_semaphore, #tpu.memory_space<semaphore_mem>>
      %dma_start3A_171 = arith.constant 0 : i32
      %dma_start3A_172 = tpu.memref_slice %arg5[%run_scoped3A_33, %dma_start3A_171] : memref<4x128xi32, #tpu.memory_space<vmem>> -> memref<1x128xi32, #tpu.memory_space<vmem>>
      %dma_start3A_173 = tpu.memref_squeeze %dma_start3A_172 : memref<1x128xi32, #tpu.memory_space<vmem>> -> memref<128xi32, #tpu.memory_space<vmem>>
      %dma_start3A_174 = tpu.memref_slice %arg3[%select_n3A, %run_scoped3A, %select_n3A_32] : memref<2x8x2048xi32, #tpu.memory_space<hbm>> -> memref<1x1x128xi32, #tpu.memory_space<hbm>>
      %dma_start3A_175 = tpu.memref_squeeze %dma_start3A_174 : memref<1x1x128xi32, #tpu.memory_space<hbm>> -> memref<128xi32, #tpu.memory_space<hbm>>
      %dma_start3A_176 = arith.constant 0 : i32
      %dma_start3A_177 = tpu.memref_slice %arg5[%run_scoped3A_33, %dma_start3A_176] : memref<4x128xi32, #tpu.memory_space<vmem>> -> memref<1x128xi32, #tpu.memory_space<vmem>>
      %dma_start3A_178 = tpu.memref_squeeze %dma_start3A_177 : memref<1x128xi32, #tpu.memory_space<vmem>> -> memref<128xi32, #tpu.memory_space<vmem>>
      %dma_start3A_179 = tpu.memref_slice %arg3[%select_n3A, %run_scoped3A, %select_n3A_32] : memref<2x8x2048xi32, #tpu.memory_space<hbm>> -> memref<1x1x128xi32, #tpu.memory_space<hbm>>
      %dma_start3A_180 = tpu.memref_squeeze %dma_start3A_179 : memref<1x1x128xi32, #tpu.memory_space<hbm>> -> memref<128xi32, #tpu.memory_space<hbm>>
      tpu.enqueue_dma source(%dma_start3A_180 : memref<128xi32, #tpu.memory_space<hbm>>) target(%dma_start3A_178 : memref<128xi32, #tpu.memory_space<vmem>>) target_semaphore(%run_scoped3A_170 : memref<!tpu.dma_semaphore, #tpu.memory_space<semaphore_mem>>)
      %dma_wait3A_181 = arith.constant 0 : i32
      %dma_wait3A_182 = tpu.memref_slice %arg5[%run_scoped3A_33, %dma_wait3A_181] : memref<4x128xi32, #tpu.memory_space<vmem>> -> memref<1x128xi32, #tpu.memory_space<vmem>>
      %dma_wait3A_183 = tpu.memref_squeeze %dma_wait3A_182 : memref<1x128xi32, #tpu.memory_space<vmem>> -> memref<128xi32, #tpu.memory_space<vmem>>
      %dma_wait3A_184 = tpu.memref_slice %arg3[%select_n3A, %run_scoped3A, %select_n3A_32] : memref<2x8x2048xi32, #tpu.memory_space<hbm>> -> memref<1x1x128xi32, #tpu.memory_space<hbm>>
      %dma_wait3A_185 = tpu.memref_squeeze %dma_wait3A_184 : memref<1x1x128xi32, #tpu.memory_space<hbm>> -> memref<128xi32, #tpu.memory_space<hbm>>
      %dma_wait3A_186 = arith.constant 0 : i32
      %dma_wait3A_187 = tpu.memref_slice %arg5[%run_scoped3A_33, %dma_wait3A_186] : memref<4x128xi32, #tpu.memory_space<vmem>> -> memref<1x128xi32, #tpu.memory_space<vmem>>
      %dma_wait3A_188 = tpu.memref_squeeze %dma_wait3A_187 : memref<1x128xi32, #tpu.memory_space<vmem>> -> memref<128xi32, #tpu.memory_space<vmem>>
      %dma_wait3A_189 = tpu.memref_slice %arg3[%select_n3A, %run_scoped3A, %select_n3A_32] : memref<2x8x2048xi32, #tpu.memory_space<hbm>> -> memref<1x1x128xi32, #tpu.memory_space<hbm>>
      %dma_wait3A_190 = tpu.memref_squeeze %dma_wait3A_189 : memref<1x1x128xi32, #tpu.memory_space<hbm>> -> memref<128xi32, #tpu.memory_space<hbm>>
      tpu.wait_dma2 semaphore(%run_scoped3A_170 : memref<!tpu.dma_semaphore, #tpu.memory_space<semaphore_mem>>) src(%dma_wait3A_190 : memref<128xi32, #tpu.memory_space<hbm>>) dst(%dma_wait3A_188 : memref<128xi32, #tpu.memory_space<vmem>>)
      tpu.yield
    }) : () -> ()
    %run_scoped3A_34 = arith.constant 1 : i32
    %run_scoped3A_35 = arith.constant 1 : i32
    "tpu.region"() ({
      %run_scoped3A_170 = tpu.sem_alloc : memref<!tpu.dma_semaphore, #tpu.memory_space<semaphore_mem>>
      %dma_start3A_171 = arith.constant 0 : i32
      %dma_start3A_172 = tpu.memref_slice %arg5[%run_scoped3A_35, %dma_start3A_171] : memref<4x128xi32, #tpu.memory_space<vmem>> -> memref<1x128xi32, #tpu.memory_space<vmem>>
      %dma_start3A_173 = tpu.memref_squeeze %dma_start3A_172 : memref<1x128xi32, #tpu.memory_space<vmem>> -> memref<128xi32, #tpu.memory_space<vmem>>
      %dma_start3A_174 = tpu.memref_slice %arg3[%select_n3A, %run_scoped3A_34, %select_n3A_32] : memref<2x8x2048xi32, #tpu.memory_space<hbm>> -> memref<1x1x128xi32, #tpu.memory_space<hbm>>
      %dma_start3A_175 = tpu.memref_squeeze %dma_start3A_174 : memref<1x1x128xi32, #tpu.memory_space<hbm>> -> memref<128xi32, #tpu.memory_space<hbm>>
      %dma_start3A_176 = arith.constant 0 : i32
      %dma_start3A_177 = tpu.memref_slice %arg5[%run_scoped3A_35, %dma_start3A_176] : memref<4x128xi32, #tpu.memory_space<vmem>> -> memref<1x128xi32, #tpu.memory_space<vmem>>
      %dma_start3A_178 = tpu.memref_squeeze %dma_start3A_177 : memref<1x128xi32, #tpu.memory_space<vmem>> -> memref<128xi32, #tpu.memory_space<vmem>>
      %dma_start3A_179 = tpu.memref_slice %arg3[%select_n3A, %run_scoped3A_34, %select_n3A_32] : memref<2x8x2048xi32, #tpu.memory_space<hbm>> -> memref<1x1x128xi32, #tpu.memory_space<hbm>>
      %dma_start3A_180 = tpu.memref_squeeze %dma_start3A_179 : memref<1x1x128xi32, #tpu.memory_space<hbm>> -> memref<128xi32, #tpu.memory_space<hbm>>
      tpu.enqueue_dma source(%dma_start3A_180 : memref<128xi32, #tpu.memory_space<hbm>>) target(%dma_start3A_178 : memref<128xi32, #tpu.memory_space<vmem>>) target_semaphore(%run_scoped3A_170 : memref<!tpu.dma_semaphore, #tpu.memory_space<semaphore_mem>>)
      %dma_wait3A_181 = arith.constant 0 : i32
      %dma_wait3A_182 = tpu.memref_slice %arg5[%run_scoped3A_35, %dma_wait3A_181] : memref<4x128xi32, #tpu.memory_space<vmem>> -> memref<1x128xi32, #tpu.memory_space<vmem>>
      %dma_wait3A_183 = tpu.memref_squeeze %dma_wait3A_182 : memref<1x128xi32, #tpu.memory_space<vmem>> -> memref<128xi32, #tpu.memory_space<vmem>>
      %dma_wait3A_184 = tpu.memref_slice %arg3[%select_n3A, %run_scoped3A_34, %select_n3A_32] : memref<2x8x2048xi32, #tpu.memory_space<hbm>> -> memref<1x1x128xi32, #tpu.memory_space<hbm>>
      %dma_wait3A_185 = tpu.memref_squeeze %dma_wait3A_184 : memref<1x1x128xi32, #tpu.memory_space<hbm>> -> memref<128xi32, #tpu.memory_space<hbm>>
      %dma_wait3A_186 = arith.constant 0 : i32
      %dma_wait3A_187 = tpu.memref_slice %arg5[%run_scoped3A_35, %dma_wait3A_186] : memref<4x128xi32, #tpu.memory_space<vmem>> -> memref<1x128xi32, #tpu.memory_space<vmem>>
      %dma_wait3A_188 = tpu.memref_squeeze %dma_wait3A_187 : memref<1x128xi32, #tpu.memory_space<vmem>> -> memref<128xi32, #tpu.memory_space<vmem>>
      %dma_wait3A_189 = tpu.memref_slice %arg3[%select_n3A, %run_scoped3A_34, %select_n3A_32] : memref<2x8x2048xi32, #tpu.memory_space<hbm>> -> memref<1x1x128xi32, #tpu.memory_space<hbm>>
      %dma_wait3A_190 = tpu.memref_squeeze %dma_wait3A_189 : memref<1x1x128xi32, #tpu.memory_space<hbm>> -> memref<128xi32, #tpu.memory_space<hbm>>
      tpu.wait_dma2 semaphore(%run_scoped3A_170 : memref<!tpu.dma_semaphore, #tpu.memory_space<semaphore_mem>>) src(%dma_wait3A_190 : memref<128xi32, #tpu.memory_space<hbm>>) dst(%dma_wait3A_188 : memref<128xi32, #tpu.memory_space<vmem>>)
      tpu.yield
    }) : () -> ()
    %run_scoped3A_36 = arith.constant 2 : i32
    %run_scoped3A_37 = arith.constant 2 : i32
    "tpu.region"() ({
      %run_scoped3A_170 = tpu.sem_alloc : memref<!tpu.dma_semaphore, #tpu.memory_space<semaphore_mem>>
      %dma_start3A_171 = arith.constant 0 : i32
      %dma_start3A_172 = tpu.memref_slice %arg5[%run_scoped3A_37, %dma_start3A_171] : memref<4x128xi32, #tpu.memory_space<vmem>> -> memref<1x128xi32, #tpu.memory_space<vmem>>
      %dma_start3A_173 = tpu.memref_squeeze %dma_start3A_172 : memref<1x128xi32, #tpu.memory_space<vmem>> -> memref<128xi32, #tpu.memory_space<vmem>>
      %dma_start3A_174 = tpu.memref_slice %arg3[%select_n3A, %run_scoped3A_36, %select_n3A_32] : memref<2x8x2048xi32, #tpu.memory_space<hbm>> -> memref<1x1x128xi32, #tpu.memory_space<hbm>>
      %dma_start3A_175 = tpu.memref_squeeze %dma_start3A_174 : memref<1x1x128xi32, #tpu.memory_space<hbm>> -> memref<128xi32, #tpu.memory_space<hbm>>
      %dma_start3A_176 = arith.constant 0 : i32
      %dma_start3A_177 = tpu.memref_slice %arg5[%run_scoped3A_37, %dma_start3A_176] : memref<4x128xi32, #tpu.memory_space<vmem>> -> memref<1x128xi32, #tpu.memory_space<vmem>>
      %dma_start3A_178 = tpu.memref_squeeze %dma_start3A_177 : memref<1x128xi32, #tpu.memory_space<vmem>> -> memref<128xi32, #tpu.memory_space<vmem>>
      %dma_start3A_179 = tpu.memref_slice %arg3[%select_n3A, %run_scoped3A_36, %select_n3A_32] : memref<2x8x2048xi32, #tpu.memory_space<hbm>> -> memref<1x1x128xi32, #tpu.memory_space<hbm>>
      %dma_start3A_180 = tpu.memref_squeeze %dma_start3A_179 : memref<1x1x128xi32, #tpu.memory_space<hbm>> -> memref<128xi32, #tpu.memory_space<hbm>>
      tpu.enqueue_dma source(%dma_start3A_180 : memref<128xi32, #tpu.memory_space<hbm>>) target(%dma_start3A_178 : memref<128xi32, #tpu.memory_space<vmem>>) target_semaphore(%run_scoped3A_170 : memref<!tpu.dma_semaphore, #tpu.memory_space<semaphore_mem>>)
      %dma_wait3A_181 = arith.constant 0 : i32
      %dma_wait3A_182 = tpu.memref_slice %arg5[%run_scoped3A_37, %dma_wait3A_181] : memref<4x128xi32, #tpu.memory_space<vmem>> -> memref<1x128xi32, #tpu.memory_space<vmem>>
      %dma_wait3A_183 = tpu.memref_squeeze %dma_wait3A_182 : memref<1x128xi32, #tpu.memory_space<vmem>> -> memref<128xi32, #tpu.memory_space<vmem>>
      %dma_wait3A_184 = tpu.memref_slice %arg3[%select_n3A, %run_scoped3A_36, %select_n3A_32] : memref<2x8x2048xi32, #tpu.memory_space<hbm>> -> memref<1x1x128xi32, #tpu.memory_space<hbm>>
      %dma_wait3A_185 = tpu.memref_squeeze %dma_wait3A_184 : memref<1x1x128xi32, #tpu.memory_space<hbm>> -> memref<128xi32, #tpu.memory_space<hbm>>
      %dma_wait3A_186 = arith.constant 0 : i32
      %dma_wait3A_187 = tpu.memref_slice %arg5[%run_scoped3A_37, %dma_wait3A_186] : memref<4x128xi32, #tpu.memory_space<vmem>> -> memref<1x128xi32, #tpu.memory_space<vmem>>
      %dma_wait3A_188 = tpu.memref_squeeze %dma_wait3A_187 : memref<1x128xi32, #tpu.memory_space<vmem>> -> memref<128xi32, #tpu.memory_space<vmem>>
      %dma_wait3A_189 = tpu.memref_slice %arg3[%select_n3A, %run_scoped3A_36, %select_n3A_32] : memref<2x8x2048xi32, #tpu.memory_space<hbm>> -> memref<1x1x128xi32, #tpu.memory_space<hbm>>
      %dma_wait3A_190 = tpu.memref_squeeze %dma_wait3A_189 : memref<1x1x128xi32, #tpu.memory_space<hbm>> -> memref<128xi32, #tpu.memory_space<hbm>>
      tpu.wait_dma2 semaphore(%run_scoped3A_170 : memref<!tpu.dma_semaphore, #tpu.memory_space<semaphore_mem>>) src(%dma_wait3A_190 : memref<128xi32, #tpu.memory_space<hbm>>) dst(%dma_wait3A_188 : memref<128xi32, #tpu.memory_space<vmem>>)
      tpu.yield
    }) : () -> ()
    %run_scoped3A_38 = arith.constant 3 : i32
    %run_scoped3A_39 = arith.constant 3 : i32
    "tpu.region"() ({
      %run_scoped3A_170 = tpu.sem_alloc : memref<!tpu.dma_semaphore, #tpu.memory_space<semaphore_mem>>
      %dma_start3A_171 = arith.constant 0 : i32
      %dma_start3A_172 = tpu.memref_slice %arg5[%run_scoped3A_39, %dma_start3A_171] : memref<4x128xi32, #tpu.memory_space<vmem>> -> memref<1x128xi32, #tpu.memory_space<vmem>>
      %dma_start3A_173 = tpu.memref_squeeze %dma_start3A_172 : memref<1x128xi32, #tpu.memory_space<vmem>> -> memref<128xi32, #tpu.memory_space<vmem>>
      %dma_start3A_174 = tpu.memref_slice %arg3[%select_n3A, %run_scoped3A_38, %select_n3A_32] : memref<2x8x2048xi32, #tpu.memory_space<hbm>> -> memref<1x1x128xi32, #tpu.memory_space<hbm>>
      %dma_start3A_175 = tpu.memref_squeeze %dma_start3A_174 : memref<1x1x128xi32, #tpu.memory_space<hbm>> -> memref<128xi32, #tpu.memory_space<hbm>>
      %dma_start3A_176 = arith.constant 0 : i32
      %dma_start3A_177 = tpu.memref_slice %arg5[%run_scoped3A_39, %dma_start3A_176] : memref<4x128xi32, #tpu.memory_space<vmem>> -> memref<1x128xi32, #tpu.memory_space<vmem>>
      %dma_start3A_178 = tpu.memref_squeeze %dma_start3A_177 : memref<1x128xi32, #tpu.memory_space<vmem>> -> memref<128xi32, #tpu.memory_space<vmem>>
      %dma_start3A_179 = tpu.memref_slice %arg3[%select_n3A, %run_scoped3A_38, %select_n3A_32] : memref<2x8x2048xi32, #tpu.memory_space<hbm>> -> memref<1x1x128xi32, #tpu.memory_space<hbm>>
      %dma_start3A_180 = tpu.memref_squeeze %dma_start3A_179 : memref<1x1x128xi32, #tpu.memory_space<hbm>> -> memref<128xi32, #tpu.memory_space<hbm>>
      tpu.enqueue_dma source(%dma_start3A_180 : memref<128xi32, #tpu.memory_space<hbm>>) target(%dma_start3A_178 : memref<128xi32, #tpu.memory_space<vmem>>) target_semaphore(%run_scoped3A_170 : memref<!tpu.dma_semaphore, #tpu.memory_space<semaphore_mem>>)
      %dma_wait3A_181 = arith.constant 0 : i32
      %dma_wait3A_182 = tpu.memref_slice %arg5[%run_scoped3A_39, %dma_wait3A_181] : memref<4x128xi32, #tpu.memory_space<vmem>> -> memref<1x128xi32, #tpu.memory_space<vmem>>
      %dma_wait3A_183 = tpu.memref_squeeze %dma_wait3A_182 : memref<1x128xi32, #tpu.memory_space<vmem>> -> memref<128xi32, #tpu.memory_space<vmem>>
      %dma_wait3A_184 = tpu.memref_slice %arg3[%select_n3A, %run_scoped3A_38, %select_n3A_32] : memref<2x8x2048xi32, #tpu.memory_space<hbm>> -> memref<1x1x128xi32, #tpu.memory_space<hbm>>
      %dma_wait3A_185 = tpu.memref_squeeze %dma_wait3A_184 : memref<1x1x128xi32, #tpu.memory_space<hbm>> -> memref<128xi32, #tpu.memory_space<hbm>>
      %dma_wait3A_186 = arith.constant 0 : i32
      %dma_wait3A_187 = tpu.memref_slice %arg5[%run_scoped3A_39, %dma_wait3A_186] : memref<4x128xi32, #tpu.memory_space<vmem>> -> memref<1x128xi32, #tpu.memory_space<vmem>>
      %dma_wait3A_188 = tpu.memref_squeeze %dma_wait3A_187 : memref<1x128xi32, #tpu.memory_space<vmem>> -> memref<128xi32, #tpu.memory_space<vmem>>
      %dma_wait3A_189 = tpu.memref_slice %arg3[%select_n3A, %run_scoped3A_38, %select_n3A_32] : memref<2x8x2048xi32, #tpu.memory_space<hbm>> -> memref<1x1x128xi32, #tpu.memory_space<hbm>>
      %dma_wait3A_190 = tpu.memref_squeeze %dma_wait3A_189 : memref<1x1x128xi32, #tpu.memory_space<hbm>> -> memref<128xi32, #tpu.memory_space<hbm>>
      tpu.wait_dma2 semaphore(%run_scoped3A_170 : memref<!tpu.dma_semaphore, #tpu.memory_space<semaphore_mem>>) src(%dma_wait3A_190 : memref<128xi32, #tpu.memory_space<hbm>>) dst(%dma_wait3A_188 : memref<128xi32, #tpu.memory_space<vmem>>)
      tpu.yield
    }) : () -> ()
    %broadcast_in_dim3A = arith.constant 1.000000e+00 : f32
    %broadcast_in_dim3A_40 = vector.broadcast %broadcast_in_dim3A : f32 to vector<16xf32>
    %broadcast_in_dim3A_41 = arith.constant 0.000000e+00 : f32
    %broadcast_in_dim3A_42 = vector.broadcast %broadcast_in_dim3A_41 : f32 to vector<16xf32>
    %dma_start3A = arith.constant 0 : i32
    %dma_start3A_43 = arith.constant 0 : i32
    %dma_start3A_44 = tpu.memref_slice %arg5[%dma_start3A, %dma_start3A_43] : memref<4x128xi32, #tpu.memory_space<vmem>> -> memref<1x64xi32, #tpu.memory_space<vmem>>
    %dma_start3A_45 = tpu.memref_squeeze %dma_start3A_44 : memref<1x64xi32, #tpu.memory_space<vmem>> -> memref<64xi32, #tpu.memory_space<vmem>>
    %dma_start3A_46 = arith.constant 0 : i32
    %dma_start3A_47 = arith.constant 0 : i32
    %dma_start3A_48 = tpu.memref_slice %arg2[%dma_start3A_46, %dma_start3A_47] : memref<4200x384xf32, #tpu.memory_space<hbm>> -> memref<4200x384xf32, #tpu.memory_space<hbm>>
    tpu.enqueue_indirect_dma source(%dma_start3A_48 : memref<4200x384xf32, #tpu.memory_space<hbm>>) target(%arg6 : memref<64x384xf32, #tpu.memory_space<vmem>>) offsets(%dma_start3A_45 : memref<64xi32, #tpu.memory_space<vmem>>) semaphore(%arg10 : memref<!tpu.dma_semaphore, #tpu.memory_space<semaphore_mem>>)
    %dma_start3A_49 = arith.constant 1 : i32
    %dma_start3A_50 = arith.constant 0 : i32
    %dma_start3A_51 = tpu.memref_slice %arg5[%dma_start3A_49, %dma_start3A_50] : memref<4x128xi32, #tpu.memory_space<vmem>> -> memref<1x64xi32, #tpu.memory_space<vmem>>
    %dma_start3A_52 = tpu.memref_squeeze %dma_start3A_51 : memref<1x64xi32, #tpu.memory_space<vmem>> -> memref<64xi32, #tpu.memory_space<vmem>>
    %dma_start3A_53 = arith.constant 0 : i32
    %dma_start3A_54 = arith.constant 0 : i32
    %dma_start3A_55 = tpu.memref_slice %arg2[%dma_start3A_53, %dma_start3A_54] : memref<4200x384xf32, #tpu.memory_space<hbm>> -> memref<4200x384xf32, #tpu.memory_space<hbm>>
    tpu.enqueue_indirect_dma source(%dma_start3A_55 : memref<4200x384xf32, #tpu.memory_space<hbm>>) target(%arg7 : memref<64x384xf32, #tpu.memory_space<vmem>>) offsets(%dma_start3A_52 : memref<64xi32, #tpu.memory_space<vmem>>) semaphore(%arg10 : memref<!tpu.dma_semaphore, #tpu.memory_space<semaphore_mem>>)
    %dma_start3A_56 = arith.constant 2 : i32
    %dma_start3A_57 = arith.constant 0 : i32
    %dma_start3A_58 = tpu.memref_slice %arg5[%dma_start3A_56, %dma_start3A_57] : memref<4x128xi32, #tpu.memory_space<vmem>> -> memref<1x64xi32, #tpu.memory_space<vmem>>
    %dma_start3A_59 = tpu.memref_squeeze %dma_start3A_58 : memref<1x64xi32, #tpu.memory_space<vmem>> -> memref<64xi32, #tpu.memory_space<vmem>>
    %dma_start3A_60 = arith.constant 0 : i32
    %dma_start3A_61 = arith.constant 0 : i32
    %dma_start3A_62 = tpu.memref_slice %arg2[%dma_start3A_60, %dma_start3A_61] : memref<4200x384xf32, #tpu.memory_space<hbm>> -> memref<4200x384xf32, #tpu.memory_space<hbm>>
    tpu.enqueue_indirect_dma source(%dma_start3A_62 : memref<4200x384xf32, #tpu.memory_space<hbm>>) target(%arg8 : memref<64x384xf32, #tpu.memory_space<vmem>>) offsets(%dma_start3A_59 : memref<64xi32, #tpu.memory_space<vmem>>) semaphore(%arg10 : memref<!tpu.dma_semaphore, #tpu.memory_space<semaphore_mem>>)
    %dma_start3A_63 = arith.constant 3 : i32
    %dma_start3A_64 = arith.constant 0 : i32
    %dma_start3A_65 = tpu.memref_slice %arg5[%dma_start3A_63, %dma_start3A_64] : memref<4x128xi32, #tpu.memory_space<vmem>> -> memref<1x64xi32, #tpu.memory_space<vmem>>
    %dma_start3A_66 = tpu.memref_squeeze %dma_start3A_65 : memref<1x64xi32, #tpu.memory_space<vmem>> -> memref<64xi32, #tpu.memory_space<vmem>>
    %dma_start3A_67 = arith.constant 0 : i32
    %dma_start3A_68 = arith.constant 0 : i32
    %dma_start3A_69 = tpu.memref_slice %arg2[%dma_start3A_67, %dma_start3A_68] : memref<4200x384xf32, #tpu.memory_space<hbm>> -> memref<4200x384xf32, #tpu.memory_space<hbm>>
    tpu.enqueue_indirect_dma source(%dma_start3A_69 : memref<4200x384xf32, #tpu.memory_space<hbm>>) target(%arg9 : memref<64x384xf32, #tpu.memory_space<vmem>>) offsets(%dma_start3A_66 : memref<64xi32, #tpu.memory_space<vmem>>) semaphore(%arg10 : memref<!tpu.dma_semaphore, #tpu.memory_space<semaphore_mem>>)
    %dma_wait3A = arith.constant 0 : i32
    %dma_wait3A_70 = arith.constant 0 : i32
    %dma_wait3A_71 = tpu.memref_slice %arg5[%dma_wait3A, %dma_wait3A_70] : memref<4x128xi32, #tpu.memory_space<vmem>> -> memref<1x64xi32, #tpu.memory_space<vmem>>
    %dma_wait3A_72 = tpu.memref_squeeze %dma_wait3A_71 : memref<1x64xi32, #tpu.memory_space<vmem>> -> memref<64xi32, #tpu.memory_space<vmem>>
    %dma_wait3A_73 = arith.constant 0 : i32
    %dma_wait3A_74 = arith.constant 0 : i32
    %dma_wait3A_75 = tpu.memref_slice %arg2[%dma_wait3A_73, %dma_wait3A_74] : memref<4200x384xf32, #tpu.memory_space<hbm>> -> memref<4200x384xf32, #tpu.memory_space<hbm>>
    tpu.wait_indirect_dma semaphore(%arg10 : memref<!tpu.dma_semaphore, #tpu.memory_space<semaphore_mem>>) src(%dma_wait3A_75 : memref<4200x384xf32, #tpu.memory_space<hbm>>) dst(%arg6 : memref<64x384xf32, #tpu.memory_space<vmem>>)
    %dma_wait3A_76 = arith.constant 1 : i32
    %dma_wait3A_77 = arith.constant 0 : i32
    %dma_wait3A_78 = tpu.memref_slice %arg5[%dma_wait3A_76, %dma_wait3A_77] : memref<4x128xi32, #tpu.memory_space<vmem>> -> memref<1x64xi32, #tpu.memory_space<vmem>>
    %dma_wait3A_79 = tpu.memref_squeeze %dma_wait3A_78 : memref<1x64xi32, #tpu.memory_space<vmem>> -> memref<64xi32, #tpu.memory_space<vmem>>
    %dma_wait3A_80 = arith.constant 0 : i32
    %dma_wait3A_81 = arith.constant 0 : i32
    %dma_wait3A_82 = tpu.memref_slice %arg2[%dma_wait3A_80, %dma_wait3A_81] : memref<4200x384xf32, #tpu.memory_space<hbm>> -> memref<4200x384xf32, #tpu.memory_space<hbm>>
    tpu.wait_indirect_dma semaphore(%arg10 : memref<!tpu.dma_semaphore, #tpu.memory_space<semaphore_mem>>) src(%dma_wait3A_82 : memref<4200x384xf32, #tpu.memory_space<hbm>>) dst(%arg7 : memref<64x384xf32, #tpu.memory_space<vmem>>)
    %dma_wait3A_83 = arith.constant 2 : i32
    %dma_wait3A_84 = arith.constant 0 : i32
    %dma_wait3A_85 = tpu.memref_slice %arg5[%dma_wait3A_83, %dma_wait3A_84] : memref<4x128xi32, #tpu.memory_space<vmem>> -> memref<1x64xi32, #tpu.memory_space<vmem>>
    %dma_wait3A_86 = tpu.memref_squeeze %dma_wait3A_85 : memref<1x64xi32, #tpu.memory_space<vmem>> -> memref<64xi32, #tpu.memory_space<vmem>>
    %dma_wait3A_87 = arith.constant 0 : i32
    %dma_wait3A_88 = arith.constant 0 : i32
    %dma_wait3A_89 = tpu.memref_slice %arg2[%dma_wait3A_87, %dma_wait3A_88] : memref<4200x384xf32, #tpu.memory_space<hbm>> -> memref<4200x384xf32, #tpu.memory_space<hbm>>
    tpu.wait_indirect_dma semaphore(%arg10 : memref<!tpu.dma_semaphore, #tpu.memory_space<semaphore_mem>>) src(%dma_wait3A_89 : memref<4200x384xf32, #tpu.memory_space<hbm>>) dst(%arg8 : memref<64x384xf32, #tpu.memory_space<vmem>>)
    %dma_wait3A_90 = arith.constant 3 : i32
    %dma_wait3A_91 = arith.constant 0 : i32
    %dma_wait3A_92 = tpu.memref_slice %arg5[%dma_wait3A_90, %dma_wait3A_91] : memref<4x128xi32, #tpu.memory_space<vmem>> -> memref<1x64xi32, #tpu.memory_space<vmem>>
    %dma_wait3A_93 = tpu.memref_squeeze %dma_wait3A_92 : memref<1x64xi32, #tpu.memory_space<vmem>> -> memref<64xi32, #tpu.memory_space<vmem>>
    %dma_wait3A_94 = arith.constant 0 : i32
    %dma_wait3A_95 = arith.constant 0 : i32
    %dma_wait3A_96 = tpu.memref_slice %arg2[%dma_wait3A_94, %dma_wait3A_95] : memref<4200x384xf32, #tpu.memory_space<hbm>> -> memref<4200x384xf32, #tpu.memory_space<hbm>>
    tpu.wait_indirect_dma semaphore(%arg10 : memref<!tpu.dma_semaphore, #tpu.memory_space<semaphore_mem>>) src(%dma_wait3A_96 : memref<4200x384xf32, #tpu.memory_space<hbm>>) dst(%arg9 : memref<64x384xf32, #tpu.memory_space<vmem>>)
    %scan3A = arith.constant 0 : i32
    %scan3A_97 = arith.constant 0 : i32
    %scan3A_98 = arith.constant 64 : i32
    %scan3A_99 = arith.addi %scan3A_97, %scan3A_98 : i32
    %scan3A_100 = arith.constant 1 : i32
    %scan3A_101 = scf.for %scan3A_170 = %scan3A_97 to %scan3A_99 step %scan3A_100 iter_args(%scan3A_171 = %scan3A) -> (i32)  : i32 {
      %get3A = arith.index_cast %scan3A_170 : i32 to index
      %get3A_172 = arith.constant 0 : index
      %get3A_173 = tpu.vector_load %arg6[%get3A, %get3A_172] {strides = array<i32>} : memref<64x384xf32, #tpu.memory_space<vmem>>, vector<1x16xf32>,
      %get3A_174 = vector.shape_cast %get3A_173 : vector<1x16xf32> to vector<16xf32>
      %get3A_175 = arith.index_cast %scan3A_170 : i32 to index
      %get3A_176 = arith.constant 0 : index
      %get3A_177 = tpu.vector_load %arg7[%get3A_175, %get3A_176] {strides = array<i32>} : memref<64x384xf32, #tpu.memory_space<vmem>>, vector<1x16xf32>,
      %get3A_178 = vector.shape_cast %get3A_177 : vector<1x16xf32> to vector<16xf32>
      %add3A_179 = arith.addf %get3A_174, %get3A_178 : vector<16xf32>
      %get3A_180 = arith.index_cast %scan3A_170 : i32 to index
      %get3A_181 = arith.constant 0 : index
      %get3A_182 = tpu.vector_load %arg8[%get3A_180, %get3A_181] {strides = array<i32>} : memref<64x384xf32, #tpu.memory_space<vmem>>, vector<1x16xf32>,
      %get3A_183 = vector.shape_cast %get3A_182 : vector<1x16xf32> to vector<16xf32>
      %get3A_184 = arith.index_cast %scan3A_170 : i32 to index
      %get3A_185 = arith.constant 0 : index
      %get3A_186 = tpu.vector_load %arg9[%get3A_184, %get3A_185] {strides = array<i32>} : memref<64x384xf32, #tpu.memory_space<vmem>>, vector<1x16xf32>,
      %get3A_187 = vector.shape_cast %get3A_186 : vector<1x16xf32> to vector<16xf32>
      %add3A_188 = arith.addf %get3A_183, %get3A_187 : vector<16xf32>
      %add3A_189 = arith.addf %add3A_179, %add3A_188 : vector<16xf32>
      %gt3A = arith.constant 0.000000e+00 : f32
      %gt3A_190 = vector.broadcast %gt3A : f32 to vector<16xf32>
      %gt3A_191 = arith.cmpf ogt, %add3A_189, %gt3A_190 : vector<16xf32>
      %select_n3A_192 = arith.select %gt3A_191, %broadcast_in_dim3A_40, %broadcast_in_dim3A_42 : vector<16xi1>, vector<16xf32>
      %swap3A = arith.index_cast %scan3A_170 : i32 to index
      %swap3A_193 = arith.constant 0 : index
      %swap3A_194 = tpu.vector_load %arg6[%swap3A, %swap3A_193] {strides = array<i32>} : memref<64x384xf32, #tpu.memory_space<vmem>>, vector<1x16xf32>,
      %swap3A_195 = vector.shape_cast %swap3A_194 : vector<1x16xf32> to vector<16xf32>
      %swap3A_196 = vector.shape_cast %select_n3A_192 : vector<16xf32> to vector<1x16xf32>
      tpu.vector_store %arg6[%swap3A, %swap3A_193], %swap3A_196 {strides = array<i32>} : memref<64x384xf32, #tpu.memory_space<vmem>>, vector<1x16xf32>,
      %get3A_197 = arith.index_cast %scan3A_170 : i32 to index
      %get3A_198 = arith.constant 16 : index
      %get3A_199 = tpu.vector_load %arg6[%get3A_197, %get3A_198] {strides = array<i32>} : memref<64x384xf32, #tpu.memory_space<vmem>>, vector<1x16xf32>,
      %get3A_200 = vector.shape_cast %get3A_199 : vector<1x16xf32> to vector<16xf32>
      %get3A_201 = arith.index_cast %scan3A_170 : i32 to index
      %get3A_202 = arith.constant 16 : index
      %get3A_203 = tpu.vector_load %arg7[%get3A_201, %get3A_202] {strides = array<i32>} : memref<64x384xf32, #tpu.memory_space<vmem>>, vector<1x16xf32>,
      %get3A_204 = vector.shape_cast %get3A_203 : vector<1x16xf32> to vector<16xf32>
      %add3A_205 = arith.addf %get3A_200, %get3A_204 : vector<16xf32>
      %get3A_206 = arith.index_cast %scan3A_170 : i32 to index
      %get3A_207 = arith.constant 16 : index
      %get3A_208 = tpu.vector_load %arg8[%get3A_206, %get3A_207] {strides = array<i32>} : memref<64x384xf32, #tpu.memory_space<vmem>>, vector<1x16xf32>,
      %get3A_209 = vector.shape_cast %get3A_208 : vector<1x16xf32> to vector<16xf32>
      %get3A_210 = arith.index_cast %scan3A_170 : i32 to index
      %get3A_211 = arith.constant 16 : index
      %get3A_212 = tpu.vector_load %arg9[%get3A_210, %get3A_211] {strides = array<i32>} : memref<64x384xf32, #tpu.memory_space<vmem>>, vector<1x16xf32>,
      %get3A_213 = vector.shape_cast %get3A_212 : vector<1x16xf32> to vector<16xf32>
      %add3A_214 = arith.addf %get3A_209, %get3A_213 : vector<16xf32>
      %add3A_215 = arith.addf %add3A_205, %add3A_214 : vector<16xf32>
      %gt3A_216 = arith.constant 0.000000e+00 : f32
      %gt3A_217 = vector.broadcast %gt3A_216 : f32 to vector<16xf32>
      %gt3A_218 = arith.cmpf ogt, %add3A_215, %gt3A_217 : vector<16xf32>
      %select_n3A_219 = arith.select %gt3A_218, %broadcast_in_dim3A_40, %broadcast_in_dim3A_42 : vector<16xi1>, vector<16xf32>
      %swap3A_220 = arith.index_cast %scan3A_170 : i32 to index
      %swap3A_221 = arith.constant 16 : index
      %swap3A_222 = tpu.vector_load %arg6[%swap3A_220, %swap3A_221] {strides = array<i32>} : memref<64x384xf32, #tpu.memory_space<vmem>>, vector<1x16xf32>,
      %swap3A_223 = vector.shape_cast %swap3A_222 : vector<1x16xf32> to vector<16xf32>
      %swap3A_224 = vector.shape_cast %select_n3A_219 : vector<16xf32> to vector<1x16xf32>
      tpu.vector_store %arg6[%swap3A_220, %swap3A_221], %swap3A_224 {strides = array<i32>} : memref<64x384xf32, #tpu.memory_space<vmem>>, vector<1x16xf32>,
      %get3A_225 = arith.index_cast %scan3A_170 : i32 to index
      %get3A_226 = arith.constant 32 : index
      %get3A_227 = tpu.vector_load %arg6[%get3A_225, %get3A_226] {strides = array<i32>} : memref<64x384xf32, #tpu.memory_space<vmem>>, vector<1x16xf32>,
      %get3A_228 = vector.shape_cast %get3A_227 : vector<1x16xf32> to vector<16xf32>
      %get3A_229 = arith.index_cast %scan3A_170 : i32 to index
      %get3A_230 = arith.constant 32 : index
      %get3A_231 = tpu.vector_load %arg7[%get3A_229, %get3A_230] {strides = array<i32>} : memref<64x384xf32, #tpu.memory_space<vmem>>, vector<1x16xf32>,
      %get3A_232 = vector.shape_cast %get3A_231 : vector<1x16xf32> to vector<16xf32>
      %add3A_233 = arith.addf %get3A_228, %get3A_232 : vector<16xf32>
      %get3A_234 = arith.index_cast %scan3A_170 : i32 to index
      %get3A_235 = arith.constant 32 : index
      %get3A_236 = tpu.vector_load %arg8[%get3A_234, %get3A_235] {strides = array<i32>} : memref<64x384xf32, #tpu.memory_space<vmem>>, vector<1x16xf32>,
      %get3A_237 = vector.shape_cast %get3A_236 : vector<1x16xf32> to vector<16xf32>
      %get3A_238 = arith.index_cast %scan3A_170 : i32 to index
      %get3A_239 = arith.constant 32 : index
      %get3A_240 = tpu.vector_load %arg9[%get3A_238, %get3A_239] {strides = array<i32>} : memref<64x384xf32, #tpu.memory_space<vmem>>, vector<1x16xf32>,
      %get3A_241 = vector.shape_cast %get3A_240 : vector<1x16xf32> to vector<16xf32>
      %add3A_242 = arith.addf %get3A_237, %get3A_241 : vector<16xf32>
      %add3A_243 = arith.addf %add3A_233, %add3A_242 : vector<16xf32>
      %gt3A_244 = arith.constant 0.000000e+00 : f32
      %gt3A_245 = vector.broadcast %gt3A_244 : f32 to vector<16xf32>
      %gt3A_246 = arith.cmpf ogt, %add3A_243, %gt3A_245 : vector<16xf32>
      %select_n3A_247 = arith.select %gt3A_246, %broadcast_in_dim3A_40, %broadcast_in_dim3A_42 : vector<16xi1>, vector<16xf32>
      %swap3A_248 = arith.index_cast %scan3A_170 : i32 to index
      %swap3A_249 = arith.constant 32 : index
      %swap3A_250 = tpu.vector_load %arg6[%swap3A_248, %swap3A_249] {strides = array<i32>} : memref<64x384xf32, #tpu.memory_space<vmem>>, vector<1x16xf32>,
      %swap3A_251 = vector.shape_cast %swap3A_250 : vector<1x16xf32> to vector<16xf32>
      %swap3A_252 = vector.shape_cast %select_n3A_247 : vector<16xf32> to vector<1x16xf32>
      tpu.vector_store %arg6[%swap3A_248, %swap3A_249], %swap3A_252 {strides = array<i32>} : memref<64x384xf32, #tpu.memory_space<vmem>>, vector<1x16xf32>,
      %get3A_253 = arith.index_cast %scan3A_170 : i32 to index
      %get3A_254 = arith.constant 48 : index
      %get3A_255 = tpu.vector_load %arg6[%get3A_253, %get3A_254] {strides = array<i32>} : memref<64x384xf32, #tpu.memory_space<vmem>>, vector<1x16xf32>,
      %get3A_256 = vector.shape_cast %get3A_255 : vector<1x16xf32> to vector<16xf32>
      %get3A_257 = arith.index_cast %scan3A_170 : i32 to index
      %get3A_258 = arith.constant 48 : index
      %get3A_259 = tpu.vector_load %arg7[%get3A_257, %get3A_258] {strides = array<i32>} : memref<64x384xf32, #tpu.memory_space<vmem>>, vector<1x16xf32>,
      %get3A_260 = vector.shape_cast %get3A_259 : vector<1x16xf32> to vector<16xf32>
      %add3A_261 = arith.addf %get3A_256, %get3A_260 : vector<16xf32>
      %get3A_262 = arith.index_cast %scan3A_170 : i32 to index
      %get3A_263 = arith.constant 48 : index
      %get3A_264 = tpu.vector_load %arg8[%get3A_262, %get3A_263] {strides = array<i32>} : memref<64x384xf32, #tpu.memory_space<vmem>>, vector<1x16xf32>,
      %get3A_265 = vector.shape_cast %get3A_264 : vector<1x16xf32> to vector<16xf32>
      %get3A_266 = arith.index_cast %scan3A_170 : i32 to index
      %get3A_267 = arith.constant 48 : index
      %get3A_268 = tpu.vector_load %arg9[%get3A_266, %get3A_267] {strides = array<i32>} : memref<64x384xf32, #tpu.memory_space<vmem>>, vector<1x16xf32>,
      %get3A_269 = vector.shape_cast %get3A_268 : vector<1x16xf32> to vector<16xf32>
      %add3A_270 = arith.addf %get3A_265, %get3A_269 : vector<16xf32>
      %add3A_271 = arith.addf %add3A_261, %add3A_270 : vector<16xf32>
      %gt3A_272 = arith.constant 0.000000e+00 : f32
      %gt3A_273 = vector.broadcast %gt3A_272 : f32 to vector<16xf32>
      %gt3A_274 = arith.cmpf ogt, %add3A_271, %gt3A_273 : vector<16xf32>
      %select_n3A_275 = arith.select %gt3A_274, %broadcast_in_dim3A_40, %broadcast_in_dim3A_42 : vector<16xi1>, vector<16xf32>
      %swap3A_276 = arith.index_cast %scan3A_170 : i32 to index
      %swap3A_277 = arith.constant 48 : index
      %swap3A_278 = tpu.vector_load %arg6[%swap3A_276, %swap3A_277] {strides = array<i32>} : memref<64x384xf32, #tpu.memory_space<vmem>>, vector<1x16xf32>,
      %swap3A_279 = vector.shape_cast %swap3A_278 : vector<1x16xf32> to vector<16xf32>
      %swap3A_280 = vector.shape_cast %select_n3A_275 : vector<16xf32> to vector<1x16xf32>
      tpu.vector_store %arg6[%swap3A_276, %swap3A_277], %swap3A_280 {strides = array<i32>} : memref<64x384xf32, #tpu.memory_space<vmem>>, vector<1x16xf32>,
      %get3A_281 = arith.index_cast %scan3A_170 : i32 to index
      %get3A_282 = arith.constant 64 : index
      %get3A_283 = tpu.vector_load %arg6[%get3A_281, %get3A_282] {strides = array<i32>} : memref<64x384xf32, #tpu.memory_space<vmem>>, vector<1x16xf32>,
      %get3A_284 = vector.shape_cast %get3A_283 : vector<1x16xf32> to vector<16xf32>
      %get3A_285 = arith.index_cast %scan3A_170 : i32 to index
      %get3A_286 = arith.constant 64 : index
      %get3A_287 = tpu.vector_load %arg7[%get3A_285, %get3A_286] {strides = array<i32>} : memref<64x384xf32, #tpu.memory_space<vmem>>, vector<1x16xf32>,
      %get3A_288 = vector.shape_cast %get3A_287 : vector<1x16xf32> to vector<16xf32>
      %add3A_289 = arith.addf %get3A_284, %get3A_288 : vector<16xf32>
      %get3A_290 = arith.index_cast %scan3A_170 : i32 to index
      %get3A_291 = arith.constant 64 : index
      %get3A_292 = tpu.vector_load %arg8[%get3A_290, %get3A_291] {strides = array<i32>} : memref<64x384xf32, #tpu.memory_space<vmem>>, vector<1x16xf32>,
      %get3A_293 = vector.shape_cast %get3A_292 : vector<1x16xf32> to vector<16xf32>
      %get3A_294 = arith.index_cast %scan3A_170 : i32 to index
      %get3A_295 = arith.constant 64 : index
      %get3A_296 = tpu.vector_load %arg9[%get3A_294, %get3A_295] {strides = array<i32>} : memref<64x384xf32, #tpu.memory_space<vmem>>, vector<1x16xf32>,
      %get3A_297 = vector.shape_cast %get3A_296 : vector<1x16xf32> to vector<16xf32>
      %add3A_298 = arith.addf %get3A_293, %get3A_297 : vector<16xf32>
      %add3A_299 = arith.addf %add3A_289, %add3A_298 : vector<16xf32>
      %gt3A_300 = arith.constant 0.000000e+00 : f32
      %gt3A_301 = vector.broadcast %gt3A_300 : f32 to vector<16xf32>
      %gt3A_302 = arith.cmpf ogt, %add3A_299, %gt3A_301 : vector<16xf32>
      %select_n3A_303 = arith.select %gt3A_302, %broadcast_in_dim3A_40, %broadcast_in_dim3A_42 : vector<16xi1>, vector<16xf32>
      %swap3A_304 = arith.index_cast %scan3A_170 : i32 to index
      %swap3A_305 = arith.constant 64 : index
      %swap3A_306 = tpu.vector_load %arg6[%swap3A_304, %swap3A_305] {strides = array<i32>} : memref<64x384xf32, #tpu.memory_space<vmem>>, vector<1x16xf32>,
      %swap3A_307 = vector.shape_cast %swap3A_306 : vector<1x16xf32> to vector<16xf32>
      %swap3A_308 = vector.shape_cast %select_n3A_303 : vector<16xf32> to vector<1x16xf32>
      tpu.vector_store %arg6[%swap3A_304, %swap3A_305], %swap3A_308 {strides = array<i32>} : memref<64x384xf32, #tpu.memory_space<vmem>>, vector<1x16xf32>,
      %get3A_309 = arith.index_cast %scan3A_170 : i32 to index
      %get3A_310 = arith.constant 80 : index
      %get3A_311 = tpu.vector_load %arg6[%get3A_309, %get3A_310] {strides = array<i32>} : memref<64x384xf32, #tpu.memory_space<vmem>>, vector<1x16xf32>,
      %get3A_312 = vector.shape_cast %get3A_311 : vector<1x16xf32> to vector<16xf32>
      %get3A_313 = arith.index_cast %scan3A_170 : i32 to index
      %get3A_314 = arith.constant 80 : index
      %get3A_315 = tpu.vector_load %arg7[%get3A_313, %get3A_314] {strides = array<i32>} : memref<64x384xf32, #tpu.memory_space<vmem>>, vector<1x16xf32>,
      %get3A_316 = vector.shape_cast %get3A_315 : vector<1x16xf32> to vector<16xf32>
      %add3A_317 = arith.addf %get3A_312, %get3A_316 : vector<16xf32>
      %get3A_318 = arith.index_cast %scan3A_170 : i32 to index
      %get3A_319 = arith.constant 80 : index
      %get3A_320 = tpu.vector_load %arg8[%get3A_318, %get3A_319] {strides = array<i32>} : memref<64x384xf32, #tpu.memory_space<vmem>>, vector<1x16xf32>,
      %get3A_321 = vector.shape_cast %get3A_320 : vector<1x16xf32> to vector<16xf32>
      %get3A_322 = arith.index_cast %scan3A_170 : i32 to index
      %get3A_323 = arith.constant 80 : index
      %get3A_324 = tpu.vector_load %arg9[%get3A_322, %get3A_323] {strides = array<i32>} : memref<64x384xf32, #tpu.memory_space<vmem>>, vector<1x16xf32>,
      %get3A_325 = vector.shape_cast %get3A_324 : vector<1x16xf32> to vector<16xf32>
      %add3A_326 = arith.addf %get3A_321, %get3A_325 : vector<16xf32>
      %add3A_327 = arith.addf %add3A_317, %add3A_326 : vector<16xf32>
      %gt3A_328 = arith.constant 0.000000e+00 : f32
      %gt3A_329 = vector.broadcast %gt3A_328 : f32 to vector<16xf32>
      %gt3A_330 = arith.cmpf ogt, %add3A_327, %gt3A_329 : vector<16xf32>
      %select_n3A_331 = arith.select %gt3A_330, %broadcast_in_dim3A_40, %broadcast_in_dim3A_42 : vector<16xi1>, vector<16xf32>
      %swap3A_332 = arith.index_cast %scan3A_170 : i32 to index
      %swap3A_333 = arith.constant 80 : index
      %swap3A_334 = tpu.vector_load %arg6[%swap3A_332, %swap3A_333] {strides = array<i32>} : memref<64x384xf32, #tpu.memory_space<vmem>>, vector<1x16xf32>,
      %swap3A_335 = vector.shape_cast %swap3A_334 : vector<1x16xf32> to vector<16xf32>
      %swap3A_336 = vector.shape_cast %select_n3A_331 : vector<16xf32> to vector<1x16xf32>
      tpu.vector_store %arg6[%swap3A_332, %swap3A_333], %swap3A_336 {strides = array<i32>} : memref<64x384xf32, #tpu.memory_space<vmem>>, vector<1x16xf32>,
      %get3A_337 = arith.index_cast %scan3A_170 : i32 to index
      %get3A_338 = arith.constant 96 : index
      %get3A_339 = tpu.vector_load %arg6[%get3A_337, %get3A_338] {strides = array<i32>} : memref<64x384xf32, #tpu.memory_space<vmem>>, vector<1x16xf32>,
      %get3A_340 = vector.shape_cast %get3A_339 : vector<1x16xf32> to vector<16xf32>
      %get3A_341 = arith.index_cast %scan3A_170 : i32 to index
      %get3A_342 = arith.constant 96 : index
      %get3A_343 = tpu.vector_load %arg7[%get3A_341, %get3A_342] {strides = array<i32>} : memref<64x384xf32, #tpu.memory_space<vmem>>, vector<1x16xf32>,
      %get3A_344 = vector.shape_cast %get3A_343 : vector<1x16xf32> to vector<16xf32>
      %add3A_345 = arith.addf %get3A_340, %get3A_344 : vector<16xf32>
      %get3A_346 = arith.index_cast %scan3A_170 : i32 to index
      %get3A_347 = arith.constant 96 : index
      %get3A_348 = tpu.vector_load %arg8[%get3A_346, %get3A_347] {strides = array<i32>} : memref<64x384xf32, #tpu.memory_space<vmem>>, vector<1x16xf32>,
      %get3A_349 = vector.shape_cast %get3A_348 : vector<1x16xf32> to vector<16xf32>
      %get3A_350 = arith.index_cast %scan3A_170 : i32 to index
      %get3A_351 = arith.constant 96 : index
      %get3A_352 = tpu.vector_load %arg9[%get3A_350, %get3A_351] {strides = array<i32>} : memref<64x384xf32, #tpu.memory_space<vmem>>, vector<1x16xf32>,
      %get3A_353 = vector.shape_cast %get3A_352 : vector<1x16xf32> to vector<16xf32>
      %add3A_354 = arith.addf %get3A_349, %get3A_353 : vector<16xf32>
      %add3A_355 = arith.addf %add3A_345, %add3A_354 : vector<16xf32>
      %gt3A_356 = arith.constant 0.000000e+00 : f32
      %gt3A_357 = vector.broadcast %gt3A_356 : f32 to vector<16xf32>
      %gt3A_358 = arith.cmpf ogt, %add3A_355, %gt3A_357 : vector<16xf32>
      %select_n3A_359 = arith.select %gt3A_358, %broadcast_in_dim3A_40, %broadcast_in_dim3A_42 : vector<16xi1>, vector<16xf32>
      %swap3A_360 = arith.index_cast %scan3A_170 : i32 to index
      %swap3A_361 = arith.constant 96 : index
      %swap3A_362 = tpu.vector_load %arg6[%swap3A_360, %swap3A_361] {strides = array<i32>} : memref<64x384xf32, #tpu.memory_space<vmem>>, vector<1x16xf32>,
      %swap3A_363 = vector.shape_cast %swap3A_362 : vector<1x16xf32> to vector<16xf32>
      %swap3A_364 = vector.shape_cast %select_n3A_359 : vector<16xf32> to vector<1x16xf32>
      tpu.vector_store %arg6[%swap3A_360, %swap3A_361], %swap3A_364 {strides = array<i32>} : memref<64x384xf32, #tpu.memory_space<vmem>>, vector<1x16xf32>,
      %get3A_365 = arith.index_cast %scan3A_170 : i32 to index
      %get3A_366 = arith.constant 112 : index
      %get3A_367 = tpu.vector_load %arg6[%get3A_365, %get3A_366] {strides = array<i32>} : memref<64x384xf32, #tpu.memory_space<vmem>>, vector<1x16xf32>,
      %get3A_368 = vector.shape_cast %get3A_367 : vector<1x16xf32> to vector<16xf32>
      %get3A_369 = arith.index_cast %scan3A_170 : i32 to index
      %get3A_370 = arith.constant 112 : index
      %get3A_371 = tpu.vector_load %arg7[%get3A_369, %get3A_370] {strides = array<i32>} : memref<64x384xf32, #tpu.memory_space<vmem>>, vector<1x16xf32>,
      %get3A_372 = vector.shape_cast %get3A_371 : vector<1x16xf32> to vector<16xf32>
      %add3A_373 = arith.addf %get3A_368, %get3A_372 : vector<16xf32>
      %get3A_374 = arith.index_cast %scan3A_170 : i32 to index
      %get3A_375 = arith.constant 112 : index
      %get3A_376 = tpu.vector_load %arg8[%get3A_374, %get3A_375] {strides = array<i32>} : memref<64x384xf32, #tpu.memory_space<vmem>>, vector<1x16xf32>,
      %get3A_377 = vector.shape_cast %get3A_376 : vector<1x16xf32> to vector<16xf32>
      %get3A_378 = arith.index_cast %scan3A_170 : i32 to index
      %get3A_379 = arith.constant 112 : index
      %get3A_380 = tpu.vector_load %arg9[%get3A_378, %get3A_379] {strides = array<i32>} : memref<64x384xf32, #tpu.memory_space<vmem>>, vector<1x16xf32>,
      %get3A_381 = vector.shape_cast %get3A_380 : vector<1x16xf32> to vector<16xf32>
      %add3A_382 = arith.addf %get3A_377, %get3A_381 : vector<16xf32>
      %add3A_383 = arith.addf %add3A_373, %add3A_382 : vector<16xf32>
      %gt3A_384 = arith.constant 0.000000e+00 : f32
      %gt3A_385 = vector.broadcast %gt3A_384 : f32 to vector<16xf32>
      %gt3A_386 = arith.cmpf ogt, %add3A_383, %gt3A_385 : vector<16xf32>
      %select_n3A_387 = arith.select %gt3A_386, %broadcast_in_dim3A_40, %broadcast_in_dim3A_42 : vector<16xi1>, vector<16xf32>
      %swap3A_388 = arith.index_cast %scan3A_170 : i32 to index
      %swap3A_389 = arith.constant 112 : index
      %swap3A_390 = tpu.vector_load %arg6[%swap3A_388, %swap3A_389] {strides = array<i32>} : memref<64x384xf32, #tpu.memory_space<vmem>>, vector<1x16xf32>,
      %swap3A_391 = vector.shape_cast %swap3A_390 : vector<1x16xf32> to vector<16xf32>
      %swap3A_392 = vector.shape_cast %select_n3A_387 : vector<16xf32> to vector<1x16xf32>
      tpu.vector_store %arg6[%swap3A_388, %swap3A_389], %swap3A_392 {strides = array<i32>} : memref<64x384xf32, #tpu.memory_space<vmem>>, vector<1x16xf32>,
      %get3A_393 = arith.index_cast %scan3A_170 : i32 to index
      %get3A_394 = arith.constant 128 : index
      %get3A_395 = tpu.vector_load %arg6[%get3A_393, %get3A_394] {strides = array<i32>} : memref<64x384xf32, #tpu.memory_space<vmem>>, vector<1x16xf32>,
      %get3A_396 = vector.shape_cast %get3A_395 : vector<1x16xf32> to vector<16xf32>
      %get3A_397 = arith.index_cast %scan3A_170 : i32 to index
      %get3A_398 = arith.constant 128 : index
      %get3A_399 = tpu.vector_load %arg7[%get3A_397, %get3A_398] {strides = array<i32>} : memref<64x384xf32, #tpu.memory_space<vmem>>, vector<1x16xf32>,
      %get3A_400 = vector.shape_cast %get3A_399 : vector<1x16xf32> to vector<16xf32>
      %add3A_401 = arith.addf %get3A_396, %get3A_400 : vector<16xf32>
      %get3A_402 = arith.index_cast %scan3A_170 : i32 to index
      %get3A_403 = arith.constant 128 : index
      %get3A_404 = tpu.vector_load %arg8[%get3A_402, %get3A_403] {strides = array<i32>} : memref<64x384xf32, #tpu.memory_space<vmem>>, vector<1x16xf32>,
      %get3A_405 = vector.shape_cast %get3A_404 : vector<1x16xf32> to vector<16xf32>
      %get3A_406 = arith.index_cast %scan3A_170 : i32 to index
      %get3A_407 = arith.constant 128 : index
      %get3A_408 = tpu.vector_load %arg9[%get3A_406, %get3A_407] {strides = array<i32>} : memref<64x384xf32, #tpu.memory_space<vmem>>, vector<1x16xf32>,
      %get3A_409 = vector.shape_cast %get3A_408 : vector<1x16xf32> to vector<16xf32>
      %add3A_410 = arith.addf %get3A_405, %get3A_409 : vector<16xf32>
      %add3A_411 = arith.addf %add3A_401, %add3A_410 : vector<16xf32>
      %gt3A_412 = arith.constant 0.000000e+00 : f32
      %gt3A_413 = vector.broadcast %gt3A_412 : f32 to vector<16xf32>
      %gt3A_414 = arith.cmpf ogt, %add3A_411, %gt3A_413 : vector<16xf32>
      %select_n3A_415 = arith.select %gt3A_414, %broadcast_in_dim3A_40, %broadcast_in_dim3A_42 : vector<16xi1>, vector<16xf32>
      %swap3A_416 = arith.index_cast %scan3A_170 : i32 to index
      %swap3A_417 = arith.constant 128 : index
      %swap3A_418 = tpu.vector_load %arg6[%swap3A_416, %swap3A_417] {strides = array<i32>} : memref<64x384xf32, #tpu.memory_space<vmem>>, vector<1x16xf32>,
      %swap3A_419 = vector.shape_cast %swap3A_418 : vector<1x16xf32> to vector<16xf32>
      %swap3A_420 = vector.shape_cast %select_n3A_415 : vector<16xf32> to vector<1x16xf32>
      tpu.vector_store %arg6[%swap3A_416, %swap3A_417], %swap3A_420 {strides = array<i32>} : memref<64x384xf32, #tpu.memory_space<vmem>>, vector<1x16xf32>,
      %get3A_421 = arith.index_cast %scan3A_170 : i32 to index
      %get3A_422 = arith.constant 144 : index
      %get3A_423 = tpu.vector_load %arg6[%get3A_421, %get3A_422] {strides = array<i32>} : memref<64x384xf32, #tpu.memory_space<vmem>>, vector<1x16xf32>,
      %get3A_424 = vector.shape_cast %get3A_423 : vector<1x16xf32> to vector<16xf32>
      %get3A_425 = arith.index_cast %scan3A_170 : i32 to index
      %get3A_426 = arith.constant 144 : index
      %get3A_427 = tpu.vector_load %arg7[%get3A_425, %get3A_426] {strides = array<i32>} : memref<64x384xf32, #tpu.memory_space<vmem>>, vector<1x16xf32>,
      %get3A_428 = vector.shape_cast %get3A_427 : vector<1x16xf32> to vector<16xf32>
      %add3A_429 = arith.addf %get3A_424, %get3A_428 : vector<16xf32>
      %get3A_430 = arith.index_cast %scan3A_170 : i32 to index
      %get3A_431 = arith.constant 144 : index
      %get3A_432 = tpu.vector_load %arg8[%get3A_430, %get3A_431] {strides = array<i32>} : memref<64x384xf32, #tpu.memory_space<vmem>>, vector<1x16xf32>,
      %get3A_433 = vector.shape_cast %get3A_432 : vector<1x16xf32> to vector<16xf32>
      %get3A_434 = arith.index_cast %scan3A_170 : i32 to index
      %get3A_435 = arith.constant 144 : index
      %get3A_436 = tpu.vector_load %arg9[%get3A_434, %get3A_435] {strides = array<i32>} : memref<64x384xf32, #tpu.memory_space<vmem>>, vector<1x16xf32>,
      %get3A_437 = vector.shape_cast %get3A_436 : vector<1x16xf32> to vector<16xf32>
      %add3A_438 = arith.addf %get3A_433, %get3A_437 : vector<16xf32>
      %add3A_439 = arith.addf %add3A_429, %add3A_438 : vector<16xf32>
      %gt3A_440 = arith.constant 0.000000e+00 : f32
      %gt3A_441 = vector.broadcast %gt3A_440 : f32 to vector<16xf32>
      %gt3A_442 = arith.cmpf ogt, %add3A_439, %gt3A_441 : vector<16xf32>
      %select_n3A_443 = arith.select %gt3A_442, %broadcast_in_dim3A_40, %broadcast_in_dim3A_42 : vector<16xi1>, vector<16xf32>
      %swap3A_444 = arith.index_cast %scan3A_170 : i32 to index
      %swap3A_445 = arith.constant 144 : index
      %swap3A_446 = tpu.vector_load %arg6[%swap3A_444, %swap3A_445] {strides = array<i32>} : memref<64x384xf32, #tpu.memory_space<vmem>>, vector<1x16xf32>,
      %swap3A_447 = vector.shape_cast %swap3A_446 : vector<1x16xf32> to vector<16xf32>
      %swap3A_448 = vector.shape_cast %select_n3A_443 : vector<16xf32> to vector<1x16xf32>
      tpu.vector_store %arg6[%swap3A_444, %swap3A_445], %swap3A_448 {strides = array<i32>} : memref<64x384xf32, #tpu.memory_space<vmem>>, vector<1x16xf32>,
      %get3A_449 = arith.index_cast %scan3A_170 : i32 to index
      %get3A_450 = arith.constant 160 : index
      %get3A_451 = tpu.vector_load %arg6[%get3A_449, %get3A_450] {strides = array<i32>} : memref<64x384xf32, #tpu.memory_space<vmem>>, vector<1x16xf32>,
      %get3A_452 = vector.shape_cast %get3A_451 : vector<1x16xf32> to vector<16xf32>
      %get3A_453 = arith.index_cast %scan3A_170 : i32 to index
      %get3A_454 = arith.constant 160 : index
      %get3A_455 = tpu.vector_load %arg7[%get3A_453, %get3A_454] {strides = array<i32>} : memref<64x384xf32, #tpu.memory_space<vmem>>, vector<1x16xf32>,
      %get3A_456 = vector.shape_cast %get3A_455 : vector<1x16xf32> to vector<16xf32>
      %add3A_457 = arith.addf %get3A_452, %get3A_456 : vector<16xf32>
      %get3A_458 = arith.index_cast %scan3A_170 : i32 to index
      %get3A_459 = arith.constant 160 : index
      %get3A_460 = tpu.vector_load %arg8[%get3A_458, %get3A_459] {strides = array<i32>} : memref<64x384xf32, #tpu.memory_space<vmem>>, vector<1x16xf32>,
      %get3A_461 = vector.shape_cast %get3A_460 : vector<1x16xf32> to vector<16xf32>
      %get3A_462 = arith.index_cast %scan3A_170 : i32 to index
      %get3A_463 = arith.constant 160 : index
      %get3A_464 = tpu.vector_load %arg9[%get3A_462, %get3A_463] {strides = array<i32>} : memref<64x384xf32, #tpu.memory_space<vmem>>, vector<1x16xf32>,
      %get3A_465 = vector.shape_cast %get3A_464 : vector<1x16xf32> to vector<16xf32>
      %add3A_466 = arith.addf %get3A_461, %get3A_465 : vector<16xf32>
      %add3A_467 = arith.addf %add3A_457, %add3A_466 : vector<16xf32>
      %gt3A_468 = arith.constant 0.000000e+00 : f32
      %gt3A_469 = vector.broadcast %gt3A_468 : f32 to vector<16xf32>
      %gt3A_470 = arith.cmpf ogt, %add3A_467, %gt3A_469 : vector<16xf32>
      %select_n3A_471 = arith.select %gt3A_470, %broadcast_in_dim3A_40, %broadcast_in_dim3A_42 : vector<16xi1>, vector<16xf32>
      %swap3A_472 = arith.index_cast %scan3A_170 : i32 to index
      %swap3A_473 = arith.constant 160 : index
      %swap3A_474 = tpu.vector_load %arg6[%swap3A_472, %swap3A_473] {strides = array<i32>} : memref<64x384xf32, #tpu.memory_space<vmem>>, vector<1x16xf32>,
      %swap3A_475 = vector.shape_cast %swap3A_474 : vector<1x16xf32> to vector<16xf32>
      %swap3A_476 = vector.shape_cast %select_n3A_471 : vector<16xf32> to vector<1x16xf32>
      tpu.vector_store %arg6[%swap3A_472, %swap3A_473], %swap3A_476 {strides = array<i32>} : memref<64x384xf32, #tpu.memory_space<vmem>>, vector<1x16xf32>,
      %get3A_477 = arith.index_cast %scan3A_170 : i32 to index
      %get3A_478 = arith.constant 176 : index
      %get3A_479 = tpu.vector_load %arg6[%get3A_477, %get3A_478] {strides = array<i32>} : memref<64x384xf32, #tpu.memory_space<vmem>>, vector<1x16xf32>,
      %get3A_480 = vector.shape_cast %get3A_479 : vector<1x16xf32> to vector<16xf32>
      %get3A_481 = arith.index_cast %scan3A_170 : i32 to index
      %get3A_482 = arith.constant 176 : index
      %get3A_483 = tpu.vector_load %arg7[%get3A_481, %get3A_482] {strides = array<i32>} : memref<64x384xf32, #tpu.memory_space<vmem>>, vector<1x16xf32>,
      %get3A_484 = vector.shape_cast %get3A_483 : vector<1x16xf32> to vector<16xf32>
      %add3A_485 = arith.addf %get3A_480, %get3A_484 : vector<16xf32>
      %get3A_486 = arith.index_cast %scan3A_170 : i32 to index
      %get3A_487 = arith.constant 176 : index
      %get3A_488 = tpu.vector_load %arg8[%get3A_486, %get3A_487] {strides = array<i32>} : memref<64x384xf32, #tpu.memory_space<vmem>>, vector<1x16xf32>,
      %get3A_489 = vector.shape_cast %get3A_488 : vector<1x16xf32> to vector<16xf32>
      %get3A_490 = arith.index_cast %scan3A_170 : i32 to index
      %get3A_491 = arith.constant 176 : index
      %get3A_492 = tpu.vector_load %arg9[%get3A_490, %get3A_491] {strides = array<i32>} : memref<64x384xf32, #tpu.memory_space<vmem>>, vector<1x16xf32>,
      %get3A_493 = vector.shape_cast %get3A_492 : vector<1x16xf32> to vector<16xf32>
      %add3A_494 = arith.addf %get3A_489, %get3A_493 : vector<16xf32>
      %add3A_495 = arith.addf %add3A_485, %add3A_494 : vector<16xf32>
      %gt3A_496 = arith.constant 0.000000e+00 : f32
      %gt3A_497 = vector.broadcast %gt3A_496 : f32 to vector<16xf32>
      %gt3A_498 = arith.cmpf ogt, %add3A_495, %gt3A_497 : vector<16xf32>
      %select_n3A_499 = arith.select %gt3A_498, %broadcast_in_dim3A_40, %broadcast_in_dim3A_42 : vector<16xi1>, vector<16xf32>
      %swap3A_500 = arith.index_cast %scan3A_170 : i32 to index
      %swap3A_501 = arith.constant 176 : index
      %swap3A_502 = tpu.vector_load %arg6[%swap3A_500, %swap3A_501] {strides = array<i32>} : memref<64x384xf32, #tpu.memory_space<vmem>>, vector<1x16xf32>,
      %swap3A_503 = vector.shape_cast %swap3A_502 : vector<1x16xf32> to vector<16xf32>
      %swap3A_504 = vector.shape_cast %select_n3A_499 : vector<16xf32> to vector<1x16xf32>
      tpu.vector_store %arg6[%swap3A_500, %swap3A_501], %swap3A_504 {strides = array<i32>} : memref<64x384xf32, #tpu.memory_space<vmem>>, vector<1x16xf32>,
      %get3A_505 = arith.index_cast %scan3A_170 : i32 to index
      %get3A_506 = arith.constant 192 : index
      %get3A_507 = tpu.vector_load %arg6[%get3A_505, %get3A_506] {strides = array<i32>} : memref<64x384xf32, #tpu.memory_space<vmem>>, vector<1x16xf32>,
      %get3A_508 = vector.shape_cast %get3A_507 : vector<1x16xf32> to vector<16xf32>
      %get3A_509 = arith.index_cast %scan3A_170 : i32 to index
      %get3A_510 = arith.constant 192 : index
      %get3A_511 = tpu.vector_load %arg7[%get3A_509, %get3A_510] {strides = array<i32>} : memref<64x384xf32, #tpu.memory_space<vmem>>, vector<1x16xf32>,
      %get3A_512 = vector.shape_cast %get3A_511 : vector<1x16xf32> to vector<16xf32>
      %add3A_513 = arith.addf %get3A_508, %get3A_512 : vector<16xf32>
      %get3A_514 = arith.index_cast %scan3A_170 : i32 to index
      %get3A_515 = arith.constant 192 : index
      %get3A_516 = tpu.vector_load %arg8[%get3A_514, %get3A_515] {strides = array<i32>} : memref<64x384xf32, #tpu.memory_space<vmem>>, vector<1x16xf32>,
      %get3A_517 = vector.shape_cast %get3A_516 : vector<1x16xf32> to vector<16xf32>
      %get3A_518 = arith.index_cast %scan3A_170 : i32 to index
      %get3A_519 = arith.constant 192 : index
      %get3A_520 = tpu.vector_load %arg9[%get3A_518, %get3A_519] {strides = array<i32>} : memref<64x384xf32, #tpu.memory_space<vmem>>, vector<1x16xf32>,
      %get3A_521 = vector.shape_cast %get3A_520 : vector<1x16xf32> to vector<16xf32>
      %add3A_522 = arith.addf %get3A_517, %get3A_521 : vector<16xf32>
      %add3A_523 = arith.addf %add3A_513, %add3A_522 : vector<16xf32>
      %gt3A_524 = arith.constant 0.000000e+00 : f32
      %gt3A_525 = vector.broadcast %gt3A_524 : f32 to vector<16xf32>
      %gt3A_526 = arith.cmpf ogt, %add3A_523, %gt3A_525 : vector<16xf32>
      %select_n3A_527 = arith.select %gt3A_526, %broadcast_in_dim3A_40, %broadcast_in_dim3A_42 : vector<16xi1>, vector<16xf32>
      %swap3A_528 = arith.index_cast %scan3A_170 : i32 to index
      %swap3A_529 = arith.constant 192 : index
      %swap3A_530 = tpu.vector_load %arg6[%swap3A_528, %swap3A_529] {strides = array<i32>} : memref<64x384xf32, #tpu.memory_space<vmem>>, vector<1x16xf32>,
      %swap3A_531 = vector.shape_cast %swap3A_530 : vector<1x16xf32> to vector<16xf32>
      %swap3A_532 = vector.shape_cast %select_n3A_527 : vector<16xf32> to vector<1x16xf32>
      tpu.vector_store %arg6[%swap3A_528, %swap3A_529], %swap3A_532 {strides = array<i32>} : memref<64x384xf32, #tpu.memory_space<vmem>>, vector<1x16xf32>,
      %get3A_533 = arith.index_cast %scan3A_170 : i32 to index
      %get3A_534 = arith.constant 208 : index
      %get3A_535 = tpu.vector_load %arg6[%get3A_533, %get3A_534] {strides = array<i32>} : memref<64x384xf32, #tpu.memory_space<vmem>>, vector<1x16xf32>,
      %get3A_536 = vector.shape_cast %get3A_535 : vector<1x16xf32> to vector<16xf32>
      %get3A_537 = arith.index_cast %scan3A_170 : i32 to index
      %get3A_538 = arith.constant 208 : index
      %get3A_539 = tpu.vector_load %arg7[%get3A_537, %get3A_538] {strides = array<i32>} : memref<64x384xf32, #tpu.memory_space<vmem>>, vector<1x16xf32>,
      %get3A_540 = vector.shape_cast %get3A_539 : vector<1x16xf32> to vector<16xf32>
      %add3A_541 = arith.addf %get3A_536, %get3A_540 : vector<16xf32>
      %get3A_542 = arith.index_cast %scan3A_170 : i32 to index
      %get3A_543 = arith.constant 208 : index
      %get3A_544 = tpu.vector_load %arg8[%get3A_542, %get3A_543] {strides = array<i32>} : memref<64x384xf32, #tpu.memory_space<vmem>>, vector<1x16xf32>,
      %get3A_545 = vector.shape_cast %get3A_544 : vector<1x16xf32> to vector<16xf32>
      %get3A_546 = arith.index_cast %scan3A_170 : i32 to index
      %get3A_547 = arith.constant 208 : index
      %get3A_548 = tpu.vector_load %arg9[%get3A_546, %get3A_547] {strides = array<i32>} : memref<64x384xf32, #tpu.memory_space<vmem>>, vector<1x16xf32>,
      %get3A_549 = vector.shape_cast %get3A_548 : vector<1x16xf32> to vector<16xf32>
      %add3A_550 = arith.addf %get3A_545, %get3A_549 : vector<16xf32>
      %add3A_551 = arith.addf %add3A_541, %add3A_550 : vector<16xf32>
      %gt3A_552 = arith.constant 0.000000e+00 : f32
      %gt3A_553 = vector.broadcast %gt3A_552 : f32 to vector<16xf32>
      %gt3A_554 = arith.cmpf ogt, %add3A_551, %gt3A_553 : vector<16xf32>
      %select_n3A_555 = arith.select %gt3A_554, %broadcast_in_dim3A_40, %broadcast_in_dim3A_42 : vector<16xi1>, vector<16xf32>
      %swap3A_556 = arith.index_cast %scan3A_170 : i32 to index
      %swap3A_557 = arith.constant 208 : index
      %swap3A_558 = tpu.vector_load %arg6[%swap3A_556, %swap3A_557] {strides = array<i32>} : memref<64x384xf32, #tpu.memory_space<vmem>>, vector<1x16xf32>,
      %swap3A_559 = vector.shape_cast %swap3A_558 : vector<1x16xf32> to vector<16xf32>
      %swap3A_560 = vector.shape_cast %select_n3A_555 : vector<16xf32> to vector<1x16xf32>
      tpu.vector_store %arg6[%swap3A_556, %swap3A_557], %swap3A_560 {strides = array<i32>} : memref<64x384xf32, #tpu.memory_space<vmem>>, vector<1x16xf32>,
      %get3A_561 = arith.index_cast %scan3A_170 : i32 to index
      %get3A_562 = arith.constant 224 : index
      %get3A_563 = tpu.vector_load %arg6[%get3A_561, %get3A_562] {strides = array<i32>} : memref<64x384xf32, #tpu.memory_space<vmem>>, vector<1x16xf32>,
      %get3A_564 = vector.shape_cast %get3A_563 : vector<1x16xf32> to vector<16xf32>
      %get3A_565 = arith.index_cast %scan3A_170 : i32 to index
      %get3A_566 = arith.constant 224 : index
      %get3A_567 = tpu.vector_load %arg7[%get3A_565, %get3A_566] {strides = array<i32>} : memref<64x384xf32, #tpu.memory_space<vmem>>, vector<1x16xf32>,
      %get3A_568 = vector.shape_cast %get3A_567 : vector<1x16xf32> to vector<16xf32>
      %add3A_569 = arith.addf %get3A_564, %get3A_568 : vector<16xf32>
      %get3A_570 = arith.index_cast %scan3A_170 : i32 to index
      %get3A_571 = arith.constant 224 : index
      %get3A_572 = tpu.vector_load %arg8[%get3A_570, %get3A_571] {strides = array<i32>} : memref<64x384xf32, #tpu.memory_space<vmem>>, vector<1x16xf32>,
      %get3A_573 = vector.shape_cast %get3A_572 : vector<1x16xf32> to vector<16xf32>
      %get3A_574 = arith.index_cast %scan3A_170 : i32 to index
      %get3A_575 = arith.constant 224 : index
      %get3A_576 = tpu.vector_load %arg9[%get3A_574, %get3A_575] {strides = array<i32>} : memref<64x384xf32, #tpu.memory_space<vmem>>, vector<1x16xf32>,
      %get3A_577 = vector.shape_cast %get3A_576 : vector<1x16xf32> to vector<16xf32>
      %add3A_578 = arith.addf %get3A_573, %get3A_577 : vector<16xf32>
      %add3A_579 = arith.addf %add3A_569, %add3A_578 : vector<16xf32>
      %gt3A_580 = arith.constant 0.000000e+00 : f32
      %gt3A_581 = vector.broadcast %gt3A_580 : f32 to vector<16xf32>
      %gt3A_582 = arith.cmpf ogt, %add3A_579, %gt3A_581 : vector<16xf32>
      %select_n3A_583 = arith.select %gt3A_582, %broadcast_in_dim3A_40, %broadcast_in_dim3A_42 : vector<16xi1>, vector<16xf32>
      %swap3A_584 = arith.index_cast %scan3A_170 : i32 to index
      %swap3A_585 = arith.constant 224 : index
      %swap3A_586 = tpu.vector_load %arg6[%swap3A_584, %swap3A_585] {strides = array<i32>} : memref<64x384xf32, #tpu.memory_space<vmem>>, vector<1x16xf32>,
      %swap3A_587 = vector.shape_cast %swap3A_586 : vector<1x16xf32> to vector<16xf32>
      %swap3A_588 = vector.shape_cast %select_n3A_583 : vector<16xf32> to vector<1x16xf32>
      tpu.vector_store %arg6[%swap3A_584, %swap3A_585], %swap3A_588 {strides = array<i32>} : memref<64x384xf32, #tpu.memory_space<vmem>>, vector<1x16xf32>,
      %get3A_589 = arith.index_cast %scan3A_170 : i32 to index
      %get3A_590 = arith.constant 240 : index
      %get3A_591 = tpu.vector_load %arg6[%get3A_589, %get3A_590] {strides = array<i32>} : memref<64x384xf32, #tpu.memory_space<vmem>>, vector<1x16xf32>,
      %get3A_592 = vector.shape_cast %get3A_591 : vector<1x16xf32> to vector<16xf32>
      %get3A_593 = arith.index_cast %scan3A_170 : i32 to index
      %get3A_594 = arith.constant 240 : index
      %get3A_595 = tpu.vector_load %arg7[%get3A_593, %get3A_594] {strides = array<i32>} : memref<64x384xf32, #tpu.memory_space<vmem>>, vector<1x16xf32>,
      %get3A_596 = vector.shape_cast %get3A_595 : vector<1x16xf32> to vector<16xf32>
      %add3A_597 = arith.addf %get3A_592, %get3A_596 : vector<16xf32>
      %get3A_598 = arith.index_cast %scan3A_170 : i32 to index
      %get3A_599 = arith.constant 240 : index
      %get3A_600 = tpu.vector_load %arg8[%get3A_598, %get3A_599] {strides = array<i32>} : memref<64x384xf32, #tpu.memory_space<vmem>>, vector<1x16xf32>,
      %get3A_601 = vector.shape_cast %get3A_600 : vector<1x16xf32> to vector<16xf32>
      %get3A_602 = arith.index_cast %scan3A_170 : i32 to index
      %get3A_603 = arith.constant 240 : index
      %get3A_604 = tpu.vector_load %arg9[%get3A_602, %get3A_603] {strides = array<i32>} : memref<64x384xf32, #tpu.memory_space<vmem>>, vector<1x16xf32>,
      %get3A_605 = vector.shape_cast %get3A_604 : vector<1x16xf32> to vector<16xf32>
      %add3A_606 = arith.addf %get3A_601, %get3A_605 : vector<16xf32>
      %add3A_607 = arith.addf %add3A_597, %add3A_606 : vector<16xf32>
      %gt3A_608 = arith.constant 0.000000e+00 : f32
      %gt3A_609 = vector.broadcast %gt3A_608 : f32 to vector<16xf32>
      %gt3A_610 = arith.cmpf ogt, %add3A_607, %gt3A_609 : vector<16xf32>
      %select_n3A_611 = arith.select %gt3A_610, %broadcast_in_dim3A_40, %broadcast_in_dim3A_42 : vector<16xi1>, vector<16xf32>
      %swap3A_612 = arith.index_cast %scan3A_170 : i32 to index
      %swap3A_613 = arith.constant 240 : index
      %swap3A_614 = tpu.vector_load %arg6[%swap3A_612, %swap3A_613] {strides = array<i32>} : memref<64x384xf32, #tpu.memory_space<vmem>>, vector<1x16xf32>,
      %swap3A_615 = vector.shape_cast %swap3A_614 : vector<1x16xf32> to vector<16xf32>
      %swap3A_616 = vector.shape_cast %select_n3A_611 : vector<16xf32> to vector<1x16xf32>
      tpu.vector_store %arg6[%swap3A_612, %swap3A_613], %swap3A_616 {strides = array<i32>} : memref<64x384xf32, #tpu.memory_space<vmem>>, vector<1x16xf32>,
      %get3A_617 = arith.index_cast %scan3A_170 : i32 to index
      %get3A_618 = arith.constant 256 : index
      %get3A_619 = tpu.vector_load %arg6[%get3A_617, %get3A_618] {strides = array<i32>} : memref<64x384xf32, #tpu.memory_space<vmem>>, vector<1x16xf32>,
      %get3A_620 = vector.shape_cast %get3A_619 : vector<1x16xf32> to vector<16xf32>
      %get3A_621 = arith.index_cast %scan3A_170 : i32 to index
      %get3A_622 = arith.constant 256 : index
      %get3A_623 = tpu.vector_load %arg7[%get3A_621, %get3A_622] {strides = array<i32>} : memref<64x384xf32, #tpu.memory_space<vmem>>, vector<1x16xf32>,
      %get3A_624 = vector.shape_cast %get3A_623 : vector<1x16xf32> to vector<16xf32>
      %add3A_625 = arith.addf %get3A_620, %get3A_624 : vector<16xf32>
      %get3A_626 = arith.index_cast %scan3A_170 : i32 to index
      %get3A_627 = arith.constant 256 : index
      %get3A_628 = tpu.vector_load %arg8[%get3A_626, %get3A_627] {strides = array<i32>} : memref<64x384xf32, #tpu.memory_space<vmem>>, vector<1x16xf32>,
      %get3A_629 = vector.shape_cast %get3A_628 : vector<1x16xf32> to vector<16xf32>
      %get3A_630 = arith.index_cast %scan3A_170 : i32 to index
      %get3A_631 = arith.constant 256 : index
      %get3A_632 = tpu.vector_load %arg9[%get3A_630, %get3A_631] {strides = array<i32>} : memref<64x384xf32, #tpu.memory_space<vmem>>, vector<1x16xf32>,
      %get3A_633 = vector.shape_cast %get3A_632 : vector<1x16xf32> to vector<16xf32>
      %add3A_634 = arith.addf %get3A_629, %get3A_633 : vector<16xf32>
      %add3A_635 = arith.addf %add3A_625, %add3A_634 : vector<16xf32>
      %gt3A_636 = arith.constant 0.000000e+00 : f32
      %gt3A_637 = vector.broadcast %gt3A_636 : f32 to vector<16xf32>
      %gt3A_638 = arith.cmpf ogt, %add3A_635, %gt3A_637 : vector<16xf32>
      %select_n3A_639 = arith.select %gt3A_638, %broadcast_in_dim3A_40, %broadcast_in_dim3A_42 : vector<16xi1>, vector<16xf32>
      %swap3A_640 = arith.index_cast %scan3A_170 : i32 to index
      %swap3A_641 = arith.constant 256 : index
      %swap3A_642 = tpu.vector_load %arg6[%swap3A_640, %swap3A_641] {strides = array<i32>} : memref<64x384xf32, #tpu.memory_space<vmem>>, vector<1x16xf32>,
      %swap3A_643 = vector.shape_cast %swap3A_642 : vector<1x16xf32> to vector<16xf32>
      %swap3A_644 = vector.shape_cast %select_n3A_639 : vector<16xf32> to vector<1x16xf32>
      tpu.vector_store %arg6[%swap3A_640, %swap3A_641], %swap3A_644 {strides = array<i32>} : memref<64x384xf32, #tpu.memory_space<vmem>>, vector<1x16xf32>,
      %get3A_645 = arith.index_cast %scan3A_170 : i32 to index
      %get3A_646 = arith.constant 272 : index
      %get3A_647 = tpu.vector_load %arg6[%get3A_645, %get3A_646] {strides = array<i32>} : memref<64x384xf32, #tpu.memory_space<vmem>>, vector<1x16xf32>,
      %get3A_648 = vector.shape_cast %get3A_647 : vector<1x16xf32> to vector<16xf32>
      %get3A_649 = arith.index_cast %scan3A_170 : i32 to index
      %get3A_650 = arith.constant 272 : index
      %get3A_651 = tpu.vector_load %arg7[%get3A_649, %get3A_650] {strides = array<i32>} : memref<64x384xf32, #tpu.memory_space<vmem>>, vector<1x16xf32>,
      %get3A_652 = vector.shape_cast %get3A_651 : vector<1x16xf32> to vector<16xf32>
      %add3A_653 = arith.addf %get3A_648, %get3A_652 : vector<16xf32>
      %get3A_654 = arith.index_cast %scan3A_170 : i32 to index
      %get3A_655 = arith.constant 272 : index
      %get3A_656 = tpu.vector_load %arg8[%get3A_654, %get3A_655] {strides = array<i32>} : memref<64x384xf32, #tpu.memory_space<vmem>>, vector<1x16xf32>,
      %get3A_657 = vector.shape_cast %get3A_656 : vector<1x16xf32> to vector<16xf32>
      %get3A_658 = arith.index_cast %scan3A_170 : i32 to index
      %get3A_659 = arith.constant 272 : index
      %get3A_660 = tpu.vector_load %arg9[%get3A_658, %get3A_659] {strides = array<i32>} : memref<64x384xf32, #tpu.memory_space<vmem>>, vector<1x16xf32>,
      %get3A_661 = vector.shape_cast %get3A_660 : vector<1x16xf32> to vector<16xf32>
      %add3A_662 = arith.addf %get3A_657, %get3A_661 : vector<16xf32>
      %add3A_663 = arith.addf %add3A_653, %add3A_662 : vector<16xf32>
      %gt3A_664 = arith.constant 0.000000e+00 : f32
      %gt3A_665 = vector.broadcast %gt3A_664 : f32 to vector<16xf32>
      %gt3A_666 = arith.cmpf ogt, %add3A_663, %gt3A_665 : vector<16xf32>
      %select_n3A_667 = arith.select %gt3A_666, %broadcast_in_dim3A_40, %broadcast_in_dim3A_42 : vector<16xi1>, vector<16xf32>
      %swap3A_668 = arith.index_cast %scan3A_170 : i32 to index
      %swap3A_669 = arith.constant 272 : index
      %swap3A_670 = tpu.vector_load %arg6[%swap3A_668, %swap3A_669] {strides = array<i32>} : memref<64x384xf32, #tpu.memory_space<vmem>>, vector<1x16xf32>,
      %swap3A_671 = vector.shape_cast %swap3A_670 : vector<1x16xf32> to vector<16xf32>
      %swap3A_672 = vector.shape_cast %select_n3A_667 : vector<16xf32> to vector<1x16xf32>
      tpu.vector_store %arg6[%swap3A_668, %swap3A_669], %swap3A_672 {strides = array<i32>} : memref<64x384xf32, #tpu.memory_space<vmem>>, vector<1x16xf32>,
      %get3A_673 = arith.index_cast %scan3A_170 : i32 to index
      %get3A_674 = arith.constant 288 : index
      %get3A_675 = tpu.vector_load %arg6[%get3A_673, %get3A_674] {strides = array<i32>} : memref<64x384xf32, #tpu.memory_space<vmem>>, vector<1x16xf32>,
      %get3A_676 = vector.shape_cast %get3A_675 : vector<1x16xf32> to vector<16xf32>
      %get3A_677 = arith.index_cast %scan3A_170 : i32 to index
      %get3A_678 = arith.constant 288 : index
      %get3A_679 = tpu.vector_load %arg7[%get3A_677, %get3A_678] {strides = array<i32>} : memref<64x384xf32, #tpu.memory_space<vmem>>, vector<1x16xf32>,
      %get3A_680 = vector.shape_cast %get3A_679 : vector<1x16xf32> to vector<16xf32>
      %add3A_681 = arith.addf %get3A_676, %get3A_680 : vector<16xf32>
      %get3A_682 = arith.index_cast %scan3A_170 : i32 to index
      %get3A_683 = arith.constant 288 : index
      %get3A_684 = tpu.vector_load %arg8[%get3A_682, %get3A_683] {strides = array<i32>} : memref<64x384xf32, #tpu.memory_space<vmem>>, vector<1x16xf32>,
      %get3A_685 = vector.shape_cast %get3A_684 : vector<1x16xf32> to vector<16xf32>
      %get3A_686 = arith.index_cast %scan3A_170 : i32 to index
      %get3A_687 = arith.constant 288 : index
      %get3A_688 = tpu.vector_load %arg9[%get3A_686, %get3A_687] {strides = array<i32>} : memref<64x384xf32, #tpu.memory_space<vmem>>, vector<1x16xf32>,
      %get3A_689 = vector.shape_cast %get3A_688 : vector<1x16xf32> to vector<16xf32>
      %add3A_690 = arith.addf %get3A_685, %get3A_689 : vector<16xf32>
      %add3A_691 = arith.addf %add3A_681, %add3A_690 : vector<16xf32>
      %gt3A_692 = arith.constant 0.000000e+00 : f32
      %gt3A_693 = vector.broadcast %gt3A_692 : f32 to vector<16xf32>
      %gt3A_694 = arith.cmpf ogt, %add3A_691, %gt3A_693 : vector<16xf32>
      %select_n3A_695 = arith.select %gt3A_694, %broadcast_in_dim3A_40, %broadcast_in_dim3A_42 : vector<16xi1>, vector<16xf32>
      %swap3A_696 = arith.index_cast %scan3A_170 : i32 to index
      %swap3A_697 = arith.constant 288 : index
      %swap3A_698 = tpu.vector_load %arg6[%swap3A_696, %swap3A_697] {strides = array<i32>} : memref<64x384xf32, #tpu.memory_space<vmem>>, vector<1x16xf32>,
      %swap3A_699 = vector.shape_cast %swap3A_698 : vector<1x16xf32> to vector<16xf32>
      %swap3A_700 = vector.shape_cast %select_n3A_695 : vector<16xf32> to vector<1x16xf32>
      tpu.vector_store %arg6[%swap3A_696, %swap3A_697], %swap3A_700 {strides = array<i32>} : memref<64x384xf32, #tpu.memory_space<vmem>>, vector<1x16xf32>,
      %get3A_701 = arith.index_cast %scan3A_170 : i32 to index
      %get3A_702 = arith.constant 304 : index
      %get3A_703 = tpu.vector_load %arg6[%get3A_701, %get3A_702] {strides = array<i32>} : memref<64x384xf32, #tpu.memory_space<vmem>>, vector<1x16xf32>,
      %get3A_704 = vector.shape_cast %get3A_703 : vector<1x16xf32> to vector<16xf32>
      %get3A_705 = arith.index_cast %scan3A_170 : i32 to index
      %get3A_706 = arith.constant 304 : index
      %get3A_707 = tpu.vector_load %arg7[%get3A_705, %get3A_706] {strides = array<i32>} : memref<64x384xf32, #tpu.memory_space<vmem>>, vector<1x16xf32>,
      %get3A_708 = vector.shape_cast %get3A_707 : vector<1x16xf32> to vector<16xf32>
      %add3A_709 = arith.addf %get3A_704, %get3A_708 : vector<16xf32>
      %get3A_710 = arith.index_cast %scan3A_170 : i32 to index
      %get3A_711 = arith.constant 304 : index
      %get3A_712 = tpu.vector_load %arg8[%get3A_710, %get3A_711] {strides = array<i32>} : memref<64x384xf32, #tpu.memory_space<vmem>>, vector<1x16xf32>,
      %get3A_713 = vector.shape_cast %get3A_712 : vector<1x16xf32> to vector<16xf32>
      %get3A_714 = arith.index_cast %scan3A_170 : i32 to index
      %get3A_715 = arith.constant 304 : index
      %get3A_716 = tpu.vector_load %arg9[%get3A_714, %get3A_715] {strides = array<i32>} : memref<64x384xf32, #tpu.memory_space<vmem>>, vector<1x16xf32>,
      %get3A_717 = vector.shape_cast %get3A_716 : vector<1x16xf32> to vector<16xf32>
      %add3A_718 = arith.addf %get3A_713, %get3A_717 : vector<16xf32>
      %add3A_719 = arith.addf %add3A_709, %add3A_718 : vector<16xf32>
      %gt3A_720 = arith.constant 0.000000e+00 : f32
      %gt3A_721 = vector.broadcast %gt3A_720 : f32 to vector<16xf32>
      %gt3A_722 = arith.cmpf ogt, %add3A_719, %gt3A_721 : vector<16xf32>
      %select_n3A_723 = arith.select %gt3A_722, %broadcast_in_dim3A_40, %broadcast_in_dim3A_42 : vector<16xi1>, vector<16xf32>
      %swap3A_724 = arith.index_cast %scan3A_170 : i32 to index
      %swap3A_725 = arith.constant 304 : index
      %swap3A_726 = tpu.vector_load %arg6[%swap3A_724, %swap3A_725] {strides = array<i32>} : memref<64x384xf32, #tpu.memory_space<vmem>>, vector<1x16xf32>,
      %swap3A_727 = vector.shape_cast %swap3A_726 : vector<1x16xf32> to vector<16xf32>
      %swap3A_728 = vector.shape_cast %select_n3A_723 : vector<16xf32> to vector<1x16xf32>
      tpu.vector_store %arg6[%swap3A_724, %swap3A_725], %swap3A_728 {strides = array<i32>} : memref<64x384xf32, #tpu.memory_space<vmem>>, vector<1x16xf32>,
      %get3A_729 = arith.index_cast %scan3A_170 : i32 to index
      %get3A_730 = arith.constant 320 : index
      %get3A_731 = tpu.vector_load %arg6[%get3A_729, %get3A_730] {strides = array<i32>} : memref<64x384xf32, #tpu.memory_space<vmem>>, vector<1x16xf32>,
      %get3A_732 = vector.shape_cast %get3A_731 : vector<1x16xf32> to vector<16xf32>
      %get3A_733 = arith.index_cast %scan3A_170 : i32 to index
      %get3A_734 = arith.constant 320 : index
      %get3A_735 = tpu.vector_load %arg7[%get3A_733, %get3A_734] {strides = array<i32>} : memref<64x384xf32, #tpu.memory_space<vmem>>, vector<1x16xf32>,
      %get3A_736 = vector.shape_cast %get3A_735 : vector<1x16xf32> to vector<16xf32>
      %add3A_737 = arith.addf %get3A_732, %get3A_736 : vector<16xf32>
      %get3A_738 = arith.index_cast %scan3A_170 : i32 to index
      %get3A_739 = arith.constant 320 : index
      %get3A_740 = tpu.vector_load %arg8[%get3A_738, %get3A_739] {strides = array<i32>} : memref<64x384xf32, #tpu.memory_space<vmem>>, vector<1x16xf32>,
      %get3A_741 = vector.shape_cast %get3A_740 : vector<1x16xf32> to vector<16xf32>
      %get3A_742 = arith.index_cast %scan3A_170 : i32 to index
      %get3A_743 = arith.constant 320 : index
      %get3A_744 = tpu.vector_load %arg9[%get3A_742, %get3A_743] {strides = array<i32>} : memref<64x384xf32, #tpu.memory_space<vmem>>, vector<1x16xf32>,
      %get3A_745 = vector.shape_cast %get3A_744 : vector<1x16xf32> to vector<16xf32>
      %add3A_746 = arith.addf %get3A_741, %get3A_745 : vector<16xf32>
      %add3A_747 = arith.addf %add3A_737, %add3A_746 : vector<16xf32>
      %gt3A_748 = arith.constant 0.000000e+00 : f32
      %gt3A_749 = vector.broadcast %gt3A_748 : f32 to vector<16xf32>
      %gt3A_750 = arith.cmpf ogt, %add3A_747, %gt3A_749 : vector<16xf32>
      %select_n3A_751 = arith.select %gt3A_750, %broadcast_in_dim3A_40, %broadcast_in_dim3A_42 : vector<16xi1>, vector<16xf32>
      %swap3A_752 = arith.index_cast %scan3A_170 : i32 to index
      %swap3A_753 = arith.constant 320 : index
      %swap3A_754 = tpu.vector_load %arg6[%swap3A_752, %swap3A_753] {strides = array<i32>} : memref<64x384xf32, #tpu.memory_space<vmem>>, vector<1x16xf32>,
      %swap3A_755 = vector.shape_cast %swap3A_754 : vector<1x16xf32> to vector<16xf32>
      %swap3A_756 = vector.shape_cast %select_n3A_751 : vector<16xf32> to vector<1x16xf32>
      tpu.vector_store %arg6[%swap3A_752, %swap3A_753], %swap3A_756 {strides = array<i32>} : memref<64x384xf32, #tpu.memory_space<vmem>>, vector<1x16xf32>,
      %get3A_757 = arith.index_cast %scan3A_170 : i32 to index
      %get3A_758 = arith.constant 336 : index
      %get3A_759 = tpu.vector_load %arg6[%get3A_757, %get3A_758] {strides = array<i32>} : memref<64x384xf32, #tpu.memory_space<vmem>>, vector<1x16xf32>,
      %get3A_760 = vector.shape_cast %get3A_759 : vector<1x16xf32> to vector<16xf32>
      %get3A_761 = arith.index_cast %scan3A_170 : i32 to index
      %get3A_762 = arith.constant 336 : index
      %get3A_763 = tpu.vector_load %arg7[%get3A_761, %get3A_762] {strides = array<i32>} : memref<64x384xf32, #tpu.memory_space<vmem>>, vector<1x16xf32>,
      %get3A_764 = vector.shape_cast %get3A_763 : vector<1x16xf32> to vector<16xf32>
      %add3A_765 = arith.addf %get3A_760, %get3A_764 : vector<16xf32>
      %get3A_766 = arith.index_cast %scan3A_170 : i32 to index
      %get3A_767 = arith.constant 336 : index
      %get3A_768 = tpu.vector_load %arg8[%get3A_766, %get3A_767] {strides = array<i32>} : memref<64x384xf32, #tpu.memory_space<vmem>>, vector<1x16xf32>,
      %get3A_769 = vector.shape_cast %get3A_768 : vector<1x16xf32> to vector<16xf32>
      %get3A_770 = arith.index_cast %scan3A_170 : i32 to index
      %get3A_771 = arith.constant 336 : index
      %get3A_772 = tpu.vector_load %arg9[%get3A_770, %get3A_771] {strides = array<i32>} : memref<64x384xf32, #tpu.memory_space<vmem>>, vector<1x16xf32>,
      %get3A_773 = vector.shape_cast %get3A_772 : vector<1x16xf32> to vector<16xf32>
      %add3A_774 = arith.addf %get3A_769, %get3A_773 : vector<16xf32>
      %add3A_775 = arith.addf %add3A_765, %add3A_774 : vector<16xf32>
      %gt3A_776 = arith.constant 0.000000e+00 : f32
      %gt3A_777 = vector.broadcast %gt3A_776 : f32 to vector<16xf32>
      %gt3A_778 = arith.cmpf ogt, %add3A_775, %gt3A_777 : vector<16xf32>
      %select_n3A_779 = arith.select %gt3A_778, %broadcast_in_dim3A_40, %broadcast_in_dim3A_42 : vector<16xi1>, vector<16xf32>
      %swap3A_780 = arith.index_cast %scan3A_170 : i32 to index
      %swap3A_781 = arith.constant 336 : index
      %swap3A_782 = tpu.vector_load %arg6[%swap3A_780, %swap3A_781] {strides = array<i32>} : memref<64x384xf32, #tpu.memory_space<vmem>>, vector<1x16xf32>,
      %swap3A_783 = vector.shape_cast %swap3A_782 : vector<1x16xf32> to vector<16xf32>
      %swap3A_784 = vector.shape_cast %select_n3A_779 : vector<16xf32> to vector<1x16xf32>
      tpu.vector_store %arg6[%swap3A_780, %swap3A_781], %swap3A_784 {strides = array<i32>} : memref<64x384xf32, #tpu.memory_space<vmem>>, vector<1x16xf32>,
      %get3A_785 = arith.index_cast %scan3A_170 : i32 to index
      %get3A_786 = arith.constant 352 : index
      %get3A_787 = tpu.vector_load %arg6[%get3A_785, %get3A_786] {strides = array<i32>} : memref<64x384xf32, #tpu.memory_space<vmem>>, vector<1x16xf32>,
      %get3A_788 = vector.shape_cast %get3A_787 : vector<1x16xf32> to vector<16xf32>
      %get3A_789 = arith.index_cast %scan3A_170 : i32 to index
      %get3A_790 = arith.constant 352 : index
      %get3A_791 = tpu.vector_load %arg7[%get3A_789, %get3A_790] {strides = array<i32>} : memref<64x384xf32, #tpu.memory_space<vmem>>, vector<1x16xf32>,
      %get3A_792 = vector.shape_cast %get3A_791 : vector<1x16xf32> to vector<16xf32>
      %add3A_793 = arith.addf %get3A_788, %get3A_792 : vector<16xf32>
      %get3A_794 = arith.index_cast %scan3A_170 : i32 to index
      %get3A_795 = arith.constant 352 : index
      %get3A_796 = tpu.vector_load %arg8[%get3A_794, %get3A_795] {strides = array<i32>} : memref<64x384xf32, #tpu.memory_space<vmem>>, vector<1x16xf32>,
      %get3A_797 = vector.shape_cast %get3A_796 : vector<1x16xf32> to vector<16xf32>
      %get3A_798 = arith.index_cast %scan3A_170 : i32 to index
      %get3A_799 = arith.constant 352 : index
      %get3A_800 = tpu.vector_load %arg9[%get3A_798, %get3A_799] {strides = array<i32>} : memref<64x384xf32, #tpu.memory_space<vmem>>, vector<1x16xf32>,
      %get3A_801 = vector.shape_cast %get3A_800 : vector<1x16xf32> to vector<16xf32>
      %add3A_802 = arith.addf %get3A_797, %get3A_801 : vector<16xf32>
      %add3A_803 = arith.addf %add3A_793, %add3A_802 : vector<16xf32>
      %gt3A_804 = arith.constant 0.000000e+00 : f32
      %gt3A_805 = vector.broadcast %gt3A_804 : f32 to vector<16xf32>
      %gt3A_806 = arith.cmpf ogt, %add3A_803, %gt3A_805 : vector<16xf32>
      %select_n3A_807 = arith.select %gt3A_806, %broadcast_in_dim3A_40, %broadcast_in_dim3A_42 : vector<16xi1>, vector<16xf32>
      %swap3A_808 = arith.index_cast %scan3A_170 : i32 to index
      %swap3A_809 = arith.constant 352 : index
      %swap3A_810 = tpu.vector_load %arg6[%swap3A_808, %swap3A_809] {strides = array<i32>} : memref<64x384xf32, #tpu.memory_space<vmem>>, vector<1x16xf32>,
      %swap3A_811 = vector.shape_cast %swap3A_810 : vector<1x16xf32> to vector<16xf32>
      %swap3A_812 = vector.shape_cast %select_n3A_807 : vector<16xf32> to vector<1x16xf32>
      tpu.vector_store %arg6[%swap3A_808, %swap3A_809], %swap3A_812 {strides = array<i32>} : memref<64x384xf32, #tpu.memory_space<vmem>>, vector<1x16xf32>,
      %get3A_813 = arith.index_cast %scan3A_170 : i32 to index
      %get3A_814 = arith.constant 368 : index
      %get3A_815 = tpu.vector_load %arg6[%get3A_813, %get3A_814] {strides = array<i32>} : memref<64x384xf32, #tpu.memory_space<vmem>>, vector<1x16xf32>,
      %get3A_816 = vector.shape_cast %get3A_815 : vector<1x16xf32> to vector<16xf32>
      %get3A_817 = arith.index_cast %scan3A_170 : i32 to index
      %get3A_818 = arith.constant 368 : index
      %get3A_819 = tpu.vector_load %arg7[%get3A_817, %get3A_818] {strides = array<i32>} : memref<64x384xf32, #tpu.memory_space<vmem>>, vector<1x16xf32>,
      %get3A_820 = vector.shape_cast %get3A_819 : vector<1x16xf32> to vector<16xf32>
      %add3A_821 = arith.addf %get3A_816, %get3A_820 : vector<16xf32>
      %get3A_822 = arith.index_cast %scan3A_170 : i32 to index
      %get3A_823 = arith.constant 368 : index
      %get3A_824 = tpu.vector_load %arg8[%get3A_822, %get3A_823] {strides = array<i32>} : memref<64x384xf32, #tpu.memory_space<vmem>>, vector<1x16xf32>,
      %get3A_825 = vector.shape_cast %get3A_824 : vector<1x16xf32> to vector<16xf32>
      %get3A_826 = arith.index_cast %scan3A_170 : i32 to index
      %get3A_827 = arith.constant 368 : index
      %get3A_828 = tpu.vector_load %arg9[%get3A_826, %get3A_827] {strides = array<i32>} : memref<64x384xf32, #tpu.memory_space<vmem>>, vector<1x16xf32>,
      %get3A_829 = vector.shape_cast %get3A_828 : vector<1x16xf32> to vector<16xf32>
      %add3A_830 = arith.addf %get3A_825, %get3A_829 : vector<16xf32>
      %add3A_831 = arith.addf %add3A_821, %add3A_830 : vector<16xf32>
      %gt3A_832 = arith.constant 0.000000e+00 : f32
      %gt3A_833 = vector.broadcast %gt3A_832 : f32 to vector<16xf32>
      %gt3A_834 = arith.cmpf ogt, %add3A_831, %gt3A_833 : vector<16xf32>
      %select_n3A_835 = arith.select %gt3A_834, %broadcast_in_dim3A_40, %broadcast_in_dim3A_42 : vector<16xi1>, vector<16xf32>
      %swap3A_836 = arith.index_cast %scan3A_170 : i32 to index
      %swap3A_837 = arith.constant 368 : index
      %swap3A_838 = tpu.vector_load %arg6[%swap3A_836, %swap3A_837] {strides = array<i32>} : memref<64x384xf32, #tpu.memory_space<vmem>>, vector<1x16xf32>,
      %swap3A_839 = vector.shape_cast %swap3A_838 : vector<1x16xf32> to vector<16xf32>
      %swap3A_840 = vector.shape_cast %select_n3A_835 : vector<16xf32> to vector<1x16xf32>
      tpu.vector_store %arg6[%swap3A_836, %swap3A_837], %swap3A_840 {strides = array<i32>} : memref<64x384xf32, #tpu.memory_space<vmem>>, vector<1x16xf32>,
      %scan3A_841 = arith.constant 0 : i32
      scf.yield %scan3A_841 : i32
    }
    %scan3A_102 = arith.constant 64 : i32
    %add3A_103 = arith.constant 0 : i32
    %add3A_104 = arith.addi %mul3A_2, %add3A_103 : i32
    "tpu.region"() ({
      %run_scoped3A_170 = tpu.sem_alloc : memref<!tpu.dma_semaphore, #tpu.memory_space<semaphore_mem>>
      %dma_start3A_171 = arith.constant 0 : i32
      %dma_start3A_172 = tpu.memref_slice %arg4[%add3A_104, %dma_start3A_171] : memref<4096x384xf32, #tpu.memory_space<hbm>> -> memref<64x384xf32, #tpu.memory_space<hbm>>
      %dma_start3A_173 = arith.constant 0 : i32
      %dma_start3A_174 = tpu.memref_slice %arg4[%add3A_104, %dma_start3A_173] : memref<4096x384xf32, #tpu.memory_space<hbm>> -> memref<64x384xf32, #tpu.memory_space<hbm>>
      tpu.enqueue_dma source(%arg6 : memref<64x384xf32, #tpu.memory_space<vmem>>) target(%dma_start3A_174 : memref<64x384xf32, #tpu.memory_space<hbm>>) target_semaphore(%run_scoped3A_170 : memref<!tpu.dma_semaphore, #tpu.memory_space<semaphore_mem>>)
      %dma_wait3A_175 = arith.constant 0 : i32
      %dma_wait3A_176 = tpu.memref_slice %arg4[%add3A_104, %dma_wait3A_175] : memref<4096x384xf32, #tpu.memory_space<hbm>> -> memref<64x384xf32, #tpu.memory_space<hbm>>
      %dma_wait3A_177 = arith.constant 0 : i32
      %dma_wait3A_178 = tpu.memref_slice %arg4[%add3A_104, %dma_wait3A_177] : memref<4096x384xf32, #tpu.memory_space<hbm>> -> memref<64x384xf32, #tpu.memory_space<hbm>>
      tpu.wait_dma2 semaphore(%run_scoped3A_170 : memref<!tpu.dma_semaphore, #tpu.memory_space<semaphore_mem>>) src(%arg6 : memref<64x384xf32, #tpu.memory_space<vmem>>) dst(%dma_wait3A_178 : memref<64x384xf32, #tpu.memory_space<hbm>>)
      tpu.yield
    }) : () -> ()
    %dma_start3A_105 = arith.constant 0 : i32
    %dma_start3A_106 = arith.constant 64 : i32
    %dma_start3A_107 = tpu.memref_slice %arg5[%dma_start3A_105, %dma_start3A_106] : memref<4x128xi32, #tpu.memory_space<vmem>> -> memref<1x64xi32, #tpu.memory_space<vmem>>
    %dma_start3A_108 = tpu.memref_squeeze %dma_start3A_107 : memref<1x64xi32, #tpu.memory_space<vmem>> -> memref<64xi32, #tpu.memory_space<vmem>>
    %dma_start3A_109 = arith.constant 0 : i32
    %dma_start3A_110 = arith.constant 0 : i32
    %dma_start3A_111 = tpu.memref_slice %arg2[%dma_start3A_109, %dma_start3A_110] : memref<4200x384xf32, #tpu.memory_space<hbm>> -> memref<4200x384xf32, #tpu.memory_space<hbm>>
    tpu.enqueue_indirect_dma source(%dma_start3A_111 : memref<4200x384xf32, #tpu.memory_space<hbm>>) target(%arg6 : memref<64x384xf32, #tpu.memory_space<vmem>>) offsets(%dma_start3A_108 : memref<64xi32, #tpu.memory_space<vmem>>) semaphore(%arg10 : memref<!tpu.dma_semaphore, #tpu.memory_space<semaphore_mem>>)
    %dma_start3A_112 = arith.constant 1 : i32
    %dma_start3A_113 = arith.constant 64 : i32
    %dma_start3A_114 = tpu.memref_slice %arg5[%dma_start3A_112, %dma_start3A_113] : memref<4x128xi32, #tpu.memory_space<vmem>> -> memref<1x64xi32, #tpu.memory_space<vmem>>
    %dma_start3A_115 = tpu.memref_squeeze %dma_start3A_114 : memref<1x64xi32, #tpu.memory_space<vmem>> -> memref<64xi32, #tpu.memory_space<vmem>>
    %dma_start3A_116 = arith.constant 0 : i32
    %dma_start3A_117 = arith.constant 0 : i32
    %dma_start3A_118 = tpu.memref_slice %arg2[%dma_start3A_116, %dma_start3A_117] : memref<4200x384xf32, #tpu.memory_space<hbm>> -> memref<4200x384xf32, #tpu.memory_space<hbm>>
    tpu.enqueue_indirect_dma source(%dma_start3A_118 : memref<4200x384xf32, #tpu.memory_space<hbm>>) target(%arg7 : memref<64x384xf32, #tpu.memory_space<vmem>>) offsets(%dma_start3A_115 : memref<64xi32, #tpu.memory_space<vmem>>) semaphore(%arg10 : memref<!tpu.dma_semaphore, #tpu.memory_space<semaphore_mem>>)
    %dma_start3A_119 = arith.constant 2 : i32
    %dma_start3A_120 = arith.constant 64 : i32
    %dma_start3A_121 = tpu.memref_slice %arg5[%dma_start3A_119, %dma_start3A_120] : memref<4x128xi32, #tpu.memory_space<vmem>> -> memref<1x64xi32, #tpu.memory_space<vmem>>
    %dma_start3A_122 = tpu.memref_squeeze %dma_start3A_121 : memref<1x64xi32, #tpu.memory_space<vmem>> -> memref<64xi32, #tpu.memory_space<vmem>>
    %dma_start3A_123 = arith.constant 0 : i32
    %dma_start3A_124 = arith.constant 0 : i32
    %dma_start3A_125 = tpu.memref_slice %arg2[%dma_start3A_123, %dma_start3A_124] : memref<4200x384xf32, #tpu.memory_space<hbm>> -> memref<4200x384xf32, #tpu.memory_space<hbm>>
    tpu.enqueue_indirect_dma source(%dma_start3A_125 : memref<4200x384xf32, #tpu.memory_space<hbm>>) target(%arg8 : memref<64x384xf32, #tpu.memory_space<vmem>>) offsets(%dma_start3A_122 : memref<64xi32, #tpu.memory_space<vmem>>) semaphore(%arg10 : memref<!tpu.dma_semaphore, #tpu.memory_space<semaphore_mem>>)
    %dma_start3A_126 = arith.constant 3 : i32
    %dma_start3A_127 = arith.constant 64 : i32
    %dma_start3A_128 = tpu.memref_slice %arg5[%dma_start3A_126, %dma_start3A_127] : memref<4x128xi32, #tpu.memory_space<vmem>> -> memref<1x64xi32, #tpu.memory_space<vmem>>
    %dma_start3A_129 = tpu.memref_squeeze %dma_start3A_128 : memref<1x64xi32, #tpu.memory_space<vmem>> -> memref<64xi32, #tpu.memory_space<vmem>>
    %dma_start3A_130 = arith.constant 0 : i32
    %dma_start3A_131 = arith.constant 0 : i32
    %dma_start3A_132 = tpu.memref_slice %arg2[%dma_start3A_130, %dma_start3A_131] : memref<4200x384xf32, #tpu.memory_space<hbm>> -> memref<4200x384xf32, #tpu.memory_space<hbm>>
    tpu.enqueue_indirect_dma source(%dma_start3A_132 : memref<4200x384xf32, #tpu.memory_space<hbm>>) target(%arg9 : memref<64x384xf32, #tpu.memory_space<vmem>>) offsets(%dma_start3A_129 : memref<64xi32, #tpu.memory_space<vmem>>) semaphore(%arg10 : memref<!tpu.dma_semaphore, #tpu.memory_space<semaphore_mem>>)
    %dma_wait3A_133 = arith.constant 0 : i32
    %dma_wait3A_134 = arith.constant 64 : i32
    %dma_wait3A_135 = tpu.memref_slice %arg5[%dma_wait3A_133, %dma_wait3A_134] : memref<4x128xi32, #tpu.memory_space<vmem>> -> memref<1x64xi32, #tpu.memory_space<vmem>>
    %dma_wait3A_136 = tpu.memref_squeeze %dma_wait3A_135 : memref<1x64xi32, #tpu.memory_space<vmem>> -> memref<64xi32, #tpu.memory_space<vmem>>
    %dma_wait3A_137 = arith.constant 0 : i32
    %dma_wait3A_138 = arith.constant 0 : i32
    %dma_wait3A_139 = tpu.memref_slice %arg2[%dma_wait3A_137, %dma_wait3A_138] : memref<4200x384xf32, #tpu.memory_space<hbm>> -> memref<4200x384xf32, #tpu.memory_space<hbm>>
    tpu.wait_indirect_dma semaphore(%arg10 : memref<!tpu.dma_semaphore, #tpu.memory_space<semaphore_mem>>) src(%dma_wait3A_139 : memref<4200x384xf32, #tpu.memory_space<hbm>>) dst(%arg6 : memref<64x384xf32, #tpu.memory_space<vmem>>)
    %dma_wait3A_140 = arith.constant 1 : i32
    %dma_wait3A_141 = arith.constant 64 : i32
    %dma_wait3A_142 = tpu.memref_slice %arg5[%dma_wait3A_140, %dma_wait3A_141] : memref<4x128xi32, #tpu.memory_space<vmem>> -> memref<1x64xi32, #tpu.memory_space<vmem>>
    %dma_wait3A_143 = tpu.memref_squeeze %dma_wait3A_142 : memref<1x64xi32, #tpu.memory_space<vmem>> -> memref<64xi32, #tpu.memory_space<vmem>>
    %dma_wait3A_144 = arith.constant 0 : i32
    %dma_wait3A_145 = arith.constant 0 : i32
    %dma_wait3A_146 = tpu.memref_slice %arg2[%dma_wait3A_144, %dma_wait3A_145] : memref<4200x384xf32, #tpu.memory_space<hbm>> -> memref<4200x384xf32, #tpu.memory_space<hbm>>
    tpu.wait_indirect_dma semaphore(%arg10 : memref<!tpu.dma_semaphore, #tpu.memory_space<semaphore_mem>>) src(%dma_wait3A_146 : memref<4200x384xf32, #tpu.memory_space<hbm>>) dst(%arg7 : memref<64x384xf32, #tpu.memory_space<vmem>>)
    %dma_wait3A_147 = arith.constant 2 : i32
    %dma_wait3A_148 = arith.constant 64 : i32
    %dma_wait3A_149 = tpu.memref_slice %arg5[%dma_wait3A_147, %dma_wait3A_148] : memref<4x128xi32, #tpu.memory_space<vmem>> -> memref<1x64xi32, #tpu.memory_space<vmem>>
    %dma_wait3A_150 = tpu.memref_squeeze %dma_wait3A_149 : memref<1x64xi32, #tpu.memory_space<vmem>> -> memref<64xi32, #tpu.memory_space<vmem>>
    %dma_wait3A_151 = arith.constant 0 : i32
    %dma_wait3A_152 = arith.constant 0 : i32
    %dma_wait3A_153 = tpu.memref_slice %arg2[%dma_wait3A_151, %dma_wait3A_152] : memref<4200x384xf32, #tpu.memory_space<hbm>> -> memref<4200x384xf32, #tpu.memory_space<hbm>>
    tpu.wait_indirect_dma semaphore(%arg10 : memref<!tpu.dma_semaphore, #tpu.memory_space<semaphore_mem>>) src(%dma_wait3A_153 : memref<4200x384xf32, #tpu.memory_space<hbm>>) dst(%arg8 : memref<64x384xf32, #tpu.memory_space<vmem>>)
    %dma_wait3A_154 = arith.constant 3 : i32
    %dma_wait3A_155 = arith.constant 64 : i32
    %dma_wait3A_156 = tpu.memref_slice %arg5[%dma_wait3A_154, %dma_wait3A_155] : memref<4x128xi32, #tpu.memory_space<vmem>> -> memref<1x64xi32, #tpu.memory_space<vmem>>
    %dma_wait3A_157 = tpu.memref_squeeze %dma_wait3A_156 : memref<1x64xi32, #tpu.memory_space<vmem>> -> memref<64xi32, #tpu.memory_space<vmem>>
    %dma_wait3A_158 = arith.constant 0 : i32
    %dma_wait3A_159 = arith.constant 0 : i32
    %dma_wait3A_160 = tpu.memref_slice %arg2[%dma_wait3A_158, %dma_wait3A_159] : memref<4200x384xf32, #tpu.memory_space<hbm>> -> memref<4200x384xf32, #tpu.memory_space<hbm>>
    tpu.wait_indirect_dma semaphore(%arg10 : memref<!tpu.dma_semaphore, #tpu.memory_space<semaphore_mem>>) src(%dma_wait3A_160 : memref<4200x384xf32, #tpu.memory_space<hbm>>) dst(%arg9 : memref<64x384xf32, #tpu.memory_space<vmem>>)
    %scan3A_161 = arith.constant 0 : i32
    %scan3A_162 = arith.constant 0 : i32
    %scan3A_163 = arith.constant 64 : i32
    %scan3A_164 = arith.addi %scan3A_162, %scan3A_163 : i32
    %scan3A_165 = arith.constant 1 : i32
    %scan3A_166 = scf.for %scan3A_170 = %scan3A_162 to %scan3A_164 step %scan3A_165 iter_args(%scan3A_171 = %scan3A_161) -> (i32)  : i32 {
      %get3A = arith.index_cast %scan3A_170 : i32 to index
      %get3A_172 = arith.constant 0 : index
      %get3A_173 = tpu.vector_load %arg6[%get3A, %get3A_172] {strides = array<i32>} : memref<64x384xf32, #tpu.memory_space<vmem>>, vector<1x16xf32>,
      %get3A_174 = vector.shape_cast %get3A_173 : vector<1x16xf32> to vector<16xf32>
      %get3A_175 = arith.index_cast %scan3A_170 : i32 to index
      %get3A_176 = arith.constant 0 : index
      %get3A_177 = tpu.vector_load %arg7[%get3A_175, %get3A_176] {strides = array<i32>} : memref<64x384xf32, #tpu.memory_space<vmem>>, vector<1x16xf32>,
      %get3A_178 = vector.shape_cast %get3A_177 : vector<1x16xf32> to vector<16xf32>
      %add3A_179 = arith.addf %get3A_174, %get3A_178 : vector<16xf32>
      %get3A_180 = arith.index_cast %scan3A_170 : i32 to index
      %get3A_181 = arith.constant 0 : index
      %get3A_182 = tpu.vector_load %arg8[%get3A_180, %get3A_181] {strides = array<i32>} : memref<64x384xf32, #tpu.memory_space<vmem>>, vector<1x16xf32>,
      %get3A_183 = vector.shape_cast %get3A_182 : vector<1x16xf32> to vector<16xf32>
      %get3A_184 = arith.index_cast %scan3A_170 : i32 to index
      %get3A_185 = arith.constant 0 : index
      %get3A_186 = tpu.vector_load %arg9[%get3A_184, %get3A_185] {strides = array<i32>} : memref<64x384xf32, #tpu.memory_space<vmem>>, vector<1x16xf32>,
      %get3A_187 = vector.shape_cast %get3A_186 : vector<1x16xf32> to vector<16xf32>
      %add3A_188 = arith.addf %get3A_183, %get3A_187 : vector<16xf32>
      %add3A_189 = arith.addf %add3A_179, %add3A_188 : vector<16xf32>
      %gt3A = arith.constant 0.000000e+00 : f32
      %gt3A_190 = vector.broadcast %gt3A : f32 to vector<16xf32>
      %gt3A_191 = arith.cmpf ogt, %add3A_189, %gt3A_190 : vector<16xf32>
      %select_n3A_192 = arith.select %gt3A_191, %broadcast_in_dim3A_40, %broadcast_in_dim3A_42 : vector<16xi1>, vector<16xf32>
      %swap3A = arith.index_cast %scan3A_170 : i32 to index
      %swap3A_193 = arith.constant 0 : index
      %swap3A_194 = tpu.vector_load %arg6[%swap3A, %swap3A_193] {strides = array<i32>} : memref<64x384xf32, #tpu.memory_space<vmem>>, vector<1x16xf32>,
      %swap3A_195 = vector.shape_cast %swap3A_194 : vector<1x16xf32> to vector<16xf32>
      %swap3A_196 = vector.shape_cast %select_n3A_192 : vector<16xf32> to vector<1x16xf32>
      tpu.vector_store %arg6[%swap3A, %swap3A_193], %swap3A_196 {strides = array<i32>} : memref<64x384xf32, #tpu.memory_space<vmem>>, vector<1x16xf32>,
      %get3A_197 = arith.index_cast %scan3A_170 : i32 to index
      %get3A_198 = arith.constant 16 : index
      %get3A_199 = tpu.vector_load %arg6[%get3A_197, %get3A_198] {strides = array<i32>} : memref<64x384xf32, #tpu.memory_space<vmem>>, vector<1x16xf32>,
      %get3A_200 = vector.shape_cast %get3A_199 : vector<1x16xf32> to vector<16xf32>
      %get3A_201 = arith.index_cast %scan3A_170 : i32 to index
      %get3A_202 = arith.constant 16 : index
      %get3A_203 = tpu.vector_load %arg7[%get3A_201, %get3A_202] {strides = array<i32>} : memref<64x384xf32, #tpu.memory_space<vmem>>, vector<1x16xf32>,
      %get3A_204 = vector.shape_cast %get3A_203 : vector<1x16xf32> to vector<16xf32>
      %add3A_205 = arith.addf %get3A_200, %get3A_204 : vector<16xf32>
      %get3A_206 = arith.index_cast %scan3A_170 : i32 to index
      %get3A_207 = arith.constant 16 : index
      %get3A_208 = tpu.vector_load %arg8[%get3A_206, %get3A_207] {strides = array<i32>} : memref<64x384xf32, #tpu.memory_space<vmem>>, vector<1x16xf32>,
      %get3A_209 = vector.shape_cast %get3A_208 : vector<1x16xf32> to vector<16xf32>
      %get3A_210 = arith.index_cast %scan3A_170 : i32 to index
      %get3A_211 = arith.constant 16 : index
      %get3A_212 = tpu.vector_load %arg9[%get3A_210, %get3A_211] {strides = array<i32>} : memref<64x384xf32, #tpu.memory_space<vmem>>, vector<1x16xf32>,
      %get3A_213 = vector.shape_cast %get3A_212 : vector<1x16xf32> to vector<16xf32>
      %add3A_214 = arith.addf %get3A_209, %get3A_213 : vector<16xf32>
      %add3A_215 = arith.addf %add3A_205, %add3A_214 : vector<16xf32>
      %gt3A_216 = arith.constant 0.000000e+00 : f32
      %gt3A_217 = vector.broadcast %gt3A_216 : f32 to vector<16xf32>
      %gt3A_218 = arith.cmpf ogt, %add3A_215, %gt3A_217 : vector<16xf32>
      %select_n3A_219 = arith.select %gt3A_218, %broadcast_in_dim3A_40, %broadcast_in_dim3A_42 : vector<16xi1>, vector<16xf32>
      %swap3A_220 = arith.index_cast %scan3A_170 : i32 to index
      %swap3A_221 = arith.constant 16 : index
      %swap3A_222 = tpu.vector_load %arg6[%swap3A_220, %swap3A_221] {strides = array<i32>} : memref<64x384xf32, #tpu.memory_space<vmem>>, vector<1x16xf32>,
      %swap3A_223 = vector.shape_cast %swap3A_222 : vector<1x16xf32> to vector<16xf32>
      %swap3A_224 = vector.shape_cast %select_n3A_219 : vector<16xf32> to vector<1x16xf32>
      tpu.vector_store %arg6[%swap3A_220, %swap3A_221], %swap3A_224 {strides = array<i32>} : memref<64x384xf32, #tpu.memory_space<vmem>>, vector<1x16xf32>,
      %get3A_225 = arith.index_cast %scan3A_170 : i32 to index
      %get3A_226 = arith.constant 32 : index
      %get3A_227 = tpu.vector_load %arg6[%get3A_225, %get3A_226] {strides = array<i32>} : memref<64x384xf32, #tpu.memory_space<vmem>>, vector<1x16xf32>,
      %get3A_228 = vector.shape_cast %get3A_227 : vector<1x16xf32> to vector<16xf32>
      %get3A_229 = arith.index_cast %scan3A_170 : i32 to index
      %get3A_230 = arith.constant 32 : index
      %get3A_231 = tpu.vector_load %arg7[%get3A_229, %get3A_230] {strides = array<i32>} : memref<64x384xf32, #tpu.memory_space<vmem>>, vector<1x16xf32>,
      %get3A_232 = vector.shape_cast %get3A_231 : vector<1x16xf32> to vector<16xf32>
      %add3A_233 = arith.addf %get3A_228, %get3A_232 : vector<16xf32>
      %get3A_234 = arith.index_cast %scan3A_170 : i32 to index
      %get3A_235 = arith.constant 32 : index
      %get3A_236 = tpu.vector_load %arg8[%get3A_234, %get3A_235] {strides = array<i32>} : memref<64x384xf32, #tpu.memory_space<vmem>>, vector<1x16xf32>,
      %get3A_237 = vector.shape_cast %get3A_236 : vector<1x16xf32> to vector<16xf32>
      %get3A_238 = arith.index_cast %scan3A_170 : i32 to index
      %get3A_239 = arith.constant 32 : index
      %get3A_240 = tpu.vector_load %arg9[%get3A_238, %get3A_239] {strides = array<i32>} : memref<64x384xf32, #tpu.memory_space<vmem>>, vector<1x16xf32>,
      %get3A_241 = vector.shape_cast %get3A_240 : vector<1x16xf32> to vector<16xf32>
      %add3A_242 = arith.addf %get3A_237, %get3A_241 : vector<16xf32>
      %add3A_243 = arith.addf %add3A_233, %add3A_242 : vector<16xf32>
      %gt3A_244 = arith.constant 0.000000e+00 : f32
      %gt3A_245 = vector.broadcast %gt3A_244 : f32 to vector<16xf32>
      %gt3A_246 = arith.cmpf ogt, %add3A_243, %gt3A_245 : vector<16xf32>
      %select_n3A_247 = arith.select %gt3A_246, %broadcast_in_dim3A_40, %broadcast_in_dim3A_42 : vector<16xi1>, vector<16xf32>
      %swap3A_248 = arith.index_cast %scan3A_170 : i32 to index
      %swap3A_249 = arith.constant 32 : index
      %swap3A_250 = tpu.vector_load %arg6[%swap3A_248, %swap3A_249] {strides = array<i32>} : memref<64x384xf32, #tpu.memory_space<vmem>>, vector<1x16xf32>,
      %swap3A_251 = vector.shape_cast %swap3A_250 : vector<1x16xf32> to vector<16xf32>
      %swap3A_252 = vector.shape_cast %select_n3A_247 : vector<16xf32> to vector<1x16xf32>
      tpu.vector_store %arg6[%swap3A_248, %swap3A_249], %swap3A_252 {strides = array<i32>} : memref<64x384xf32, #tpu.memory_space<vmem>>, vector<1x16xf32>,
      %get3A_253 = arith.index_cast %scan3A_170 : i32 to index
      %get3A_254 = arith.constant 48 : index
      %get3A_255 = tpu.vector_load %arg6[%get3A_253, %get3A_254] {strides = array<i32>} : memref<64x384xf32, #tpu.memory_space<vmem>>, vector<1x16xf32>,
      %get3A_256 = vector.shape_cast %get3A_255 : vector<1x16xf32> to vector<16xf32>
      %get3A_257 = arith.index_cast %scan3A_170 : i32 to index
      %get3A_258 = arith.constant 48 : index
      %get3A_259 = tpu.vector_load %arg7[%get3A_257, %get3A_258] {strides = array<i32>} : memref<64x384xf32, #tpu.memory_space<vmem>>, vector<1x16xf32>,
      %get3A_260 = vector.shape_cast %get3A_259 : vector<1x16xf32> to vector<16xf32>
      %add3A_261 = arith.addf %get3A_256, %get3A_260 : vector<16xf32>
      %get3A_262 = arith.index_cast %scan3A_170 : i32 to index
      %get3A_263 = arith.constant 48 : index
      %get3A_264 = tpu.vector_load %arg8[%get3A_262, %get3A_263] {strides = array<i32>} : memref<64x384xf32, #tpu.memory_space<vmem>>, vector<1x16xf32>,
      %get3A_265 = vector.shape_cast %get3A_264 : vector<1x16xf32> to vector<16xf32>
      %get3A_266 = arith.index_cast %scan3A_170 : i32 to index
      %get3A_267 = arith.constant 48 : index
      %get3A_268 = tpu.vector_load %arg9[%get3A_266, %get3A_267] {strides = array<i32>} : memref<64x384xf32, #tpu.memory_space<vmem>>, vector<1x16xf32>,
      %get3A_269 = vector.shape_cast %get3A_268 : vector<1x16xf32> to vector<16xf32>
      %add3A_270 = arith.addf %get3A_265, %get3A_269 : vector<16xf32>
      %add3A_271 = arith.addf %add3A_261, %add3A_270 : vector<16xf32>
      %gt3A_272 = arith.constant 0.000000e+00 : f32
      %gt3A_273 = vector.broadcast %gt3A_272 : f32 to vector<16xf32>
      %gt3A_274 = arith.cmpf ogt, %add3A_271, %gt3A_273 : vector<16xf32>
      %select_n3A_275 = arith.select %gt3A_274, %broadcast_in_dim3A_40, %broadcast_in_dim3A_42 : vector<16xi1>, vector<16xf32>
      %swap3A_276 = arith.index_cast %scan3A_170 : i32 to index
      %swap3A_277 = arith.constant 48 : index
      %swap3A_278 = tpu.vector_load %arg6[%swap3A_276, %swap3A_277] {strides = array<i32>} : memref<64x384xf32, #tpu.memory_space<vmem>>, vector<1x16xf32>,
      %swap3A_279 = vector.shape_cast %swap3A_278 : vector<1x16xf32> to vector<16xf32>
      %swap3A_280 = vector.shape_cast %select_n3A_275 : vector<16xf32> to vector<1x16xf32>
      tpu.vector_store %arg6[%swap3A_276, %swap3A_277], %swap3A_280 {strides = array<i32>} : memref<64x384xf32, #tpu.memory_space<vmem>>, vector<1x16xf32>,
      %get3A_281 = arith.index_cast %scan3A_170 : i32 to index
      %get3A_282 = arith.constant 64 : index
      %get3A_283 = tpu.vector_load %arg6[%get3A_281, %get3A_282] {strides = array<i32>} : memref<64x384xf32, #tpu.memory_space<vmem>>, vector<1x16xf32>,
      %get3A_284 = vector.shape_cast %get3A_283 : vector<1x16xf32> to vector<16xf32>
      %get3A_285 = arith.index_cast %scan3A_170 : i32 to index
      %get3A_286 = arith.constant 64 : index
      %get3A_287 = tpu.vector_load %arg7[%get3A_285, %get3A_286] {strides = array<i32>} : memref<64x384xf32, #tpu.memory_space<vmem>>, vector<1x16xf32>,
      %get3A_288 = vector.shape_cast %get3A_287 : vector<1x16xf32> to vector<16xf32>
      %add3A_289 = arith.addf %get3A_284, %get3A_288 : vector<16xf32>
      %get3A_290 = arith.index_cast %scan3A_170 : i32 to index
      %get3A_291 = arith.constant 64 : index
      %get3A_292 = tpu.vector_load %arg8[%get3A_290, %get3A_291] {strides = array<i32>} : memref<64x384xf32, #tpu.memory_space<vmem>>, vector<1x16xf32>,
      %get3A_293 = vector.shape_cast %get3A_292 : vector<1x16xf32> to vector<16xf32>
      %get3A_294 = arith.index_cast %scan3A_170 : i32 to index
      %get3A_295 = arith.constant 64 : index
      %get3A_296 = tpu.vector_load %arg9[%get3A_294, %get3A_295] {strides = array<i32>} : memref<64x384xf32, #tpu.memory_space<vmem>>, vector<1x16xf32>,
      %get3A_297 = vector.shape_cast %get3A_296 : vector<1x16xf32> to vector<16xf32>
      %add3A_298 = arith.addf %get3A_293, %get3A_297 : vector<16xf32>
      %add3A_299 = arith.addf %add3A_289, %add3A_298 : vector<16xf32>
      %gt3A_300 = arith.constant 0.000000e+00 : f32
      %gt3A_301 = vector.broadcast %gt3A_300 : f32 to vector<16xf32>
      %gt3A_302 = arith.cmpf ogt, %add3A_299, %gt3A_301 : vector<16xf32>
      %select_n3A_303 = arith.select %gt3A_302, %broadcast_in_dim3A_40, %broadcast_in_dim3A_42 : vector<16xi1>, vector<16xf32>
      %swap3A_304 = arith.index_cast %scan3A_170 : i32 to index
      %swap3A_305 = arith.constant 64 : index
      %swap3A_306 = tpu.vector_load %arg6[%swap3A_304, %swap3A_305] {strides = array<i32>} : memref<64x384xf32, #tpu.memory_space<vmem>>, vector<1x16xf32>,
      %swap3A_307 = vector.shape_cast %swap3A_306 : vector<1x16xf32> to vector<16xf32>
      %swap3A_308 = vector.shape_cast %select_n3A_303 : vector<16xf32> to vector<1x16xf32>
      tpu.vector_store %arg6[%swap3A_304, %swap3A_305], %swap3A_308 {strides = array<i32>} : memref<64x384xf32, #tpu.memory_space<vmem>>, vector<1x16xf32>,
      %get3A_309 = arith.index_cast %scan3A_170 : i32 to index
      %get3A_310 = arith.constant 80 : index
      %get3A_311 = tpu.vector_load %arg6[%get3A_309, %get3A_310] {strides = array<i32>} : memref<64x384xf32, #tpu.memory_space<vmem>>, vector<1x16xf32>,
      %get3A_312 = vector.shape_cast %get3A_311 : vector<1x16xf32> to vector<16xf32>
      %get3A_313 = arith.index_cast %scan3A_170 : i32 to index
      %get3A_314 = arith.constant 80 : index
      %get3A_315 = tpu.vector_load %arg7[%get3A_313, %get3A_314] {strides = array<i32>} : memref<64x384xf32, #tpu.memory_space<vmem>>, vector<1x16xf32>,
      %get3A_316 = vector.shape_cast %get3A_315 : vector<1x16xf32> to vector<16xf32>
      %add3A_317 = arith.addf %get3A_312, %get3A_316 : vector<16xf32>
      %get3A_318 = arith.index_cast %scan3A_170 : i32 to index
      %get3A_319 = arith.constant 80 : index
      %get3A_320 = tpu.vector_load %arg8[%get3A_318, %get3A_319] {strides = array<i32>} : memref<64x384xf32, #tpu.memory_space<vmem>>, vector<1x16xf32>,
      %get3A_321 = vector.shape_cast %get3A_320 : vector<1x16xf32> to vector<16xf32>
      %get3A_322 = arith.index_cast %scan3A_170 : i32 to index
      %get3A_323 = arith.constant 80 : index
      %get3A_324 = tpu.vector_load %arg9[%get3A_322, %get3A_323] {strides = array<i32>} : memref<64x384xf32, #tpu.memory_space<vmem>>, vector<1x16xf32>,
      %get3A_325 = vector.shape_cast %get3A_324 : vector<1x16xf32> to vector<16xf32>
      %add3A_326 = arith.addf %get3A_321, %get3A_325 : vector<16xf32>
      %add3A_327 = arith.addf %add3A_317, %add3A_326 : vector<16xf32>
      %gt3A_328 = arith.constant 0.000000e+00 : f32
      %gt3A_329 = vector.broadcast %gt3A_328 : f32 to vector<16xf32>
      %gt3A_330 = arith.cmpf ogt, %add3A_327, %gt3A_329 : vector<16xf32>
      %select_n3A_331 = arith.select %gt3A_330, %broadcast_in_dim3A_40, %broadcast_in_dim3A_42 : vector<16xi1>, vector<16xf32>
      %swap3A_332 = arith.index_cast %scan3A_170 : i32 to index
      %swap3A_333 = arith.constant 80 : index
      %swap3A_334 = tpu.vector_load %arg6[%swap3A_332, %swap3A_333] {strides = array<i32>} : memref<64x384xf32, #tpu.memory_space<vmem>>, vector<1x16xf32>,
      %swap3A_335 = vector.shape_cast %swap3A_334 : vector<1x16xf32> to vector<16xf32>
      %swap3A_336 = vector.shape_cast %select_n3A_331 : vector<16xf32> to vector<1x16xf32>
      tpu.vector_store %arg6[%swap3A_332, %swap3A_333], %swap3A_336 {strides = array<i32>} : memref<64x384xf32, #tpu.memory_space<vmem>>, vector<1x16xf32>,
      %get3A_337 = arith.index_cast %scan3A_170 : i32 to index
      %get3A_338 = arith.constant 96 : index
      %get3A_339 = tpu.vector_load %arg6[%get3A_337, %get3A_338] {strides = array<i32>} : memref<64x384xf32, #tpu.memory_space<vmem>>, vector<1x16xf32>,
      %get3A_340 = vector.shape_cast %get3A_339 : vector<1x16xf32> to vector<16xf32>
      %get3A_341 = arith.index_cast %scan3A_170 : i32 to index
      %get3A_342 = arith.constant 96 : index
      %get3A_343 = tpu.vector_load %arg7[%get3A_341, %get3A_342] {strides = array<i32>} : memref<64x384xf32, #tpu.memory_space<vmem>>, vector<1x16xf32>,
      %get3A_344 = vector.shape_cast %get3A_343 : vector<1x16xf32> to vector<16xf32>
      %add3A_345 = arith.addf %get3A_340, %get3A_344 : vector<16xf32>
      %get3A_346 = arith.index_cast %scan3A_170 : i32 to index
      %get3A_347 = arith.constant 96 : index
      %get3A_348 = tpu.vector_load %arg8[%get3A_346, %get3A_347] {strides = array<i32>} : memref<64x384xf32, #tpu.memory_space<vmem>>, vector<1x16xf32>,
      %get3A_349 = vector.shape_cast %get3A_348 : vector<1x16xf32> to vector<16xf32>
      %get3A_350 = arith.index_cast %scan3A_170 : i32 to index
      %get3A_351 = arith.constant 96 : index
      %get3A_352 = tpu.vector_load %arg9[%get3A_350, %get3A_351] {strides = array<i32>} : memref<64x384xf32, #tpu.memory_space<vmem>>, vector<1x16xf32>,
      %get3A_353 = vector.shape_cast %get3A_352 : vector<1x16xf32> to vector<16xf32>
      %add3A_354 = arith.addf %get3A_349, %get3A_353 : vector<16xf32>
      %add3A_355 = arith.addf %add3A_345, %add3A_354 : vector<16xf32>
      %gt3A_356 = arith.constant 0.000000e+00 : f32
      %gt3A_357 = vector.broadcast %gt3A_356 : f32 to vector<16xf32>
      %gt3A_358 = arith.cmpf ogt, %add3A_355, %gt3A_357 : vector<16xf32>
      %select_n3A_359 = arith.select %gt3A_358, %broadcast_in_dim3A_40, %broadcast_in_dim3A_42 : vector<16xi1>, vector<16xf32>
      %swap3A_360 = arith.index_cast %scan3A_170 : i32 to index
      %swap3A_361 = arith.constant 96 : index
      %swap3A_362 = tpu.vector_load %arg6[%swap3A_360, %swap3A_361] {strides = array<i32>} : memref<64x384xf32, #tpu.memory_space<vmem>>, vector<1x16xf32>,
      %swap3A_363 = vector.shape_cast %swap3A_362 : vector<1x16xf32> to vector<16xf32>
      %swap3A_364 = vector.shape_cast %select_n3A_359 : vector<16xf32> to vector<1x16xf32>
      tpu.vector_store %arg6[%swap3A_360, %swap3A_361], %swap3A_364 {strides = array<i32>} : memref<64x384xf32, #tpu.memory_space<vmem>>, vector<1x16xf32>,
      %get3A_365 = arith.index_cast %scan3A_170 : i32 to index
      %get3A_366 = arith.constant 112 : index
      %get3A_367 = tpu.vector_load %arg6[%get3A_365, %get3A_366] {strides = array<i32>} : memref<64x384xf32, #tpu.memory_space<vmem>>, vector<1x16xf32>,
      %get3A_368 = vector.shape_cast %get3A_367 : vector<1x16xf32> to vector<16xf32>
      %get3A_369 = arith.index_cast %scan3A_170 : i32 to index
      %get3A_370 = arith.constant 112 : index
      %get3A_371 = tpu.vector_load %arg7[%get3A_369, %get3A_370] {strides = array<i32>} : memref<64x384xf32, #tpu.memory_space<vmem>>, vector<1x16xf32>,
      %get3A_372 = vector.shape_cast %get3A_371 : vector<1x16xf32> to vector<16xf32>
      %add3A_373 = arith.addf %get3A_368, %get3A_372 : vector<16xf32>
      %get3A_374 = arith.index_cast %scan3A_170 : i32 to index
      %get3A_375 = arith.constant 112 : index
      %get3A_376 = tpu.vector_load %arg8[%get3A_374, %get3A_375] {strides = array<i32>} : memref<64x384xf32, #tpu.memory_space<vmem>>, vector<1x16xf32>,
      %get3A_377 = vector.shape_cast %get3A_376 : vector<1x16xf32> to vector<16xf32>
      %get3A_378 = arith.index_cast %scan3A_170 : i32 to index
      %get3A_379 = arith.constant 112 : index
      %get3A_380 = tpu.vector_load %arg9[%get3A_378, %get3A_379] {strides = array<i32>} : memref<64x384xf32, #tpu.memory_space<vmem>>, vector<1x16xf32>,
      %get3A_381 = vector.shape_cast %get3A_380 : vector<1x16xf32> to vector<16xf32>
      %add3A_382 = arith.addf %get3A_377, %get3A_381 : vector<16xf32>
      %add3A_383 = arith.addf %add3A_373, %add3A_382 : vector<16xf32>
      %gt3A_384 = arith.constant 0.000000e+00 : f32
      %gt3A_385 = vector.broadcast %gt3A_384 : f32 to vector<16xf32>
      %gt3A_386 = arith.cmpf ogt, %add3A_383, %gt3A_385 : vector<16xf32>
      %select_n3A_387 = arith.select %gt3A_386, %broadcast_in_dim3A_40, %broadcast_in_dim3A_42 : vector<16xi1>, vector<16xf32>
      %swap3A_388 = arith.index_cast %scan3A_170 : i32 to index
      %swap3A_389 = arith.constant 112 : index
      %swap3A_390 = tpu.vector_load %arg6[%swap3A_388, %swap3A_389] {strides = array<i32>} : memref<64x384xf32, #tpu.memory_space<vmem>>, vector<1x16xf32>,
      %swap3A_391 = vector.shape_cast %swap3A_390 : vector<1x16xf32> to vector<16xf32>
      %swap3A_392 = vector.shape_cast %select_n3A_387 : vector<16xf32> to vector<1x16xf32>
      tpu.vector_store %arg6[%swap3A_388, %swap3A_389], %swap3A_392 {strides = array<i32>} : memref<64x384xf32, #tpu.memory_space<vmem>>, vector<1x16xf32>,
      %get3A_393 = arith.index_cast %scan3A_170 : i32 to index
      %get3A_394 = arith.constant 128 : index
      %get3A_395 = tpu.vector_load %arg6[%get3A_393, %get3A_394] {strides = array<i32>} : memref<64x384xf32, #tpu.memory_space<vmem>>, vector<1x16xf32>,
      %get3A_396 = vector.shape_cast %get3A_395 : vector<1x16xf32> to vector<16xf32>
      %get3A_397 = arith.index_cast %scan3A_170 : i32 to index
      %get3A_398 = arith.constant 128 : index
      %get3A_399 = tpu.vector_load %arg7[%get3A_397, %get3A_398] {strides = array<i32>} : memref<64x384xf32, #tpu.memory_space<vmem>>, vector<1x16xf32>,
      %get3A_400 = vector.shape_cast %get3A_399 : vector<1x16xf32> to vector<16xf32>
      %add3A_401 = arith.addf %get3A_396, %get3A_400 : vector<16xf32>
      %get3A_402 = arith.index_cast %scan3A_170 : i32 to index
      %get3A_403 = arith.constant 128 : index
      %get3A_404 = tpu.vector_load %arg8[%get3A_402, %get3A_403] {strides = array<i32>} : memref<64x384xf32, #tpu.memory_space<vmem>>, vector<1x16xf32>,
      %get3A_405 = vector.shape_cast %get3A_404 : vector<1x16xf32> to vector<16xf32>
      %get3A_406 = arith.index_cast %scan3A_170 : i32 to index
      %get3A_407 = arith.constant 128 : index
      %get3A_408 = tpu.vector_load %arg9[%get3A_406, %get3A_407] {strides = array<i32>} : memref<64x384xf32, #tpu.memory_space<vmem>>, vector<1x16xf32>,
      %get3A_409 = vector.shape_cast %get3A_408 : vector<1x16xf32> to vector<16xf32>
      %add3A_410 = arith.addf %get3A_405, %get3A_409 : vector<16xf32>
      %add3A_411 = arith.addf %add3A_401, %add3A_410 : vector<16xf32>
      %gt3A_412 = arith.constant 0.000000e+00 : f32
      %gt3A_413 = vector.broadcast %gt3A_412 : f32 to vector<16xf32>
      %gt3A_414 = arith.cmpf ogt, %add3A_411, %gt3A_413 : vector<16xf32>
      %select_n3A_415 = arith.select %gt3A_414, %broadcast_in_dim3A_40, %broadcast_in_dim3A_42 : vector<16xi1>, vector<16xf32>
      %swap3A_416 = arith.index_cast %scan3A_170 : i32 to index
      %swap3A_417 = arith.constant 128 : index
      %swap3A_418 = tpu.vector_load %arg6[%swap3A_416, %swap3A_417] {strides = array<i32>} : memref<64x384xf32, #tpu.memory_space<vmem>>, vector<1x16xf32>,
      %swap3A_419 = vector.shape_cast %swap3A_418 : vector<1x16xf32> to vector<16xf32>
      %swap3A_420 = vector.shape_cast %select_n3A_415 : vector<16xf32> to vector<1x16xf32>
      tpu.vector_store %arg6[%swap3A_416, %swap3A_417], %swap3A_420 {strides = array<i32>} : memref<64x384xf32, #tpu.memory_space<vmem>>, vector<1x16xf32>,
      %get3A_421 = arith.index_cast %scan3A_170 : i32 to index
      %get3A_422 = arith.constant 144 : index
      %get3A_423 = tpu.vector_load %arg6[%get3A_421, %get3A_422] {strides = array<i32>} : memref<64x384xf32, #tpu.memory_space<vmem>>, vector<1x16xf32>,
      %get3A_424 = vector.shape_cast %get3A_423 : vector<1x16xf32> to vector<16xf32>
      %get3A_425 = arith.index_cast %scan3A_170 : i32 to index
      %get3A_426 = arith.constant 144 : index
      %get3A_427 = tpu.vector_load %arg7[%get3A_425, %get3A_426] {strides = array<i32>} : memref<64x384xf32, #tpu.memory_space<vmem>>, vector<1x16xf32>,
      %get3A_428 = vector.shape_cast %get3A_427 : vector<1x16xf32> to vector<16xf32>
      %add3A_429 = arith.addf %get3A_424, %get3A_428 : vector<16xf32>
      %get3A_430 = arith.index_cast %scan3A_170 : i32 to index
      %get3A_431 = arith.constant 144 : index
      %get3A_432 = tpu.vector_load %arg8[%get3A_430, %get3A_431] {strides = array<i32>} : memref<64x384xf32, #tpu.memory_space<vmem>>, vector<1x16xf32>,
      %get3A_433 = vector.shape_cast %get3A_432 : vector<1x16xf32> to vector<16xf32>
      %get3A_434 = arith.index_cast %scan3A_170 : i32 to index
      %get3A_435 = arith.constant 144 : index
      %get3A_436 = tpu.vector_load %arg9[%get3A_434, %get3A_435] {strides = array<i32>} : memref<64x384xf32, #tpu.memory_space<vmem>>, vector<1x16xf32>,
      %get3A_437 = vector.shape_cast %get3A_436 : vector<1x16xf32> to vector<16xf32>
      %add3A_438 = arith.addf %get3A_433, %get3A_437 : vector<16xf32>
      %add3A_439 = arith.addf %add3A_429, %add3A_438 : vector<16xf32>
      %gt3A_440 = arith.constant 0.000000e+00 : f32
      %gt3A_441 = vector.broadcast %gt3A_440 : f32 to vector<16xf32>
      %gt3A_442 = arith.cmpf ogt, %add3A_439, %gt3A_441 : vector<16xf32>
      %select_n3A_443 = arith.select %gt3A_442, %broadcast_in_dim3A_40, %broadcast_in_dim3A_42 : vector<16xi1>, vector<16xf32>
      %swap3A_444 = arith.index_cast %scan3A_170 : i32 to index
      %swap3A_445 = arith.constant 144 : index
      %swap3A_446 = tpu.vector_load %arg6[%swap3A_444, %swap3A_445] {strides = array<i32>} : memref<64x384xf32, #tpu.memory_space<vmem>>, vector<1x16xf32>,
      %swap3A_447 = vector.shape_cast %swap3A_446 : vector<1x16xf32> to vector<16xf32>
      %swap3A_448 = vector.shape_cast %select_n3A_443 : vector<16xf32> to vector<1x16xf32>
      tpu.vector_store %arg6[%swap3A_444, %swap3A_445], %swap3A_448 {strides = array<i32>} : memref<64x384xf32, #tpu.memory_space<vmem>>, vector<1x16xf32>,
      %get3A_449 = arith.index_cast %scan3A_170 : i32 to index
      %get3A_450 = arith.constant 160 : index
      %get3A_451 = tpu.vector_load %arg6[%get3A_449, %get3A_450] {strides = array<i32>} : memref<64x384xf32, #tpu.memory_space<vmem>>, vector<1x16xf32>,
      %get3A_452 = vector.shape_cast %get3A_451 : vector<1x16xf32> to vector<16xf32>
      %get3A_453 = arith.index_cast %scan3A_170 : i32 to index
      %get3A_454 = arith.constant 160 : index
      %get3A_455 = tpu.vector_load %arg7[%get3A_453, %get3A_454] {strides = array<i32>} : memref<64x384xf32, #tpu.memory_space<vmem>>, vector<1x16xf32>,
      %get3A_456 = vector.shape_cast %get3A_455 : vector<1x16xf32> to vector<16xf32>
      %add3A_457 = arith.addf %get3A_452, %get3A_456 : vector<16xf32>
      %get3A_458 = arith.index_cast %scan3A_170 : i32 to index
      %get3A_459 = arith.constant 160 : index
      %get3A_460 = tpu.vector_load %arg8[%get3A_458, %get3A_459] {strides = array<i32>} : memref<64x384xf32, #tpu.memory_space<vmem>>, vector<1x16xf32>,
      %get3A_461 = vector.shape_cast %get3A_460 : vector<1x16xf32> to vector<16xf32>
      %get3A_462 = arith.index_cast %scan3A_170 : i32 to index
      %get3A_463 = arith.constant 160 : index
      %get3A_464 = tpu.vector_load %arg9[%get3A_462, %get3A_463] {strides = array<i32>} : memref<64x384xf32, #tpu.memory_space<vmem>>, vector<1x16xf32>,
      %get3A_465 = vector.shape_cast %get3A_464 : vector<1x16xf32> to vector<16xf32>
      %add3A_466 = arith.addf %get3A_461, %get3A_465 : vector<16xf32>
      %add3A_467 = arith.addf %add3A_457, %add3A_466 : vector<16xf32>
      %gt3A_468 = arith.constant 0.000000e+00 : f32
      %gt3A_469 = vector.broadcast %gt3A_468 : f32 to vector<16xf32>
      %gt3A_470 = arith.cmpf ogt, %add3A_467, %gt3A_469 : vector<16xf32>
      %select_n3A_471 = arith.select %gt3A_470, %broadcast_in_dim3A_40, %broadcast_in_dim3A_42 : vector<16xi1>, vector<16xf32>
      %swap3A_472 = arith.index_cast %scan3A_170 : i32 to index
      %swap3A_473 = arith.constant 160 : index
      %swap3A_474 = tpu.vector_load %arg6[%swap3A_472, %swap3A_473] {strides = array<i32>} : memref<64x384xf32, #tpu.memory_space<vmem>>, vector<1x16xf32>,
      %swap3A_475 = vector.shape_cast %swap3A_474 : vector<1x16xf32> to vector<16xf32>
      %swap3A_476 = vector.shape_cast %select_n3A_471 : vector<16xf32> to vector<1x16xf32>
      tpu.vector_store %arg6[%swap3A_472, %swap3A_473], %swap3A_476 {strides = array<i32>} : memref<64x384xf32, #tpu.memory_space<vmem>>, vector<1x16xf32>,
      %get3A_477 = arith.index_cast %scan3A_170 : i32 to index
      %get3A_478 = arith.constant 176 : index
      %get3A_479 = tpu.vector_load %arg6[%get3A_477, %get3A_478] {strides = array<i32>} : memref<64x384xf32, #tpu.memory_space<vmem>>, vector<1x16xf32>,
      %get3A_480 = vector.shape_cast %get3A_479 : vector<1x16xf32> to vector<16xf32>
      %get3A_481 = arith.index_cast %scan3A_170 : i32 to index
      %get3A_482 = arith.constant 176 : index
      %get3A_483 = tpu.vector_load %arg7[%get3A_481, %get3A_482] {strides = array<i32>} : memref<64x384xf32, #tpu.memory_space<vmem>>, vector<1x16xf32>,
      %get3A_484 = vector.shape_cast %get3A_483 : vector<1x16xf32> to vector<16xf32>
      %add3A_485 = arith.addf %get3A_480, %get3A_484 : vector<16xf32>
      %get3A_486 = arith.index_cast %scan3A_170 : i32 to index
      %get3A_487 = arith.constant 176 : index
      %get3A_488 = tpu.vector_load %arg8[%get3A_486, %get3A_487] {strides = array<i32>} : memref<64x384xf32, #tpu.memory_space<vmem>>, vector<1x16xf32>,
      %get3A_489 = vector.shape_cast %get3A_488 : vector<1x16xf32> to vector<16xf32>
      %get3A_490 = arith.index_cast %scan3A_170 : i32 to index
      %get3A_491 = arith.constant 176 : index
      %get3A_492 = tpu.vector_load %arg9[%get3A_490, %get3A_491] {strides = array<i32>} : memref<64x384xf32, #tpu.memory_space<vmem>>, vector<1x16xf32>,
      %get3A_493 = vector.shape_cast %get3A_492 : vector<1x16xf32> to vector<16xf32>
      %add3A_494 = arith.addf %get3A_489, %get3A_493 : vector<16xf32>
      %add3A_495 = arith.addf %add3A_485, %add3A_494 : vector<16xf32>
      %gt3A_496 = arith.constant 0.000000e+00 : f32
      %gt3A_497 = vector.broadcast %gt3A_496 : f32 to vector<16xf32>
      %gt3A_498 = arith.cmpf ogt, %add3A_495, %gt3A_497 : vector<16xf32>
      %select_n3A_499 = arith.select %gt3A_498, %broadcast_in_dim3A_40, %broadcast_in_dim3A_42 : vector<16xi1>, vector<16xf32>
      %swap3A_500 = arith.index_cast %scan3A_170 : i32 to index
      %swap3A_501 = arith.constant 176 : index
      %swap3A_502 = tpu.vector_load %arg6[%swap3A_500, %swap3A_501] {strides = array<i32>} : memref<64x384xf32, #tpu.memory_space<vmem>>, vector<1x16xf32>,
      %swap3A_503 = vector.shape_cast %swap3A_502 : vector<1x16xf32> to vector<16xf32>
      %swap3A_504 = vector.shape_cast %select_n3A_499 : vector<16xf32> to vector<1x16xf32>
      tpu.vector_store %arg6[%swap3A_500, %swap3A_501], %swap3A_504 {strides = array<i32>} : memref<64x384xf32, #tpu.memory_space<vmem>>, vector<1x16xf32>,
      %get3A_505 = arith.index_cast %scan3A_170 : i32 to index
      %get3A_506 = arith.constant 192 : index
      %get3A_507 = tpu.vector_load %arg6[%get3A_505, %get3A_506] {strides = array<i32>} : memref<64x384xf32, #tpu.memory_space<vmem>>, vector<1x16xf32>,
      %get3A_508 = vector.shape_cast %get3A_507 : vector<1x16xf32> to vector<16xf32>
      %get3A_509 = arith.index_cast %scan3A_170 : i32 to index
      %get3A_510 = arith.constant 192 : index
      %get3A_511 = tpu.vector_load %arg7[%get3A_509, %get3A_510] {strides = array<i32>} : memref<64x384xf32, #tpu.memory_space<vmem>>, vector<1x16xf32>,
      %get3A_512 = vector.shape_cast %get3A_511 : vector<1x16xf32> to vector<16xf32>
      %add3A_513 = arith.addf %get3A_508, %get3A_512 : vector<16xf32>
      %get3A_514 = arith.index_cast %scan3A_170 : i32 to index
      %get3A_515 = arith.constant 192 : index
      %get3A_516 = tpu.vector_load %arg8[%get3A_514, %get3A_515] {strides = array<i32>} : memref<64x384xf32, #tpu.memory_space<vmem>>, vector<1x16xf32>,
      %get3A_517 = vector.shape_cast %get3A_516 : vector<1x16xf32> to vector<16xf32>
      %get3A_518 = arith.index_cast %scan3A_170 : i32 to index
      %get3A_519 = arith.constant 192 : index
      %get3A_520 = tpu.vector_load %arg9[%get3A_518, %get3A_519] {strides = array<i32>} : memref<64x384xf32, #tpu.memory_space<vmem>>, vector<1x16xf32>,
      %get3A_521 = vector.shape_cast %get3A_520 : vector<1x16xf32> to vector<16xf32>
      %add3A_522 = arith.addf %get3A_517, %get3A_521 : vector<16xf32>
      %add3A_523 = arith.addf %add3A_513, %add3A_522 : vector<16xf32>
      %gt3A_524 = arith.constant 0.000000e+00 : f32
      %gt3A_525 = vector.broadcast %gt3A_524 : f32 to vector<16xf32>
      %gt3A_526 = arith.cmpf ogt, %add3A_523, %gt3A_525 : vector<16xf32>
      %select_n3A_527 = arith.select %gt3A_526, %broadcast_in_dim3A_40, %broadcast_in_dim3A_42 : vector<16xi1>, vector<16xf32>
      %swap3A_528 = arith.index_cast %scan3A_170 : i32 to index
      %swap3A_529 = arith.constant 192 : index
      %swap3A_530 = tpu.vector_load %arg6[%swap3A_528, %swap3A_529] {strides = array<i32>} : memref<64x384xf32, #tpu.memory_space<vmem>>, vector<1x16xf32>,
      %swap3A_531 = vector.shape_cast %swap3A_530 : vector<1x16xf32> to vector<16xf32>
      %swap3A_532 = vector.shape_cast %select_n3A_527 : vector<16xf32> to vector<1x16xf32>
      tpu.vector_store %arg6[%swap3A_528, %swap3A_529], %swap3A_532 {strides = array<i32>} : memref<64x384xf32, #tpu.memory_space<vmem>>, vector<1x16xf32>,
      %get3A_533 = arith.index_cast %scan3A_170 : i32 to index
      %get3A_534 = arith.constant 208 : index
      %get3A_535 = tpu.vector_load %arg6[%get3A_533, %get3A_534] {strides = array<i32>} : memref<64x384xf32, #tpu.memory_space<vmem>>, vector<1x16xf32>,
      %get3A_536 = vector.shape_cast %get3A_535 : vector<1x16xf32> to vector<16xf32>
      %get3A_537 = arith.index_cast %scan3A_170 : i32 to index
      %get3A_538 = arith.constant 208 : index
      %get3A_539 = tpu.vector_load %arg7[%get3A_537, %get3A_538] {strides = array<i32>} : memref<64x384xf32, #tpu.memory_space<vmem>>, vector<1x16xf32>,
      %get3A_540 = vector.shape_cast %get3A_539 : vector<1x16xf32> to vector<16xf32>
      %add3A_541 = arith.addf %get3A_536, %get3A_540 : vector<16xf32>
      %get3A_542 = arith.index_cast %scan3A_170 : i32 to index
      %get3A_543 = arith.constant 208 : index
      %get3A_544 = tpu.vector_load %arg8[%get3A_542, %get3A_543] {strides = array<i32>} : memref<64x384xf32, #tpu.memory_space<vmem>>, vector<1x16xf32>,
      %get3A_545 = vector.shape_cast %get3A_544 : vector<1x16xf32> to vector<16xf32>
      %get3A_546 = arith.index_cast %scan3A_170 : i32 to index
      %get3A_547 = arith.constant 208 : index
      %get3A_548 = tpu.vector_load %arg9[%get3A_546, %get3A_547] {strides = array<i32>} : memref<64x384xf32, #tpu.memory_space<vmem>>, vector<1x16xf32>,
      %get3A_549 = vector.shape_cast %get3A_548 : vector<1x16xf32> to vector<16xf32>
      %add3A_550 = arith.addf %get3A_545, %get3A_549 : vector<16xf32>
      %add3A_551 = arith.addf %add3A_541, %add3A_550 : vector<16xf32>
      %gt3A_552 = arith.constant 0.000000e+00 : f32
      %gt3A_553 = vector.broadcast %gt3A_552 : f32 to vector<16xf32>
      %gt3A_554 = arith.cmpf ogt, %add3A_551, %gt3A_553 : vector<16xf32>
      %select_n3A_555 = arith.select %gt3A_554, %broadcast_in_dim3A_40, %broadcast_in_dim3A_42 : vector<16xi1>, vector<16xf32>
      %swap3A_556 = arith.index_cast %scan3A_170 : i32 to index
      %swap3A_557 = arith.constant 208 : index
      %swap3A_558 = tpu.vector_load %arg6[%swap3A_556, %swap3A_557] {strides = array<i32>} : memref<64x384xf32, #tpu.memory_space<vmem>>, vector<1x16xf32>,
      %swap3A_559 = vector.shape_cast %swap3A_558 : vector<1x16xf32> to vector<16xf32>
      %swap3A_560 = vector.shape_cast %select_n3A_555 : vector<16xf32> to vector<1x16xf32>
      tpu.vector_store %arg6[%swap3A_556, %swap3A_557], %swap3A_560 {strides = array<i32>} : memref<64x384xf32, #tpu.memory_space<vmem>>, vector<1x16xf32>,
      %get3A_561 = arith.index_cast %scan3A_170 : i32 to index
      %get3A_562 = arith.constant 224 : index
      %get3A_563 = tpu.vector_load %arg6[%get3A_561, %get3A_562] {strides = array<i32>} : memref<64x384xf32, #tpu.memory_space<vmem>>, vector<1x16xf32>,
      %get3A_564 = vector.shape_cast %get3A_563 : vector<1x16xf32> to vector<16xf32>
      %get3A_565 = arith.index_cast %scan3A_170 : i32 to index
      %get3A_566 = arith.constant 224 : index
      %get3A_567 = tpu.vector_load %arg7[%get3A_565, %get3A_566] {strides = array<i32>} : memref<64x384xf32, #tpu.memory_space<vmem>>, vector<1x16xf32>,
      %get3A_568 = vector.shape_cast %get3A_567 : vector<1x16xf32> to vector<16xf32>
      %add3A_569 = arith.addf %get3A_564, %get3A_568 : vector<16xf32>
      %get3A_570 = arith.index_cast %scan3A_170 : i32 to index
      %get3A_571 = arith.constant 224 : index
      %get3A_572 = tpu.vector_load %arg8[%get3A_570, %get3A_571] {strides = array<i32>} : memref<64x384xf32, #tpu.memory_space<vmem>>, vector<1x16xf32>,
      %get3A_573 = vector.shape_cast %get3A_572 : vector<1x16xf32> to vector<16xf32>
      %get3A_574 = arith.index_cast %scan3A_170 : i32 to index
      %get3A_575 = arith.constant 224 : index
      %get3A_576 = tpu.vector_load %arg9[%get3A_574, %get3A_575] {strides = array<i32>} : memref<64x384xf32, #tpu.memory_space<vmem>>, vector<1x16xf32>,
      %get3A_577 = vector.shape_cast %get3A_576 : vector<1x16xf32> to vector<16xf32>
      %add3A_578 = arith.addf %get3A_573, %get3A_577 : vector<16xf32>
      %add3A_579 = arith.addf %add3A_569, %add3A_578 : vector<16xf32>
      %gt3A_580 = arith.constant 0.000000e+00 : f32
      %gt3A_581 = vector.broadcast %gt3A_580 : f32 to vector<16xf32>
      %gt3A_582 = arith.cmpf ogt, %add3A_579, %gt3A_581 : vector<16xf32>
      %select_n3A_583 = arith.select %gt3A_582, %broadcast_in_dim3A_40, %broadcast_in_dim3A_42 : vector<16xi1>, vector<16xf32>
      %swap3A_584 = arith.index_cast %scan3A_170 : i32 to index
      %swap3A_585 = arith.constant 224 : index
      %swap3A_586 = tpu.vector_load %arg6[%swap3A_584, %swap3A_585] {strides = array<i32>} : memref<64x384xf32, #tpu.memory_space<vmem>>, vector<1x16xf32>,
      %swap3A_587 = vector.shape_cast %swap3A_586 : vector<1x16xf32> to vector<16xf32>
      %swap3A_588 = vector.shape_cast %select_n3A_583 : vector<16xf32> to vector<1x16xf32>
      tpu.vector_store %arg6[%swap3A_584, %swap3A_585], %swap3A_588 {strides = array<i32>} : memref<64x384xf32, #tpu.memory_space<vmem>>, vector<1x16xf32>,
      %get3A_589 = arith.index_cast %scan3A_170 : i32 to index
      %get3A_590 = arith.constant 240 : index
      %get3A_591 = tpu.vector_load %arg6[%get3A_589, %get3A_590] {strides = array<i32>} : memref<64x384xf32, #tpu.memory_space<vmem>>, vector<1x16xf32>,
      %get3A_592 = vector.shape_cast %get3A_591 : vector<1x16xf32> to vector<16xf32>
      %get3A_593 = arith.index_cast %scan3A_170 : i32 to index
      %get3A_594 = arith.constant 240 : index
      %get3A_595 = tpu.vector_load %arg7[%get3A_593, %get3A_594] {strides = array<i32>} : memref<64x384xf32, #tpu.memory_space<vmem>>, vector<1x16xf32>,
      %get3A_596 = vector.shape_cast %get3A_595 : vector<1x16xf32> to vector<16xf32>
      %add3A_597 = arith.addf %get3A_592, %get3A_596 : vector<16xf32>
      %get3A_598 = arith.index_cast %scan3A_170 : i32 to index
      %get3A_599 = arith.constant 240 : index
      %get3A_600 = tpu.vector_load %arg8[%get3A_598, %get3A_599] {strides = array<i32>} : memref<64x384xf32, #tpu.memory_space<vmem>>, vector<1x16xf32>,
      %get3A_601 = vector.shape_cast %get3A_600 : vector<1x16xf32> to vector<16xf32>
      %get3A_602 = arith.index_cast %scan3A_170 : i32 to index
      %get3A_603 = arith.constant 240 : index
      %get3A_604 = tpu.vector_load %arg9[%get3A_602, %get3A_603] {strides = array<i32>} : memref<64x384xf32, #tpu.memory_space<vmem>>, vector<1x16xf32>,
      %get3A_605 = vector.shape_cast %get3A_604 : vector<1x16xf32> to vector<16xf32>
      %add3A_606 = arith.addf %get3A_601, %get3A_605 : vector<16xf32>
      %add3A_607 = arith.addf %add3A_597, %add3A_606 : vector<16xf32>
      %gt3A_608 = arith.constant 0.000000e+00 : f32
      %gt3A_609 = vector.broadcast %gt3A_608 : f32 to vector<16xf32>
      %gt3A_610 = arith.cmpf ogt, %add3A_607, %gt3A_609 : vector<16xf32>
      %select_n3A_611 = arith.select %gt3A_610, %broadcast_in_dim3A_40, %broadcast_in_dim3A_42 : vector<16xi1>, vector<16xf32>
      %swap3A_612 = arith.index_cast %scan3A_170 : i32 to index
      %swap3A_613 = arith.constant 240 : index
      %swap3A_614 = tpu.vector_load %arg6[%swap3A_612, %swap3A_613] {strides = array<i32>} : memref<64x384xf32, #tpu.memory_space<vmem>>, vector<1x16xf32>,
      %swap3A_615 = vector.shape_cast %swap3A_614 : vector<1x16xf32> to vector<16xf32>
      %swap3A_616 = vector.shape_cast %select_n3A_611 : vector<16xf32> to vector<1x16xf32>
      tpu.vector_store %arg6[%swap3A_612, %swap3A_613], %swap3A_616 {strides = array<i32>} : memref<64x384xf32, #tpu.memory_space<vmem>>, vector<1x16xf32>,
      %get3A_617 = arith.index_cast %scan3A_170 : i32 to index
      %get3A_618 = arith.constant 256 : index
      %get3A_619 = tpu.vector_load %arg6[%get3A_617, %get3A_618] {strides = array<i32>} : memref<64x384xf32, #tpu.memory_space<vmem>>, vector<1x16xf32>,
      %get3A_620 = vector.shape_cast %get3A_619 : vector<1x16xf32> to vector<16xf32>
      %get3A_621 = arith.index_cast %scan3A_170 : i32 to index
      %get3A_622 = arith.constant 256 : index
      %get3A_623 = tpu.vector_load %arg7[%get3A_621, %get3A_622] {strides = array<i32>} : memref<64x384xf32, #tpu.memory_space<vmem>>, vector<1x16xf32>,
      %get3A_624 = vector.shape_cast %get3A_623 : vector<1x16xf32> to vector<16xf32>
      %add3A_625 = arith.addf %get3A_620, %get3A_624 : vector<16xf32>
      %get3A_626 = arith.index_cast %scan3A_170 : i32 to index
      %get3A_627 = arith.constant 256 : index
      %get3A_628 = tpu.vector_load %arg8[%get3A_626, %get3A_627] {strides = array<i32>} : memref<64x384xf32, #tpu.memory_space<vmem>>, vector<1x16xf32>,
      %get3A_629 = vector.shape_cast %get3A_628 : vector<1x16xf32> to vector<16xf32>
      %get3A_630 = arith.index_cast %scan3A_170 : i32 to index
      %get3A_631 = arith.constant 256 : index
      %get3A_632 = tpu.vector_load %arg9[%get3A_630, %get3A_631] {strides = array<i32>} : memref<64x384xf32, #tpu.memory_space<vmem>>, vector<1x16xf32>,
      %get3A_633 = vector.shape_cast %get3A_632 : vector<1x16xf32> to vector<16xf32>
      %add3A_634 = arith.addf %get3A_629, %get3A_633 : vector<16xf32>
      %add3A_635 = arith.addf %add3A_625, %add3A_634 : vector<16xf32>
      %gt3A_636 = arith.constant 0.000000e+00 : f32
      %gt3A_637 = vector.broadcast %gt3A_636 : f32 to vector<16xf32>
      %gt3A_638 = arith.cmpf ogt, %add3A_635, %gt3A_637 : vector<16xf32>
      %select_n3A_639 = arith.select %gt3A_638, %broadcast_in_dim3A_40, %broadcast_in_dim3A_42 : vector<16xi1>, vector<16xf32>
      %swap3A_640 = arith.index_cast %scan3A_170 : i32 to index
      %swap3A_641 = arith.constant 256 : index
      %swap3A_642 = tpu.vector_load %arg6[%swap3A_640, %swap3A_641] {strides = array<i32>} : memref<64x384xf32, #tpu.memory_space<vmem>>, vector<1x16xf32>,
      %swap3A_643 = vector.shape_cast %swap3A_642 : vector<1x16xf32> to vector<16xf32>
      %swap3A_644 = vector.shape_cast %select_n3A_639 : vector<16xf32> to vector<1x16xf32>
      tpu.vector_store %arg6[%swap3A_640, %swap3A_641], %swap3A_644 {strides = array<i32>} : memref<64x384xf32, #tpu.memory_space<vmem>>, vector<1x16xf32>,
      %get3A_645 = arith.index_cast %scan3A_170 : i32 to index
      %get3A_646 = arith.constant 272 : index
      %get3A_647 = tpu.vector_load %arg6[%get3A_645, %get3A_646] {strides = array<i32>} : memref<64x384xf32, #tpu.memory_space<vmem>>, vector<1x16xf32>,
      %get3A_648 = vector.shape_cast %get3A_647 : vector<1x16xf32> to vector<16xf32>
      %get3A_649 = arith.index_cast %scan3A_170 : i32 to index
      %get3A_650 = arith.constant 272 : index
      %get3A_651 = tpu.vector_load %arg7[%get3A_649, %get3A_650] {strides = array<i32>} : memref<64x384xf32, #tpu.memory_space<vmem>>, vector<1x16xf32>,
      %get3A_652 = vector.shape_cast %get3A_651 : vector<1x16xf32> to vector<16xf32>
      %add3A_653 = arith.addf %get3A_648, %get3A_652 : vector<16xf32>
      %get3A_654 = arith.index_cast %scan3A_170 : i32 to index
      %get3A_655 = arith.constant 272 : index
      %get3A_656 = tpu.vector_load %arg8[%get3A_654, %get3A_655] {strides = array<i32>} : memref<64x384xf32, #tpu.memory_space<vmem>>, vector<1x16xf32>,
      %get3A_657 = vector.shape_cast %get3A_656 : vector<1x16xf32> to vector<16xf32>
      %get3A_658 = arith.index_cast %scan3A_170 : i32 to index
      %get3A_659 = arith.constant 272 : index
      %get3A_660 = tpu.vector_load %arg9[%get3A_658, %get3A_659] {strides = array<i32>} : memref<64x384xf32, #tpu.memory_space<vmem>>, vector<1x16xf32>,
      %get3A_661 = vector.shape_cast %get3A_660 : vector<1x16xf32> to vector<16xf32>
      %add3A_662 = arith.addf %get3A_657, %get3A_661 : vector<16xf32>
      %add3A_663 = arith.addf %add3A_653, %add3A_662 : vector<16xf32>
      %gt3A_664 = arith.constant 0.000000e+00 : f32
      %gt3A_665 = vector.broadcast %gt3A_664 : f32 to vector<16xf32>
      %gt3A_666 = arith.cmpf ogt, %add3A_663, %gt3A_665 : vector<16xf32>
      %select_n3A_667 = arith.select %gt3A_666, %broadcast_in_dim3A_40, %broadcast_in_dim3A_42 : vector<16xi1>, vector<16xf32>
      %swap3A_668 = arith.index_cast %scan3A_170 : i32 to index
      %swap3A_669 = arith.constant 272 : index
      %swap3A_670 = tpu.vector_load %arg6[%swap3A_668, %swap3A_669] {strides = array<i32>} : memref<64x384xf32, #tpu.memory_space<vmem>>, vector<1x16xf32>,
      %swap3A_671 = vector.shape_cast %swap3A_670 : vector<1x16xf32> to vector<16xf32>
      %swap3A_672 = vector.shape_cast %select_n3A_667 : vector<16xf32> to vector<1x16xf32>
      tpu.vector_store %arg6[%swap3A_668, %swap3A_669], %swap3A_672 {strides = array<i32>} : memref<64x384xf32, #tpu.memory_space<vmem>>, vector<1x16xf32>,
      %get3A_673 = arith.index_cast %scan3A_170 : i32 to index
      %get3A_674 = arith.constant 288 : index
      %get3A_675 = tpu.vector_load %arg6[%get3A_673, %get3A_674] {strides = array<i32>} : memref<64x384xf32, #tpu.memory_space<vmem>>, vector<1x16xf32>,
      %get3A_676 = vector.shape_cast %get3A_675 : vector<1x16xf32> to vector<16xf32>
      %get3A_677 = arith.index_cast %scan3A_170 : i32 to index
      %get3A_678 = arith.constant 288 : index
      %get3A_679 = tpu.vector_load %arg7[%get3A_677, %get3A_678] {strides = array<i32>} : memref<64x384xf32, #tpu.memory_space<vmem>>, vector<1x16xf32>,
      %get3A_680 = vector.shape_cast %get3A_679 : vector<1x16xf32> to vector<16xf32>
      %add3A_681 = arith.addf %get3A_676, %get3A_680 : vector<16xf32>
      %get3A_682 = arith.index_cast %scan3A_170 : i32 to index
      %get3A_683 = arith.constant 288 : index
      %get3A_684 = tpu.vector_load %arg8[%get3A_682, %get3A_683] {strides = array<i32>} : memref<64x384xf32, #tpu.memory_space<vmem>>, vector<1x16xf32>,
      %get3A_685 = vector.shape_cast %get3A_684 : vector<1x16xf32> to vector<16xf32>
      %get3A_686 = arith.index_cast %scan3A_170 : i32 to index
      %get3A_687 = arith.constant 288 : index
      %get3A_688 = tpu.vector_load %arg9[%get3A_686, %get3A_687] {strides = array<i32>} : memref<64x384xf32, #tpu.memory_space<vmem>>, vector<1x16xf32>,
      %get3A_689 = vector.shape_cast %get3A_688 : vector<1x16xf32> to vector<16xf32>
      %add3A_690 = arith.addf %get3A_685, %get3A_689 : vector<16xf32>
      %add3A_691 = arith.addf %add3A_681, %add3A_690 : vector<16xf32>
      %gt3A_692 = arith.constant 0.000000e+00 : f32
      %gt3A_693 = vector.broadcast %gt3A_692 : f32 to vector<16xf32>
      %gt3A_694 = arith.cmpf ogt, %add3A_691, %gt3A_693 : vector<16xf32>
      %select_n3A_695 = arith.select %gt3A_694, %broadcast_in_dim3A_40, %broadcast_in_dim3A_42 : vector<16xi1>, vector<16xf32>
      %swap3A_696 = arith.index_cast %scan3A_170 : i32 to index
      %swap3A_697 = arith.constant 288 : index
      %swap3A_698 = tpu.vector_load %arg6[%swap3A_696, %swap3A_697] {strides = array<i32>} : memref<64x384xf32, #tpu.memory_space<vmem>>, vector<1x16xf32>,
      %swap3A_699 = vector.shape_cast %swap3A_698 : vector<1x16xf32> to vector<16xf32>
      %swap3A_700 = vector.shape_cast %select_n3A_695 : vector<16xf32> to vector<1x16xf32>
      tpu.vector_store %arg6[%swap3A_696, %swap3A_697], %swap3A_700 {strides = array<i32>} : memref<64x384xf32, #tpu.memory_space<vmem>>, vector<1x16xf32>,
      %get3A_701 = arith.index_cast %scan3A_170 : i32 to index
      %get3A_702 = arith.constant 304 : index
      %get3A_703 = tpu.vector_load %arg6[%get3A_701, %get3A_702] {strides = array<i32>} : memref<64x384xf32, #tpu.memory_space<vmem>>, vector<1x16xf32>,
      %get3A_704 = vector.shape_cast %get3A_703 : vector<1x16xf32> to vector<16xf32>
      %get3A_705 = arith.index_cast %scan3A_170 : i32 to index
      %get3A_706 = arith.constant 304 : index
      %get3A_707 = tpu.vector_load %arg7[%get3A_705, %get3A_706] {strides = array<i32>} : memref<64x384xf32, #tpu.memory_space<vmem>>, vector<1x16xf32>,
      %get3A_708 = vector.shape_cast %get3A_707 : vector<1x16xf32> to vector<16xf32>
      %add3A_709 = arith.addf %get3A_704, %get3A_708 : vector<16xf32>
      %get3A_710 = arith.index_cast %scan3A_170 : i32 to index
      %get3A_711 = arith.constant 304 : index
      %get3A_712 = tpu.vector_load %arg8[%get3A_710, %get3A_711] {strides = array<i32>} : memref<64x384xf32, #tpu.memory_space<vmem>>, vector<1x16xf32>,
      %get3A_713 = vector.shape_cast %get3A_712 : vector<1x16xf32> to vector<16xf32>
      %get3A_714 = arith.index_cast %scan3A_170 : i32 to index
      %get3A_715 = arith.constant 304 : index
      %get3A_716 = tpu.vector_load %arg9[%get3A_714, %get3A_715] {strides = array<i32>} : memref<64x384xf32, #tpu.memory_space<vmem>>, vector<1x16xf32>,
      %get3A_717 = vector.shape_cast %get3A_716 : vector<1x16xf32> to vector<16xf32>
      %add3A_718 = arith.addf %get3A_713, %get3A_717 : vector<16xf32>
      %add3A_719 = arith.addf %add3A_709, %add3A_718 : vector<16xf32>
      %gt3A_720 = arith.constant 0.000000e+00 : f32
      %gt3A_721 = vector.broadcast %gt3A_720 : f32 to vector<16xf32>
      %gt3A_722 = arith.cmpf ogt, %add3A_719, %gt3A_721 : vector<16xf32>
      %select_n3A_723 = arith.select %gt3A_722, %broadcast_in_dim3A_40, %broadcast_in_dim3A_42 : vector<16xi1>, vector<16xf32>
      %swap3A_724 = arith.index_cast %scan3A_170 : i32 to index
      %swap3A_725 = arith.constant 304 : index
      %swap3A_726 = tpu.vector_load %arg6[%swap3A_724, %swap3A_725] {strides = array<i32>} : memref<64x384xf32, #tpu.memory_space<vmem>>, vector<1x16xf32>,
      %swap3A_727 = vector.shape_cast %swap3A_726 : vector<1x16xf32> to vector<16xf32>
      %swap3A_728 = vector.shape_cast %select_n3A_723 : vector<16xf32> to vector<1x16xf32>
      tpu.vector_store %arg6[%swap3A_724, %swap3A_725], %swap3A_728 {strides = array<i32>} : memref<64x384xf32, #tpu.memory_space<vmem>>, vector<1x16xf32>,
      %get3A_729 = arith.index_cast %scan3A_170 : i32 to index
      %get3A_730 = arith.constant 320 : index
      %get3A_731 = tpu.vector_load %arg6[%get3A_729, %get3A_730] {strides = array<i32>} : memref<64x384xf32, #tpu.memory_space<vmem>>, vector<1x16xf32>,
      %get3A_732 = vector.shape_cast %get3A_731 : vector<1x16xf32> to vector<16xf32>
      %get3A_733 = arith.index_cast %scan3A_170 : i32 to index
      %get3A_734 = arith.constant 320 : index
      %get3A_735 = tpu.vector_load %arg7[%get3A_733, %get3A_734] {strides = array<i32>} : memref<64x384xf32, #tpu.memory_space<vmem>>, vector<1x16xf32>,
      %get3A_736 = vector.shape_cast %get3A_735 : vector<1x16xf32> to vector<16xf32>
      %add3A_737 = arith.addf %get3A_732, %get3A_736 : vector<16xf32>
      %get3A_738 = arith.index_cast %scan3A_170 : i32 to index
      %get3A_739 = arith.constant 320 : index
      %get3A_740 = tpu.vector_load %arg8[%get3A_738, %get3A_739] {strides = array<i32>} : memref<64x384xf32, #tpu.memory_space<vmem>>, vector<1x16xf32>,
      %get3A_741 = vector.shape_cast %get3A_740 : vector<1x16xf32> to vector<16xf32>
      %get3A_742 = arith.index_cast %scan3A_170 : i32 to index
      %get3A_743 = arith.constant 320 : index
      %get3A_744 = tpu.vector_load %arg9[%get3A_742, %get3A_743] {strides = array<i32>} : memref<64x384xf32, #tpu.memory_space<vmem>>, vector<1x16xf32>,
      %get3A_745 = vector.shape_cast %get3A_744 : vector<1x16xf32> to vector<16xf32>
      %add3A_746 = arith.addf %get3A_741, %get3A_745 : vector<16xf32>
      %add3A_747 = arith.addf %add3A_737, %add3A_746 : vector<16xf32>
      %gt3A_748 = arith.constant 0.000000e+00 : f32
      %gt3A_749 = vector.broadcast %gt3A_748 : f32 to vector<16xf32>
      %gt3A_750 = arith.cmpf ogt, %add3A_747, %gt3A_749 : vector<16xf32>
      %select_n3A_751 = arith.select %gt3A_750, %broadcast_in_dim3A_40, %broadcast_in_dim3A_42 : vector<16xi1>, vector<16xf32>
      %swap3A_752 = arith.index_cast %scan3A_170 : i32 to index
      %swap3A_753 = arith.constant 320 : index
      %swap3A_754 = tpu.vector_load %arg6[%swap3A_752, %swap3A_753] {strides = array<i32>} : memref<64x384xf32, #tpu.memory_space<vmem>>, vector<1x16xf32>,
      %swap3A_755 = vector.shape_cast %swap3A_754 : vector<1x16xf32> to vector<16xf32>
      %swap3A_756 = vector.shape_cast %select_n3A_751 : vector<16xf32> to vector<1x16xf32>
      tpu.vector_store %arg6[%swap3A_752, %swap3A_753], %swap3A_756 {strides = array<i32>} : memref<64x384xf32, #tpu.memory_space<vmem>>, vector<1x16xf32>,
      %get3A_757 = arith.index_cast %scan3A_170 : i32 to index
      %get3A_758 = arith.constant 336 : index
      %get3A_759 = tpu.vector_load %arg6[%get3A_757, %get3A_758] {strides = array<i32>} : memref<64x384xf32, #tpu.memory_space<vmem>>, vector<1x16xf32>,
      %get3A_760 = vector.shape_cast %get3A_759 : vector<1x16xf32> to vector<16xf32>
      %get3A_761 = arith.index_cast %scan3A_170 : i32 to index
      %get3A_762 = arith.constant 336 : index
      %get3A_763 = tpu.vector_load %arg7[%get3A_761, %get3A_762] {strides = array<i32>} : memref<64x384xf32, #tpu.memory_space<vmem>>, vector<1x16xf32>,
      %get3A_764 = vector.shape_cast %get3A_763 : vector<1x16xf32> to vector<16xf32>
      %add3A_765 = arith.addf %get3A_760, %get3A_764 : vector<16xf32>
      %get3A_766 = arith.index_cast %scan3A_170 : i32 to index
      %get3A_767 = arith.constant 336 : index
      %get3A_768 = tpu.vector_load %arg8[%get3A_766, %get3A_767] {strides = array<i32>} : memref<64x384xf32, #tpu.memory_space<vmem>>, vector<1x16xf32>,
      %get3A_769 = vector.shape_cast %get3A_768 : vector<1x16xf32> to vector<16xf32>
      %get3A_770 = arith.index_cast %scan3A_170 : i32 to index
      %get3A_771 = arith.constant 336 : index
      %get3A_772 = tpu.vector_load %arg9[%get3A_770, %get3A_771] {strides = array<i32>} : memref<64x384xf32, #tpu.memory_space<vmem>>, vector<1x16xf32>,
      %get3A_773 = vector.shape_cast %get3A_772 : vector<1x16xf32> to vector<16xf32>
      %add3A_774 = arith.addf %get3A_769, %get3A_773 : vector<16xf32>
      %add3A_775 = arith.addf %add3A_765, %add3A_774 : vector<16xf32>
      %gt3A_776 = arith.constant 0.000000e+00 : f32
      %gt3A_777 = vector.broadcast %gt3A_776 : f32 to vector<16xf32>
      %gt3A_778 = arith.cmpf ogt, %add3A_775, %gt3A_777 : vector<16xf32>
      %select_n3A_779 = arith.select %gt3A_778, %broadcast_in_dim3A_40, %broadcast_in_dim3A_42 : vector<16xi1>, vector<16xf32>
      %swap3A_780 = arith.index_cast %scan3A_170 : i32 to index
      %swap3A_781 = arith.constant 336 : index
      %swap3A_782 = tpu.vector_load %arg6[%swap3A_780, %swap3A_781] {strides = array<i32>} : memref<64x384xf32, #tpu.memory_space<vmem>>, vector<1x16xf32>,
      %swap3A_783 = vector.shape_cast %swap3A_782 : vector<1x16xf32> to vector<16xf32>
      %swap3A_784 = vector.shape_cast %select_n3A_779 : vector<16xf32> to vector<1x16xf32>
      tpu.vector_store %arg6[%swap3A_780, %swap3A_781], %swap3A_784 {strides = array<i32>} : memref<64x384xf32, #tpu.memory_space<vmem>>, vector<1x16xf32>,
      %get3A_785 = arith.index_cast %scan3A_170 : i32 to index
      %get3A_786 = arith.constant 352 : index
      %get3A_787 = tpu.vector_load %arg6[%get3A_785, %get3A_786] {strides = array<i32>} : memref<64x384xf32, #tpu.memory_space<vmem>>, vector<1x16xf32>,
      %get3A_788 = vector.shape_cast %get3A_787 : vector<1x16xf32> to vector<16xf32>
      %get3A_789 = arith.index_cast %scan3A_170 : i32 to index
      %get3A_790 = arith.constant 352 : index
      %get3A_791 = tpu.vector_load %arg7[%get3A_789, %get3A_790] {strides = array<i32>} : memref<64x384xf32, #tpu.memory_space<vmem>>, vector<1x16xf32>,
      %get3A_792 = vector.shape_cast %get3A_791 : vector<1x16xf32> to vector<16xf32>
      %add3A_793 = arith.addf %get3A_788, %get3A_792 : vector<16xf32>
      %get3A_794 = arith.index_cast %scan3A_170 : i32 to index
      %get3A_795 = arith.constant 352 : index
      %get3A_796 = tpu.vector_load %arg8[%get3A_794, %get3A_795] {strides = array<i32>} : memref<64x384xf32, #tpu.memory_space<vmem>>, vector<1x16xf32>,
      %get3A_797 = vector.shape_cast %get3A_796 : vector<1x16xf32> to vector<16xf32>
      %get3A_798 = arith.index_cast %scan3A_170 : i32 to index
      %get3A_799 = arith.constant 352 : index
      %get3A_800 = tpu.vector_load %arg9[%get3A_798, %get3A_799] {strides = array<i32>} : memref<64x384xf32, #tpu.memory_space<vmem>>, vector<1x16xf32>,
      %get3A_801 = vector.shape_cast %get3A_800 : vector<1x16xf32> to vector<16xf32>
      %add3A_802 = arith.addf %get3A_797, %get3A_801 : vector<16xf32>
      %add3A_803 = arith.addf %add3A_793, %add3A_802 : vector<16xf32>
      %gt3A_804 = arith.constant 0.000000e+00 : f32
      %gt3A_805 = vector.broadcast %gt3A_804 : f32 to vector<16xf32>
      %gt3A_806 = arith.cmpf ogt, %add3A_803, %gt3A_805 : vector<16xf32>
      %select_n3A_807 = arith.select %gt3A_806, %broadcast_in_dim3A_40, %broadcast_in_dim3A_42 : vector<16xi1>, vector<16xf32>
      %swap3A_808 = arith.index_cast %scan3A_170 : i32 to index
      %swap3A_809 = arith.constant 352 : index
      %swap3A_810 = tpu.vector_load %arg6[%swap3A_808, %swap3A_809] {strides = array<i32>} : memref<64x384xf32, #tpu.memory_space<vmem>>, vector<1x16xf32>,
      %swap3A_811 = vector.shape_cast %swap3A_810 : vector<1x16xf32> to vector<16xf32>
      %swap3A_812 = vector.shape_cast %select_n3A_807 : vector<16xf32> to vector<1x16xf32>
      tpu.vector_store %arg6[%swap3A_808, %swap3A_809], %swap3A_812 {strides = array<i32>} : memref<64x384xf32, #tpu.memory_space<vmem>>, vector<1x16xf32>,
      %get3A_813 = arith.index_cast %scan3A_170 : i32 to index
      %get3A_814 = arith.constant 368 : index
      %get3A_815 = tpu.vector_load %arg6[%get3A_813, %get3A_814] {strides = array<i32>} : memref<64x384xf32, #tpu.memory_space<vmem>>, vector<1x16xf32>,
      %get3A_816 = vector.shape_cast %get3A_815 : vector<1x16xf32> to vector<16xf32>
      %get3A_817 = arith.index_cast %scan3A_170 : i32 to index
      %get3A_818 = arith.constant 368 : index
      %get3A_819 = tpu.vector_load %arg7[%get3A_817, %get3A_818] {strides = array<i32>} : memref<64x384xf32, #tpu.memory_space<vmem>>, vector<1x16xf32>,
      %get3A_820 = vector.shape_cast %get3A_819 : vector<1x16xf32> to vector<16xf32>
      %add3A_821 = arith.addf %get3A_816, %get3A_820 : vector<16xf32>
      %get3A_822 = arith.index_cast %scan3A_170 : i32 to index
      %get3A_823 = arith.constant 368 : index
      %get3A_824 = tpu.vector_load %arg8[%get3A_822, %get3A_823] {strides = array<i32>} : memref<64x384xf32, #tpu.memory_space<vmem>>, vector<1x16xf32>,
      %get3A_825 = vector.shape_cast %get3A_824 : vector<1x16xf32> to vector<16xf32>
      %get3A_826 = arith.index_cast %scan3A_170 : i32 to index
      %get3A_827 = arith.constant 368 : index
      %get3A_828 = tpu.vector_load %arg9[%get3A_826, %get3A_827] {strides = array<i32>} : memref<64x384xf32, #tpu.memory_space<vmem>>, vector<1x16xf32>,
      %get3A_829 = vector.shape_cast %get3A_828 : vector<1x16xf32> to vector<16xf32>
      %add3A_830 = arith.addf %get3A_825, %get3A_829 : vector<16xf32>
      %add3A_831 = arith.addf %add3A_821, %add3A_830 : vector<16xf32>
      %gt3A_832 = arith.constant 0.000000e+00 : f32
      %gt3A_833 = vector.broadcast %gt3A_832 : f32 to vector<16xf32>
      %gt3A_834 = arith.cmpf ogt, %add3A_831, %gt3A_833 : vector<16xf32>
      %select_n3A_835 = arith.select %gt3A_834, %broadcast_in_dim3A_40, %broadcast_in_dim3A_42 : vector<16xi1>, vector<16xf32>
      %swap3A_836 = arith.index_cast %scan3A_170 : i32 to index
      %swap3A_837 = arith.constant 368 : index
      %swap3A_838 = tpu.vector_load %arg6[%swap3A_836, %swap3A_837] {strides = array<i32>} : memref<64x384xf32, #tpu.memory_space<vmem>>, vector<1x16xf32>,
      %swap3A_839 = vector.shape_cast %swap3A_838 : vector<1x16xf32> to vector<16xf32>
      %swap3A_840 = vector.shape_cast %select_n3A_835 : vector<16xf32> to vector<1x16xf32>
      tpu.vector_store %arg6[%swap3A_836, %swap3A_837], %swap3A_840 {strides = array<i32>} : memref<64x384xf32, #tpu.memory_space<vmem>>, vector<1x16xf32>,
      %scan3A_841 = arith.constant 0 : i32
      scf.yield %scan3A_841 : i32
    }
    %scan3A_167 = arith.constant 64 : i32
    %add3A_168 = arith.constant 64 : i32
    %add3A_169 = arith.addi %mul3A_2, %add3A_168 : i32
    "tpu.region"() ({
      %run_scoped3A_170 = tpu.sem_alloc : memref<!tpu.dma_semaphore, #tpu.memory_space<semaphore_mem>>
      %dma_start3A_171 = arith.constant 0 : i32
      %dma_start3A_172 = tpu.memref_slice %arg4[%add3A_169, %dma_start3A_171] : memref<4096x384xf32, #tpu.memory_space<hbm>> -> memref<64x384xf32, #tpu.memory_space<hbm>>
      %dma_start3A_173 = arith.constant 0 : i32
      %dma_start3A_174 = tpu.memref_slice %arg4[%add3A_169, %dma_start3A_173] : memref<4096x384xf32, #tpu.memory_space<hbm>> -> memref<64x384xf32, #tpu.memory_space<hbm>>
      tpu.enqueue_dma source(%arg6 : memref<64x384xf32, #tpu.memory_space<vmem>>) target(%dma_start3A_174 : memref<64x384xf32, #tpu.memory_space<hbm>>) target_semaphore(%run_scoped3A_170 : memref<!tpu.dma_semaphore, #tpu.memory_space<semaphore_mem>>)
      %dma_wait3A_175 = arith.constant 0 : i32
      %dma_wait3A_176 = tpu.memref_slice %arg4[%add3A_169, %dma_wait3A_175] : memref<4096x384xf32, #tpu.memory_space<hbm>> -> memref<64x384xf32, #tpu.memory_space<hbm>>
      %dma_wait3A_177 = arith.constant 0 : i32
      %dma_wait3A_178 = tpu.memref_slice %arg4[%add3A_169, %dma_wait3A_177] : memref<4096x384xf32, #tpu.memory_space<hbm>> -> memref<64x384xf32, #tpu.memory_space<hbm>>
      tpu.wait_dma2 semaphore(%run_scoped3A_170 : memref<!tpu.dma_semaphore, #tpu.memory_space<semaphore_mem>>) src(%arg6 : memref<64x384xf32, #tpu.memory_space<vmem>>) dst(%dma_wait3A_178 : memref<64x384xf32, #tpu.memory_space<hbm>>)
      tpu.yield
    }) : () -> ()
    return
  }
}

module attributes {stable_mosaic.version = 14 : i64} {
  func.func @_rank_body(%arg0: i32, %arg1: i32, %arg2: memref<1x1x321x512xf32, #tpu.memory_space<vmem>>, %arg3: memref<1x1x4200x321xf32, #tpu.memory_space<vmem>>, %arg4: memref<1x8x512xi32, #tpu.memory_space<vmem>>, %arg5: memref<8x128xf32, #tpu.memory_space<vmem>>) attributes {dimension_semantics = [#tpu.dimension_semantics<arbitrary>, #tpu.dimension_semantics<arbitrary>], iteration_bounds = array<i64: 2, 4>, scalar_prefetch = 0 : i64, scratch_operands = 1 : i64, tpu.core_type = #tpu.core_type<tc>, window_params = [{transform_indices = @transform_0, window_bounds = array<i64: 1, 1, 321, 512>}, {pipeline_mode = #tpu.pipeline_mode<synchronous>, transform_indices = @transform_1, window_bounds = array<i64: 1, 1, 4200, 321>}, {transform_indices = @transform_2, window_bounds = array<i64: 1, 8, 512>}]} {
    %eq3A = arith.constant 0 : i32
    %eq3A_0 = arith.cmpi eq, %arg1, %eq3A : i32
    %convert_element_type3A = arith.extui %eq3A_0 : i1 to i32
    %cond3A = arith.constant 0 : i32
    %cond3A_1 = arith.cmpi ne, %convert_element_type3A, %cond3A : i32
    scf.if %cond3A_1 {
      %broadcast_in_dim3A_91 = arith.constant 9.99999993E-9 : f32
      %broadcast_in_dim3A_92 = vector.broadcast %broadcast_in_dim3A_91 : f32 to vector<8x128xf32>
      %swap3A_93 = arith.constant 0 : index
      %swap3A_94 = arith.constant 0 : index
      %swap3A_95 = vector.load %arg5[%swap3A_93, %swap3A_94] : memref<8x128xf32, #tpu.memory_space<vmem>>, vector<8x128xf32>
      tpu.vector_store %arg5[%swap3A_93, %swap3A_94], %broadcast_in_dim3A_92 {strides = array<i32>} : memref<8x128xf32, #tpu.memory_space<vmem>>, vector<8x128xf32>,
    } else {
    }
    %get3A = arith.constant 0 : index
    %get3A_2 = arith.constant 0 : index
    %get3A_3 = arith.constant 0 : index
    %get3A_4 = arith.constant 0 : index
    %get3A_5 = vector.load %arg2[%get3A, %get3A_2, %get3A_3, %get3A_4] : memref<1x1x321x512xf32, #tpu.memory_space<vmem>>, vector<1x1x321x512xf32>
    %get3A_6 = vector.shape_cast %get3A_5 : vector<1x1x321x512xf32> to vector<321x512xf32>
    %get3A_7 = arith.constant 0 : index
    %get3A_8 = arith.constant 0 : index
    %get3A_9 = arith.constant 0 : index
    %get3A_10 = arith.constant 0 : index
    %get3A_11 = vector.load %arg3[%get3A_7, %get3A_8, %get3A_9, %get3A_10] : memref<1x1x4200x321xf32, #tpu.memory_space<vmem>>, vector<1x1x4200x321xf32>
    %get3A_12 = vector.shape_cast %get3A_11 : vector<1x1x4200x321xf32> to vector<4200x321xf32>
    %convert_element_type3A_13 = arith.truncf %get3A_12 : vector<4200x321xf32> to vector<4200x321xbf16>
    %convert_element_type3A_14 = arith.truncf %get3A_6 : vector<321x512xf32> to vector<321x512xbf16>
    %dot_general3A = arith.constant dense<0.000000e+00> : vector<4200x512xf32>
    %dot_general3A_15 = tpu.matmul %convert_element_type3A_13, %convert_element_type3A_14, %dot_general3A {dimension_numbers = #tpu.dot_dimension_numbers<[1], [0], [0], [1], [0, 0, 1, 1], [], []>, transpose_lhs_hint = false} : vector<4200x321xbf16>, vector<321x512xbf16>, vector<4200x512xf32> -> vector<4200x512xf32>
    %iota3A = tpu.iota {dimensions = array<i32: 0>} : vector<4200x512xi32>
    %reduce_max3A = arith.constant dense<0xFF800000> : vector<512xf32>
    %reduce_max3A_16 = vector.multi_reduction <maximumf>, %dot_general3A_15, %reduce_max3A [0] : vector<4200x512xf32> to vector<512xf32>
    %broadcast_in_dim3A = vector.shape_cast %reduce_max3A_16 : vector<512xf32> to vector<1x512xf32>
    %ge3A = vector.broadcast %broadcast_in_dim3A : vector<1x512xf32> to vector<4200x512xf32>
    %ge3A_17 = arith.cmpf oge, %dot_general3A_15, %ge3A : vector<4200x512xf32>
    %jit3A = arith.constant 1073741824 : i32
    %broadcast_in_dim3A_18 = vector.broadcast %jit3A : i32 to vector<4200x512xi32>
    %select_n3A = arith.select %ge3A_17, %iota3A, %broadcast_in_dim3A_18 : vector<4200x512xi1>, vector<4200x512xi32>
    %reduce_min3A = arith.constant dense<2147483647> : vector<512xi32>
    %reduce_min3A_19 = vector.multi_reduction <minsi>, %select_n3A, %reduce_min3A [0] : vector<4200x512xi32> to vector<512xi32>
    %broadcast_in_dim3A_20 = vector.shape_cast %reduce_min3A_19 : vector<512xi32> to vector<1x512xi32>
    %eq3A_21 = vector.broadcast %broadcast_in_dim3A_20 : vector<1x512xi32> to vector<4200x512xi32>
    %eq3A_22 = arith.cmpi eq, %iota3A, %eq3A_21 : vector<4200x512xi32>
    %jit3A_23 = arith.constant -1.000000e+30 : f32
    %broadcast_in_dim3A_24 = vector.broadcast %jit3A_23 : f32 to vector<4200x512xf32>
    %select_n3A_25 = arith.select %eq3A_22, %broadcast_in_dim3A_24, %dot_general3A_15 : vector<4200x512xi1>, vector<4200x512xf32>
    %reduce_max3A_26 = arith.constant dense<0xFF800000> : vector<512xf32>
    %reduce_max3A_27 = vector.multi_reduction <maximumf>, %select_n3A_25, %reduce_max3A_26 [0] : vector<4200x512xf32> to vector<512xf32>
    %broadcast_in_dim3A_28 = vector.shape_cast %reduce_max3A_27 : vector<512xf32> to vector<1x512xf32>
    %ge3A_29 = vector.broadcast %broadcast_in_dim3A_28 : vector<1x512xf32> to vector<4200x512xf32>
    %ge3A_30 = arith.cmpf oge, %select_n3A_25, %ge3A_29 : vector<4200x512xf32>
    %jit3A_31 = arith.constant 1073741824 : i32
    %broadcast_in_dim3A_32 = vector.broadcast %jit3A_31 : i32 to vector<4200x512xi32>
    %select_n3A_33 = arith.select %ge3A_30, %iota3A, %broadcast_in_dim3A_32 : vector<4200x512xi1>, vector<4200x512xi32>
    %reduce_min3A_34 = arith.constant dense<2147483647> : vector<512xi32>
    %reduce_min3A_35 = vector.multi_reduction <minsi>, %select_n3A_33, %reduce_min3A_34 [0] : vector<4200x512xi32> to vector<512xi32>
    %broadcast_in_dim3A_36 = vector.shape_cast %reduce_min3A_35 : vector<512xi32> to vector<1x512xi32>
    %eq3A_37 = vector.broadcast %broadcast_in_dim3A_36 : vector<1x512xi32> to vector<4200x512xi32>
    %eq3A_38 = arith.cmpi eq, %iota3A, %eq3A_37 : vector<4200x512xi32>
    %jit3A_39 = arith.constant -1.000000e+30 : f32
    %broadcast_in_dim3A_40 = vector.broadcast %jit3A_39 : f32 to vector<4200x512xf32>
    %select_n3A_41 = arith.select %eq3A_38, %broadcast_in_dim3A_40, %select_n3A_25 : vector<4200x512xi1>, vector<4200x512xf32>
    %reduce_max3A_42 = arith.constant dense<0xFF800000> : vector<512xf32>
    %reduce_max3A_43 = vector.multi_reduction <maximumf>, %select_n3A_41, %reduce_max3A_42 [0] : vector<4200x512xf32> to vector<512xf32>
    %broadcast_in_dim3A_44 = vector.shape_cast %reduce_max3A_43 : vector<512xf32> to vector<1x512xf32>
    %ge3A_45 = vector.broadcast %broadcast_in_dim3A_44 : vector<1x512xf32> to vector<4200x512xf32>
    %ge3A_46 = arith.cmpf oge, %select_n3A_41, %ge3A_45 : vector<4200x512xf32>
    %jit3A_47 = arith.constant 1073741824 : i32
    %broadcast_in_dim3A_48 = vector.broadcast %jit3A_47 : i32 to vector<4200x512xi32>
    %select_n3A_49 = arith.select %ge3A_46, %iota3A, %broadcast_in_dim3A_48 : vector<4200x512xi1>, vector<4200x512xi32>
    %reduce_min3A_50 = arith.constant dense<2147483647> : vector<512xi32>
    %reduce_min3A_51 = vector.multi_reduction <minsi>, %select_n3A_49, %reduce_min3A_50 [0] : vector<4200x512xi32> to vector<512xi32>
    %broadcast_in_dim3A_52 = vector.shape_cast %reduce_min3A_51 : vector<512xi32> to vector<1x512xi32>
    %eq3A_53 = vector.broadcast %broadcast_in_dim3A_52 : vector<1x512xi32> to vector<4200x512xi32>
    %eq3A_54 = arith.cmpi eq, %iota3A, %eq3A_53 : vector<4200x512xi32>
    %jit3A_55 = arith.constant -1.000000e+30 : f32
    %broadcast_in_dim3A_56 = vector.broadcast %jit3A_55 : f32 to vector<4200x512xf32>
    %select_n3A_57 = arith.select %eq3A_54, %broadcast_in_dim3A_56, %select_n3A_41 : vector<4200x512xi1>, vector<4200x512xf32>
    %reduce_max3A_58 = arith.constant dense<0xFF800000> : vector<512xf32>
    %reduce_max3A_59 = vector.multi_reduction <maximumf>, %select_n3A_57, %reduce_max3A_58 [0] : vector<4200x512xf32> to vector<512xf32>
    %broadcast_in_dim3A_60 = vector.shape_cast %reduce_max3A_59 : vector<512xf32> to vector<1x512xf32>
    %ge3A_61 = vector.broadcast %broadcast_in_dim3A_60 : vector<1x512xf32> to vector<4200x512xf32>
    %ge3A_62 = arith.cmpf oge, %select_n3A_57, %ge3A_61 : vector<4200x512xf32>
    %jit3A_63 = arith.constant 1073741824 : i32
    %broadcast_in_dim3A_64 = vector.broadcast %jit3A_63 : i32 to vector<4200x512xi32>
    %select_n3A_65 = arith.select %ge3A_62, %iota3A, %broadcast_in_dim3A_64 : vector<4200x512xi1>, vector<4200x512xi32>
    %reduce_min3A_66 = arith.constant dense<2147483647> : vector<512xi32>
    %reduce_min3A_67 = vector.multi_reduction <minsi>, %select_n3A_65, %reduce_min3A_66 [0] : vector<4200x512xi32> to vector<512xi32>
    %stack3A = vector.shape_cast %reduce_min3A_19 : vector<512xi32> to vector<1x512xi32>
    %stack3A_68 = vector.shape_cast %reduce_min3A_35 : vector<512xi32> to vector<1x512xi32>
    %stack3A_69 = vector.shape_cast %reduce_min3A_51 : vector<512xi32> to vector<1x512xi32>
    %stack3A_70 = vector.shape_cast %reduce_min3A_67 : vector<512xi32> to vector<1x512xi32>
    %stack3A_71 = tpu.concatenate %stack3A, %stack3A_68, %stack3A_69, %stack3A_70 in 0 : vector<1x512xi32>, vector<1x512xi32>, vector<1x512xi32>, vector<1x512xi32> -> vector<4x512xi32>
    %convert_element_type3A_72 = arith.sitofp %stack3A_71 : vector<4x512xi32> to vector<4x512xf32>
    %get3A_73 = arith.constant 0 : index
    %get3A_74 = arith.constant 0 : index
    %get3A_75 = vector.load %arg5[%get3A_73, %get3A_74] : memref<8x128xf32, #tpu.memory_space<vmem>>, vector<4x2xf32>
    %concatenate3A = tpu.concatenate %get3A_75, %convert_element_type3A_72 in 1 : vector<4x2xf32>, vector<4x512xf32> -> vector<4x514xf32>
    %slice3A = vector.extract_strided_slice %convert_element_type3A_72 {offsets = [0, 510], sizes = [4, 2], strides = [1, 1]} : vector<4x512xf32> to vector<4x2xf32>
    %swap3A = arith.constant 0 : index
    %swap3A_76 = arith.constant 0 : index
    %swap3A_77 = vector.load %arg5[%swap3A, %swap3A_76] : memref<8x128xf32, #tpu.memory_space<vmem>>, vector<4x2xf32>
    tpu.vector_store %arg5[%swap3A, %swap3A_76], %slice3A {strides = array<i32>} : memref<8x128xf32, #tpu.memory_space<vmem>>, vector<4x2xf32>,
    %slice3A_78 = vector.extract_strided_slice %concatenate3A {offsets = [0, 0], sizes = [4, 512], strides = [1, 1]} : vector<4x514xf32> to vector<4x512xf32>
    %slice3A_79 = vector.extract_strided_slice %concatenate3A {offsets = [0, 1], sizes = [4, 512], strides = [1, 1]} : vector<4x514xf32> to vector<4x512xf32>
    %add3A = arith.addf %slice3A_78, %slice3A_79 : vector<4x512xf32>
    %slice3A_80 = vector.extract_strided_slice %concatenate3A {offsets = [0, 2], sizes = [4, 512], strides = [1, 1]} : vector<4x514xf32> to vector<4x512xf32>
    %add3A_81 = arith.addf %add3A, %slice3A_80 : vector<4x512xf32>
    %div3A = arith.constant 3.000000e+00 : f32
    %div3A_82 = vector.broadcast %div3A : f32 to vector<4x512xf32>
    %div3A_83 = arith.divf %add3A_81, %div3A_82 : vector<4x512xf32>
    %convert_element_type3A_84 = arith.fptosi %div3A_83 : vector<4x512xf32> to vector<4x512xi32>
    %swap3A_85 = arith.constant 0 : index
    %swap3A_86 = arith.constant 0 : index
    %swap3A_87 = arith.constant 0 : index
    %swap3A_88 = vector.load %arg4[%swap3A_85, %swap3A_86, %swap3A_87] : memref<1x8x512xi32, #tpu.memory_space<vmem>>, vector<1x4x512xi32>
    %swap3A_89 = vector.shape_cast %swap3A_88 : vector<1x4x512xi32> to vector<4x512xi32>
    %swap3A_90 = vector.shape_cast %convert_element_type3A_84 : vector<4x512xi32> to vector<1x4x512xi32>
    tpu.vector_store %arg4[%swap3A_85, %swap3A_86, %swap3A_87], %swap3A_90 {strides = array<i32>} : memref<1x8x512xi32, #tpu.memory_space<vmem>>, vector<1x4x512xi32>,
    return
  }
  func.func @transform_0(%arg0: i32, %arg1: i32) -> (i32, i32, i32, i32) {
    %c0_i32 = arith.constant 0 : i32
    %c0_i32_0 = arith.constant 0 : i32
    %c0_i32_1 = arith.constant 0 : i32
    return %arg0, %c0_i32, %c0_i32_0, %arg1 : i32, i32, i32, i32
  }
  func.func @transform_1(%arg0: i32, %arg1: i32) -> (i32, i32, i32, i32) {
    %c0_i32 = arith.constant 0 : i32
    %c0_i32_0 = arith.constant 0 : i32
    %c0_i32_1 = arith.constant 0 : i32
    %c0_i32_2 = arith.constant 0 : i32
    %c0_i32_3 = arith.constant 0 : i32
    return %c0_i32, %c0_i32_0, %c0_i32_1, %c0_i32_2 : i32, i32, i32, i32
  }
  func.func @transform_2(%arg0: i32, %arg1: i32) -> (i32, i32, i32) {
    %c0_i32 = arith.constant 0 : i32
    %c0_i32_0 = arith.constant 0 : i32
    return %arg0, %c0_i32, %arg1 : i32, i32, i32
  }
}

</mosaic_0001>

<sc_bundles>
// kernel: _run.4.cloned.1.call-start
scs
__scs_entry_jumppad:
0x0: {  	(pc) =	sbr.rel $0x88, $3  }
0x1: {  	(tag) =	ssettag $0x0;
	lr =	simm.s32 $0x1  }
0x2: {  	[smem:$0x3F9E] =	sst lr;
	_ =	strace $0xD0000000  }
0x3: {  	_ = 	snop  }
0x4: {  	_ = 	snop  }
0x5: {  	_ = 	snop  }
0x6: {  	_ = 	snop  }
0x7: {  	_ = 	snop  }
__scs_overlays_trampoline_lowered:
0x8: {  	[smem:$0x3FAD] =	sst s0  }
0x9: {  	[smem:$0x3FAE] =	sst s1  }
0xa: {  	[smem:$0x3FAF] =	sst s2  }
0xb: {  	[smem:$0x3FB0] =	sst s3  }
0xc: {  	[smem:$0x3FB1] =	sst s4  }
0xd: {  	[smem:$0x3FB2] =	sst s5  }
0xe: {  	[smem:$0x3FB3] =	sst s6  }
0xf: {  	[smem:$0x3FB4] =	sst s7  }
0x10: {  	[smem:$0x3FB5] =	sst s8  }
0x11: {  	[smem:$0x3FB6] =	sst s9;
	s0 =	simm.s32 @!p0 $0x0  }
0x12: {  	s1 =	sld [smem:$0x3F9C];
	s0 =	simm.s32 @p0 $0x1  }
0x13: {  	[smem:$0x3FB7] =	sst s0;
	s0 =	simm.s32 @!p1 $0x0  }
0x14: {  	s2 =	sld [smem:$0x3F9B];
	s0 =	simm.s32 @p1 $0x1  }
0x15: {  	[smem:$0x3FB8] =	sst s0;
	s0 =	simm.s32 @!p2 $0x0  }
0x16: {  	s3 =	sld [smem:$0x3FDB];
	s0 =	simm.s32 @p2 $0x1  }
0x17: {  	s4 =	simm.s32 $0x1BF5;
	[smem:$0x3FBA] =	sst s0  }
0x18: {  	s0 =	sld [smem:$0x3F9D];
	_ =	swait.ge [sflag:s4], $0x0  }
0x19: {  	s7 =	sld [smem:$0x3F9E]  }
0x1a: {  	s8 =	sadd.s32 $0xFFFFE003, lr  }
0x1b: {  	s9 =	sadd.s32 $0xFFFFFEF7, lr;
	s5 =	simm.s32 $0xFFFFFFFF;
	p2 =	slt.u32 s8, $0xFFFFF086  }
0x1c: {  	p1 =	slt.u32 s9, $0xF7A;
	s5 =	simm.s32 @!p2 $0x0  }
0x1d: {  	s5 =	simm.s32 @p1 $0x1;
	p0 =	seq.s32 s7, s2  }
0x1e: {  	s7 =	smul.u32 @!p0 $0xF7A, s2;
	p2 =	seq.s32 @!p0 s5, $0x0  }
0x1f: {  	s9 =	smul.u32 $0xF7A, s1;
	s8 =	simm.s32 @!p0 $0x1BF5;
	p2 =	por !p2, p0  }
0x20: {  	[sflag:s8] =	ssyncset.s32 @!p0 $0xFFFFF086;
	s6 =	sadd.s32 @!p0 s3, s7;
	s7 =	simm.s32 @!p0 $0x108  }
0x21: {  	s3 =	sadd.s32 s3, s9;
	s6 =	sadd.s32 @!p0 $0x88, s6;
	s7 =	simm.s32 @p2 $0x1082  }
0x22: {  	[simem:s7], [sflag:s8] =	dma.local @!p0 [hbm:s6], $0xF7A  }
0x23: {  	s9 =	sor.u32 $0xD0000000, s2;
	s6 =	simm.s32 $0x108;
	_ =	swait.ge @!p0 [sflag:s8], $0x0  }
0x24: {  	s3 =	sadd.s32 $0x88, s3;
	s6 =	simm.s32 @!p1 $0x1082;
	[sflag:s4] =	ssyncset.s32 $0xFFFFF086  }
0x25: {  	[simem:s6], [sflag:s4] =	dma.local [hbm:s3], $0xF7A  }
0x26: {  	[smem:$0x3F9E] =	sst s1;
	(tag) =	ssettag s2;
	_ =	strace s9  }
0x27: {  	s1 =	sld [smem:$0x3FAE]  }
0x28: {  	s2 =	sld [smem:$0x3FAF]  }
0x29: {  	s4 =	sld [smem:$0x3FB1]  }
0x2a: {  	p0 =	seq.s32 s5, $0x0;
	s5 =	sld [smem:$0x3FB2]  }
0x2b: {  	s6 =	sld [smem:$0x3FB3]  }
0x2c: {  	s7 =	sld [smem:$0x3FB4]  }
0x2d: {  	s3 =	simm.s32 $0x108;
	s8 =	sld [smem:$0x3FB5]  }
0x2e: {  	s3 =	simm.s32 @!p0 $0x1082;
	s9 =	sld [smem:$0x3FB6]  }
0x2f: {  	lr =	sadd.s32 s0, s3;
	s0 =	sld [smem:$0x3FAD]  }
0x30: {  	s3 =	sld [smem:$0x3FB0]  }
0x31: {  	[smem:$0x3FB9] =	sst s10  }
0x32: {  	s10 =	sld [smem:$0x3FB7];
	_ =	sdelay $0x3  }
0x33: {  	p0 =	seq.s32 s10, $0x1;
	s10 =	sld [smem:$0x3FB9];
	_ =	sdelay $0x3  }
0x34: {  	[smem:$0x3FB9] =	sst s10  }
0x35: {  	s10 =	sld [smem:$0x3FB8];
	_ =	sdelay $0x3  }
0x36: {  	p1 =	seq.s32 s10, $0x1;
	s10 =	sld [smem:$0x3FB9];
	_ =	sdelay $0x3  }
0x37: {  	[smem:$0x3FB9] =	sst s10  }
0x38: {  	s10 =	sld [smem:$0x3FBA]  }
0x39: {  	_ = 	snop;
	(pc) =	sbr.ind lr, $3  }
0x3a: {  	_ = 	snop  }
0x3b: {  	_ = 	snop  }
0x3c: {  	p2 =	seq.s32 s10, $0x1;
	s10 =	sld [smem:$0x3FB9]  }
0x3d: {  	_ =	shalt  }
0x3e: {  	_ =	shalt  }
0x3f: {  	_ =	shalt  }
0x40: {  	_ =	shalt  }
0x41: {  	_ =	shalt  }
0x42: {  	_ =	shalt  }
0x43: {  	_ =	shalt  }
0x44: {  	_ =	shalt  }
0x45: {  	_ =	shalt  }
0x46: {  	_ =	shalt  }
0x47: {  	_ =	shalt  }
0x48: {  	_ =	shalt  }
0x49: {  	_ =	shalt  }
0x4a: {  	_ =	shalt  }
0x4b: {  	_ =	shalt  }
0x4c: {  	_ =	shalt  }
0x4d: {  	_ =	shalt  }
0x4e: {  	_ =	shalt  }
0x4f: {  	_ =	shalt  }
0x50: {  	_ =	shalt  }
0x51: {  	_ =	shalt  }
0x52: {  	_ =	shalt  }
0x53: {  	_ =	shalt  }
0x54: {  	_ =	shalt  }
0x55: {  	_ =	shalt  }
0x56: {  	_ =	shalt  }
0x57: {  	_ =	shalt  }
0x58: {  	_ =	shalt  }
0x59: {  	_ =	shalt  }
0x5a: {  	_ =	shalt  }
0x5b: {  	_ =	shalt  }
0x5c: {  	_ =	shalt  }
0x5d: {  	_ =	shalt  }
0x5e: {  	_ =	shalt  }
0x5f: {  	_ =	shalt  }
0x60: {  	_ =	shalt  }
0x61: {  	_ =	shalt  }
0x62: {  	_ =	shalt  }
0x63: {  	_ =	shalt  }
0x64: {  	_ =	shalt  }
0x65: {  	_ =	shalt  }
0x66: {  	_ =	shalt  }
0x67: {  	_ =	shalt  }
0x68: {  	_ =	shalt  }
0x69: {  	_ =	shalt  }
0x6a: {  	_ =	shalt  }
0x6b: {  	_ =	shalt  }
0x6c: {  	_ =	shalt  }
0x6d: {  	_ =	shalt  }
0x6e: {  	_ =	shalt  }
0x6f: {  	_ =	shalt  }
0x70: {  	_ =	shalt  }
0x71: {  	_ =	shalt  }
0x72: {  	_ =	shalt  }
0x73: {  	_ =	shalt  }
0x74: {  	_ =	shalt  }
0x75: {  	_ =	shalt  }
0x76: {  	_ =	shalt  }
0x77: {  	_ =	shalt  }
0x78: {  	_ =	shalt  }
0x79: {  	_ =	shalt  }
0x7a: {  	_ =	shalt  }
0x7b: {  	_ =	shalt  }
0x7c: {  	_ =	shalt  }
0x7d: {  	_ =	shalt  }
0x7e: {  	_ =	shalt  }
0x7f: {  	_ =	shalt  }
0x80: {  	_ =	shalt  }
0x81: {  	_ =	shalt  }
0x82: {  	_ =	shalt  }
0x83: {  	_ =	shalt  }
0x84: {  	_ =	shalt  }
0x85: {  	_ =	shalt  }
0x86: {  	_ =	shalt  }
0x87: {  	_ =	shalt  }
.Lfunc_end0:
.L_simem_size_0:
called_computation_lowered:
.L_overlay_start_0:
0x88: {  	s2 =	sld [smem:$0x3FD9]  }
0x89: {  	s3 =	sld [smem:$0x3FFE];
	_ =	sdelay $0x1  }
0x8a: {  	s1 =	srdreg.scid  }
0x8b: {  	s0 =	sand.u32 $0x1, s1  }
0x8c: {  	s17 =	sshll.u32 s0, $0xA;
	s2 =	sadd.s32 s3, s2  }
0x8d: {  	s2 =	sadd.s32 s2, s17  }
0x8e: {  	[smem:$0x3FC5] =	sst s2  }
0x8f: {  	_ = 	snop  }
0x90: {  	s2 =	sld [smem:$0x3FD0];
	(tm) =	ssettm $0x1  }
0x91: {  	s18 =	sld [smem:$0x3FFB];
	_ =	sdelay $0x3  }
0x92: {  	_ =	strace s18  }
0x93: {  	s3 =	sld [smem:$0x3FFC];
	_ =	sdelay $0x3  }
0x94: {  	_ =	strace s3  }
0x95: {  	s3 =	sld [smem:$0x3FFD];
	_ =	sdelay $0x3  }
0x96: {  	_ =	strace s3  }
0x97: {  	_ =	strace $0x8FFFFFFF  }
0x98: {  	s19 =	sld [smem:$0x3FDB];
	_ =	sdelay $0x1  }
0x99: {  	s4 =	simm.s32 $_scs_section_size  }
0x9a: {  	s5 =	simm.s32 $_size__tile_overlayer_lowered;
	s6 =	simm.s32 $_tile_overlayer_lowered  }
0x9b: {  	s22 =	simm.s32 $0x1BFF;
	s21 =	sshll.u32 s6, $0x1;
	s3 =	sadd.s32 s4, s19  }
0x9c: {  	s7 =	simm.s32 $0x0;
	s20 =	sshll.u32 s5, $0x1;
	s5 =	sadd.s32 s21, s3  }
0x9d: {  	[timem:s7], [sflag:s22] =	dma.local [hbm:s5], s20  }
0x9e: {  	_ =	swait.ge [sflag:s22], s20  }
0x9f: {  	s4 =	ssub.s32 $0x0, s20;
	[sflag:s22] =	ssyncset.done $0x0  }
0xa0: {  	[sflag:s22] =	ssyncadd.s32 s4;
	_ =	sdelay $0x1  }
0xa1: {  	s23 =	simm.s32 $0x1B8B  }
0xa2: {  	_ =	swait.ge [sflag:s23], $0x1  }
0xa3: {  	[sflag:s23] =	ssyncset.done $0x0  }
0xa4: {  	s25 =	simm.s32 $0x1B8E;
	s24 =	sld [smem:$0x3FFE];
	[sflag:s23] =	ssyncadd.s32 $0xFFFFFFFF  }
0xa5: {  	s26 =	simm.s32 $execute0_lowered;
	[smem:$0x3FD2] =	sst s25  }
0xa6: {  	s5 =	sshll.u32 s26, $0x1;
	_ =	strace $0x80000046;
	[dreg:$0x1] =	wrdreg $0xFFFFFFFF  }
0xa7: {  	s28 =	simm.s32 $_size_execute0_lowered;
	s3 =	sadd.s32 s3, s5;
	[dreg:$0x0] =	wrdreg $0x0  }
0xa8: {  	s5 =	sshll.u32 s28, $0x1;
	[dreg:$0x2] =	wrdreg s3  }
0xa9: {  	[dreg:$0x3] =	wrdreg s5  }
0xaa: {  	[dreg:$0x4] =	wrdreg $0xC0  }
0xab: {  	_ =	task [dreg:s7], $0x5FFFF  }
0xac: {  	[dreg:$0x1] =	wrdreg $0xFFFFFFFF  }
0xad: {  	[dreg:$0x0] =	wrdreg $0x60  }
0xae: {  	[dreg:$0x2] =	wrdreg s24  }
0xaf: {  	[dreg:$0x3] =	wrdreg s2  }
0xb0: {  	[dreg:$0x4] =	wrdreg $0x9  }
0xb1: {  	_ =	task.clear_ibuf [dreg:s7], $0x5FFFF;
	_ =	strace $0x90000046  }
0xb2: {  	s29 =	simm.s32 $0x9;
	_ =	strace $0x80000048  }
0xb3: {  	_ =	swait.ge [sflag:s29], $0x1  }
0xb4: {  	[sflag:s29] =	ssyncadd.s32 $0xFFFFFFFF  }
0xb5: {  	_ =	strace $0x90000048  }
0xb6: {  	_ =	sfence  }
0xb7: {  	s30 =	sld [smem:$0x0];
	_ =	sdelay $0x2  }
0xb8: {  	s31 =	sshll.u32 s1, $0xD;
	s1 =	sshrl.u32 s1, $0x2  }
0xb9: {  	s3 =	sand.u32 $0x4000, s31;
	s1 =	sadd.s32 s1, s30  }
0xba: {  	s0 =	sor.u32 s3, s0;
	s1 =	sshll.u32 s1, $0x11  }
0xbb: {  	s0 =	sor.u32 s1, s0  }
0xbc: {  	s0 =	sadd.s32 $0x8F2B, s0  }
0xbd: {  	[sflag:s0] =	ssyncadd.remote.s32 $0x1  }
0xbe: {  	_ =	sfence.sel $0xFFFF  }
0xbf: {  	[dreg:$0x0] =	wrdreg $0xFFFFFFFF;
	(pc) =	sbr.abs _section_cstart, $3  }
0xc0: {  	[dreg:$0x1] =	wrdreg $0xFFFFFFFF  }
0xc1: {  	_ =	task.clear_ibuf [dreg:s7], $0x2FFFF;
	_ =	strace $0x9FFFFFFF  }
0xc2: {  	(tm) =	ssettm $0x7FFFFFFF  }
0xc3: {  	_ =	shalt  }
tec
execute0_lowered:
.L_overlay_start_1:
0x0: {  	(tag) =	ssettag $0x1  }
0x1: {  	s0 =	rddreg [dreg:$0x0]  }
0x2: {  	s1 =	rddreg [dreg:$0x1];
	s3 =	srdreg.scid  }
0x3: {  	s2 =	simm.s32 $0x0;
	s5 =	stileid.u32;
	s12 =	simm.s32 $0x2  }
0x4: {  	s16 =	simm.s32 $0x200;
	s11 =	simm.s32 $0x11600;
	s28 =	simm.s32 $0x14E00  }
0x5: {  	s29 =	simm.s32 $0x15200;
	s30 =	simm.s32 $0x15E00;
	s31 =	simm.s32 $0x16600  }
0x6: {  	s13 =	simm.s32 $0x1;
	s14 =	simm.s32 $0x0;
	s4 =	sand.u32 $0x1, s3  }
0x7: {  	[smem:$0x7FF] =	sst s2;
	s5 =	sshll.u32 s5, $0x8;
	s3 =	sadd.s32 $0x1600, s0  }
0x8: {  	s17 =	sadd.s32 $0x32A00, s0;
	s6 =	sshll.u32 s4, $0x7;
	s7 =	ssub.s32 $0x2, s4  }
0x9: {  	_ =	strace $0x80000047;
	s5 =	sor.u32 s6, s5;
	s9 =	sshrl.u32 s7, $0x1  }
0xa: {  	s6 =	simm.s32 $0x16A00;
	s8 =	sshrl.u32 s5, $0x3;
	s4 =	sadd.s32 s1, s5  }
0xb: {  	s19 =	ssub.s32 s7, s9;
	s5 =	simm.s32 $0x15A00;
	s20 =	sadd.s32 $0x10, s4  }
0xc: {  	s7 =	simm.s32 $0x17600;
	s22 =	sadd.s32 $0x20, s4;
	[dreg:$0x3] =	wrdreg s20  }
0xd: {  	s18 =	smul.u32 $0xC00, s8;
	s23 =	sadd.s32 $0x30, s4;
	[dreg:$0x4] =	wrdreg s22  }
0xe: {  	s21 =	smul.u32 $0x180, s8;
	s26 =	smax.u32 s19, $0x1;
	[dreg:$0x5] =	wrdreg s23  }
0xf: {  	v2 =	vlaneseq.u32;
	s8 =	sadd.s32 $0x1700, s0;
	s19 =	simm.s32 $0x11E00;
	[dreg:$0x8] =	wrdreg s26  }
0x10: {  	v1 =	vshrl.u32 v2, $0x3;
	v0 =	vand.u32 $0x7, v2;
	s20 =	simm.s32 $0x12200;
	s22 =	simm.s32 $0x12E00;
	s23 =	simm.s32 $0x13600  }
0x11: {  	[tilespmem:$0x1FFD0] =	vst v0;
	v0 =	vmul.u32 $0x8, v1;
	s26 =	simm.s32 $0x14600;
	s1 =	sshrl.u32 s18, $0x3;
	s24 =	sadd.s32 s17, s21  }
0x12: {  	s21 =	simm.s32 $0x12A00;
	[dreg:$0x6] =	wrdreg s24;
	s25 =	sadd.s32 s17, s1  }
0x13: {  	[tilespmem:$0x1FFE0] =	vst v0;
	v0 =	vor.u32 $0x8, v2;
	s24 =	simm.s32 $0x13A00;
	s1 =	simm.s32 $0x17E00;
	s0 =	sadd.s32 $0xC00, s25  }
0x14: {  	vm0 =	vmmov $0xffff;
	vm1 =	vmmov $0xff;
	v3 =	vimm.f32 $0.0e+00;
	[tilespmem:$0x1FFF0] =	vst v0;
	s25 =	simm.s32 $0x14200;
	[dreg:$0x7] =	wrdreg s0;
	s0 =	simm.s32 $0x17200  }
.LBB2_1:
0x15: {  	[tilespmem:s2], [sflag:$0x2] =	stream.linear.gather [hbm4b:s4+s2], $0x80, $0x38;
	[tilespmem:$0x18200] =	vst v63  }
0x16: {  	_ =	swait.ge [sflag:s12], $0x80  }
0x17: {  	[sflag:s12] =	ssyncset.done $0x0  }
0x18: {  	s10 =	simm.s32 $0x80;
	s9 =	rddreg [dreg:$0x3];
	[sflag:s12] =	ssyncadd.s32 $0xFFFFFF80  }
0x19: {  	[tilespmem:s10], [sflag:$0x2] =	stream.linear.gather [hbm4b:s9+s2], $0x80, $0x38;
	[tilespmem:$0x18200] =	vst v63  }
0x1a: {  	_ =	swait.ge [sflag:s12], $0x80  }
0x1b: {  	[sflag:s12] =	ssyncset.done $0x0  }
0x1c: {  	s15 =	simm.s32 $0x100;
	s10 =	rddreg [dreg:$0x4];
	[sflag:s12] =	ssyncadd.s32 $0xFFFFFF80  }
0x1d: {  	[tilespmem:s15], [sflag:$0x2] =	stream.linear.gather [hbm4b:s10+s2], $0x80, $0x38;
	[tilespmem:$0x18200] =	vst v63  }
0x1e: {  	_ =	swait.ge [sflag:s12], $0x80  }
0x1f: {  	[sflag:s12] =	ssyncset.done $0x0  }
0x20: {  	s18 =	simm.s32 $0x180;
	s17 =	rddreg [dreg:$0x5];
	[sflag:s12] =	ssyncadd.s32 $0xFFFFFF80  }
0x21: {  	[tilespmem:s18], [sflag:$0x2] =	stream.linear.gather [hbm4b:s17+s2], $0x80, $0x38;
	[tilespmem:$0x18200] =	vst v63  }
0x22: {  	_ =	swait.ge [sflag:s12], $0x80  }
0x23: {  	[sflag:s12] =	ssyncset.done $0x0  }
0x24: {  	[sflag:s12] =	ssyncadd.s32 $0xFFFFFF80  }
0x25: {  	v4 =	vld [tilespmem:$0x0];
	_ =	sdelay $0x3  }
0x26: {  	v0 =	vld [tilespmem:$0x1FFD0]  }
0x27: {  	v5 =	vshrl.u32 v4, $0x3  }
0x28: {  	v1 =	vld [tilespmem:$0x1FFE0];
	v5 =	vmul.u32 $0x18, v5  }
0x29: {  	v4 =	vand.u32 $0x7, v4  }
0x2a: {  	v2 =	vld [tilespmem:$0x1FFF0];
	v4 =	vor.u32 v4, v5  }
0x2b: {  	v5 =	vperm.xlane v4, v0;
	_ =	sdelay $0x1  }
0x2c: {  	v5 =	vadd.s32 v1, v5;
	_ =	sdelay $0x1  }
0x2d: {  	v4 =	vperm.xlane v4, v2;
	_ =	sdelay $0x1  }
0x2e: {  	v4 =	vadd.s32 v1, v4  }
0x2f: {  	[tilespmem:s16], [sflag:$0x1] =	stream.indirect_vreg.gather [hbm4b:s3+s2], $0x80, v5, vm0, $0xb8;
	[tilespmem:$0x18200] =	vst v63  }
0x30: {  	s15 =	simm.s32 $0xA00  }
0x31: {  	[tilespmem:s15], [sflag:$0x1] =	stream.indirect_vreg.gather [hbm4b:s8+s2], $0x80, v5, vm1, $0xb8;
	[tilespmem:$0x18200] =	vst v63  }
0x32: {  	s17 =	simm.s32 $0xE00  }
0x33: {  	[tilespmem:s17], [sflag:$0x1] =	stream.indirect_vreg.gather [hbm4b:s3+s2], $0x80, v4, vm0, $0xb8;
	[tilespmem:$0x18200] =	vst v63  }
0x34: {  	s18 =	simm.s32 $0x1600  }
0x35: {  	[tilespmem:s18], [sflag:$0x1] =	stream.indirect_vreg.gather [hbm4b:s8+s2], $0x80, v4, vm1, $0xb8;
	[tilespmem:$0x18200] =	vst v63  }
0x36: {  	v4 =	vld [tilespmem:$0x10];
	_ =	sdelay $0x4  }
0x37: {  	v5 =	vshrl.u32 v4, $0x3  }
0x38: {  	v5 =	vmul.u32 $0x18, v5  }
0x39: {  	v4 =	vand.u32 $0x7, v4  }
0x3a: {  	v4 =	vor.u32 v4, v5  }
0x3b: {  	v5 =	vperm.xlane v4, v0;
	_ =	sdelay $0x1  }
0x3c: {  	v5 =	vadd.s32 v1, v5;
	_ =	sdelay $0x1  }
0x3d: {  	v4 =	vperm.xlane v4, v2;
	_ =	sdelay $0x1  }
0x3e: {  	s10 =	simm.s32 $0x1A00;
	v4 =	vadd.s32 v1, v4  }
0x3f: {  	[tilespmem:s10], [sflag:$0x1] =	stream.indirect_vreg.gather [hbm4b:s3+s2], $0x80, v5, vm0, $0xb8;
	[tilespmem:$0x18200] =	vst v63  }
0x40: {  	s15 =	simm.s32 $0x2200  }
0x41: {  	[tilespmem:s15], [sflag:$0x1] =	stream.indirect_vreg.gather [hbm4b:s8+s2], $0x80, v5, vm1, $0xb8;
	[tilespmem:$0x18200] =	vst v63  }
0x42: {  	s17 =	simm.s32 $0x2600  }
0x43: {  	[tilespmem:s17], [sflag:$0x1] =	stream.indirect_vreg.gather [hbm4b:s3+s2], $0x80, v4, vm0, $0xb8;
	[tilespmem:$0x18200] =	vst v63  }
0x44: {  	s18 =	simm.s32 $0x2E00  }
0x45: {  	[tilespmem:s18], [sflag:$0x1] =	stream.indirect_vreg.gather [hbm4b:s8+s2], $0x80, v4, vm1, $0xb8;
	[tilespmem:$0x18200] =	vst v63  }
0x46: {  	v4 =	vld [tilespmem:$0x20];
	_ =	sdelay $0x4  }
0x47: {  	v5 =	vshrl.u32 v4, $0x3  }
0x48: {  	v5 =	vmul.u32 $0x18, v5  }
0x49: {  	v4 =	vand.u32 $0x7, v4  }
0x4a: {  	v4 =	vor.u32 v4, v5  }
0x4b: {  	v5 =	vperm.xlane v4, v0;
	_ =	sdelay $0x1  }
0x4c: {  	v5 =	vadd.s32 v1, v5;
	_ =	sdelay $0x1  }
0x4d: {  	v4 =	vperm.xlane v4, v2;
	_ =	sdelay $0x1  }
0x4e: {  	s10 =	simm.s32 $0x3200;
	v4 =	vadd.s32 v1, v4  }
0x4f: {  	[tilespmem:s10], [sflag:$0x1] =	stream.indirect_vreg.gather [hbm4b:s3+s2], $0x80, v5, vm0, $0xb8;
	[tilespmem:$0x18200] =	vst v63  }
0x50: {  	s15 =	simm.s32 $0x3A00  }
0x51: {  	[tilespmem:s15], [sflag:$0x1] =	stream.indirect_vreg.gather [hbm4b:s8+s2], $0x80, v5, vm1, $0xb8;
	[tilespmem:$0x18200] =	vst v63  }
0x52: {  	s17 =	simm.s32 $0x3E00  }
0x53: {  	[tilespmem:s17], [sflag:$0x1] =	stream.indirect_vreg.gather [hbm4b:s3+s2], $0x80, v4, vm0, $0xb8;
	[tilespmem:$0x18200] =	vst v63  }
0x54: {  	s18 =	simm.s32 $0x4600  }
0x55: {  	[tilespmem:s18], [sflag:$0x1] =	stream.indirect_vreg.gather [hbm4b:s8+s2], $0x80, v4, vm1, $0xb8;
	[tilespmem:$0x18200] =	vst v63  }
0x56: {  	v4 =	vld [tilespmem:$0x30];
	_ =	sdelay $0x4  }
0x57: {  	v5 =	vshrl.u32 v4, $0x3  }
0x58: {  	v5 =	vmul.u32 $0x18, v5  }
0x59: {  	v4 =	vand.u32 $0x7, v4  }
0x5a: {  	v4 =	vor.u32 v4, v5  }
0x5b: {  	v5 =	vperm.xlane v4, v0;
	_ =	sdelay $0x1  }
0x5c: {  	v5 =	vadd.s32 v1, v5;
	_ =	sdelay $0x1  }
0x5d: {  	v4 =	vperm.xlane v4, v2;
	_ =	sdelay $0x1  }
0x5e: {  	s10 =	simm.s32 $0x4A00;
	v4 =	vadd.s32 v1, v4  }
0x5f: {  	[tilespmem:s10], [sflag:$0x1] =	stream.indirect_vreg.gather [hbm4b:s3+s2], $0x80, v5, vm0, $0xb8;
	[tilespmem:$0x18200] =	vst v63  }
0x60: {  	s15 =	simm.s32 $0x5200  }
0x61: {  	[tilespmem:s15], [sflag:$0x1] =	stream.indirect_vreg.gather [hbm4b:s8+s2], $0x80, v5, vm1, $0xb8;
	[tilespmem:$0x18200] =	vst v63  }
0x62: {  	s17 =	simm.s32 $0x5600  }
0x63: {  	[tilespmem:s17], [sflag:$0x1] =	stream.indirect_vreg.gather [hbm4b:s3+s2], $0x80, v4, vm0, $0xb8;
	[tilespmem:$0x18200] =	vst v63  }
0x64: {  	s18 =	simm.s32 $0x5E00  }
0x65: {  	[tilespmem:s18], [sflag:$0x1] =	stream.indirect_vreg.gather [hbm4b:s8+s2], $0x80, v4, vm1, $0xb8;
	[tilespmem:$0x18200] =	vst v63  }
0x66: {  	v4 =	vld [tilespmem:$0x80];
	_ =	sdelay $0x4  }
0x67: {  	v5 =	vshrl.u32 v4, $0x3  }
0x68: {  	v5 =	vmul.u32 $0x18, v5  }
0x69: {  	v4 =	vand.u32 $0x7, v4  }
0x6a: {  	v4 =	vor.u32 v4, v5  }
0x6b: {  	v5 =	vperm.xlane v4, v0;
	_ =	sdelay $0x1  }
0x6c: {  	v5 =	vadd.s32 v1, v5;
	_ =	sdelay $0x1  }
0x6d: {  	v4 =	vperm.xlane v4, v2;
	_ =	sdelay $0x1  }
0x6e: {  	s10 =	simm.s32 $0x6200;
	v4 =	vadd.s32 v1, v4  }
0x6f: {  	[tilespmem:s10], [sflag:$0x1] =	stream.indirect_vreg.gather [hbm4b:s3+s2], $0x80, v5, vm0, $0xb8;
	[tilespmem:$0x18200] =	vst v63  }
0x70: {  	s15 =	simm.s32 $0x6A00  }
0x71: {  	[tilespmem:s15], [sflag:$0x1] =	stream.indirect_vreg.gather [hbm4b:s8+s2], $0x80, v5, vm1, $0xb8;
	[tilespmem:$0x18200] =	vst v63  }
0x72: {  	s17 =	simm.s32 $0x6E00  }
0x73: {  	[tilespmem:s17], [sflag:$0x1] =	stream.indirect_vreg.gather [hbm4b:s3+s2], $0x80, v4, vm0, $0xb8;
	[tilespmem:$0x18200] =	vst v63  }
0x74: {  	s18 =	simm.s32 $0x7600  }
0x75: {  	[tilespmem:s18], [sflag:$0x1] =	stream.indirect_vreg.gather [hbm4b:s8+s2], $0x80, v4, vm1, $0xb8;
	[tilespmem:$0x18200] =	vst v63  }
0x76: {  	v4 =	vld [tilespmem:$0x90];
	_ =	sdelay $0x4  }
0x77: {  	v5 =	vshrl.u32 v4, $0x3  }
0x78: {  	v5 =	vmul.u32 $0x18, v5  }
0x79: {  	v4 =	vand.u32 $0x7, v4  }
0x7a: {  	v4 =	vor.u32 v4, v5  }
0x7b: {  	v5 =	vperm.xlane v4, v0;
	_ =	sdelay $0x1  }
0x7c: {  	v5 =	vadd.s32 v1, v5;
	_ =	sdelay $0x1  }
0x7d: {  	v4 =	vperm.xlane v4, v2;
	_ =	sdelay $0x1  }
0x7e: {  	s10 =	simm.s32 $0x7A00;
	v4 =	vadd.s32 v1, v4  }
0x7f: {  	[tilespmem:s10], [sflag:$0x1] =	stream.indirect_vreg.gather [hbm4b:s3+s2], $0x80, v5, vm0, $0xb8;
	[tilespmem:$0x18200] =	vst v63  }
0x80: {  	s15 =	simm.s32 $0x8200  }
0x81: {  	[tilespmem:s15], [sflag:$0x1] =	stream.indirect_vreg.gather [hbm4b:s8+s2], $0x80, v5, vm1, $0xb8;
	[tilespmem:$0x18200] =	vst v63  }
0x82: {  	s17 =	simm.s32 $0x8600  }
0x83: {  	[tilespmem:s17], [sflag:$0x1] =	stream.indirect_vreg.gather [hbm4b:s3+s2], $0x80, v4, vm0, $0xb8;
	[tilespmem:$0x18200] =	vst v63  }
0x84: {  	s18 =	simm.s32 $0x8E00  }
0x85: {  	[tilespmem:s18], [sflag:$0x1] =	stream.indirect_vreg.gather [hbm4b:s8+s2], $0x80, v4, vm1, $0xb8;
	[tilespmem:$0x18200] =	vst v63  }
0x86: {  	v4 =	vld [tilespmem:$0xA0];
	_ =	sdelay $0x4  }
0x87: {  	v5 =	vshrl.u32 v4, $0x3  }
0x88: {  	v5 =	vmul.u32 $0x18, v5  }
0x89: {  	v4 =	vand.u32 $0x7, v4  }
0x8a: {  	v4 =	vor.u32 v4, v5  }
0x8b: {  	v5 =	vperm.xlane v4, v0;
	_ =	sdelay $0x1  }
0x8c: {  	v5 =	vadd.s32 v1, v5;
	_ =	sdelay $0x1  }
0x8d: {  	v4 =	vperm.xlane v4, v2;
	_ =	sdelay $0x1  }
0x8e: {  	s10 =	simm.s32 $0x9200;
	v4 =	vadd.s32 v1, v4  }
0x8f: {  	[tilespmem:s10], [sflag:$0x1] =	stream.indirect_vreg.gather [hbm4b:s3+s2], $0x80, v5, vm0, $0xb8;
	[tilespmem:$0x18200] =	vst v63  }
0x90: {  	s15 =	simm.s32 $0x9A00  }
0x91: {  	[tilespmem:s15], [sflag:$0x1] =	stream.indirect_vreg.gather [hbm4b:s8+s2], $0x80, v5, vm1, $0xb8;
	[tilespmem:$0x18200] =	vst v63  }
0x92: {  	s17 =	simm.s32 $0x9E00  }
0x93: {  	[tilespmem:s17], [sflag:$0x1] =	stream.indirect_vreg.gather [hbm4b:s3+s2], $0x80, v4, vm0, $0xb8;
	[tilespmem:$0x18200] =	vst v63  }
0x94: {  	s18 =	simm.s32 $0xA600  }
0x95: {  	[tilespmem:s18], [sflag:$0x1] =	stream.indirect_vreg.gather [hbm4b:s8+s2], $0x80, v4, vm1, $0xb8;
	[tilespmem:$0x18200] =	vst v63  }
0x96: {  	v4 =	vld [tilespmem:$0xB0];
	_ =	sdelay $0x4  }
0x97: {  	v5 =	vshrl.u32 v4, $0x3  }
0x98: {  	v5 =	vmul.u32 $0x18, v5  }
0x99: {  	v4 =	vand.u32 $0x7, v4  }
0x9a: {  	v4 =	vor.u32 v4, v5  }
0x9b: {  	v5 =	vperm.xlane v4, v0;
	_ =	sdelay $0x1  }
0x9c: {  	v5 =	vadd.s32 v1, v5;
	_ =	sdelay $0x1  }
0x9d: {  	v4 =	vperm.xlane v4, v2;
	_ =	sdelay $0x1  }
0x9e: {  	s10 =	simm.s32 $0xAA00;
	v4 =	vadd.s32 v1, v4  }
0x9f: {  	[tilespmem:s10], [sflag:$0x1] =	stream.indirect_vreg.gather [hbm4b:s3+s2], $0x80, v5, vm0, $0xb8;
	[tilespmem:$0x18200] =	vst v63  }
0xa0: {  	s15 =	simm.s32 $0xB200  }
0xa1: {  	[tilespmem:s15], [sflag:$0x1] =	stream.indirect_vreg.gather [hbm4b:s8+s2], $0x80, v5, vm1, $0xb8;
	[tilespmem:$0x18200] =	vst v63  }
0xa2: {  	s17 =	simm.s32 $0xB600  }
0xa3: {  	[tilespmem:s17], [sflag:$0x1] =	stream.indirect_vreg.gather [hbm4b:s3+s2], $0x80, v4, vm0, $0xb8;
	[tilespmem:$0x18200] =	vst v63  }
0xa4: {  	s18 =	simm.s32 $0xBE00  }
0xa5: {  	[tilespmem:s18], [sflag:$0x1] =	stream.indirect_vreg.gather [hbm4b:s8+s2], $0x80, v4, vm1, $0xb8;
	[tilespmem:$0x18200] =	vst v63  }
0xa6: {  	v4 =	vld [tilespmem:$0x100];
	_ =	sdelay $0x4  }
0xa7: {  	v5 =	vshrl.u32 v4, $0x3  }
0xa8: {  	v5 =	vmul.u32 $0x18, v5  }
0xa9: {  	v4 =	vand.u32 $0x7, v4  }
0xaa: {  	v4 =	vor.u32 v4, v5  }
0xab: {  	v5 =	vperm.xlane v4, v0;
	_ =	sdelay $0x1  }
0xac: {  	v5 =	vadd.s32 v1, v5;
	_ =	sdelay $0x1  }
0xad: {  	v4 =	vperm.xlane v4, v2;
	_ =	sdelay $0x1  }
0xae: {  	s10 =	simm.s32 $0xC200;
	v4 =	vadd.s32 v1, v4  }
0xaf: {  	[tilespmem:s10], [sflag:$0x1] =	stream.indirect_vreg.gather [hbm4b:s3+s2], $0x80, v5, vm0, $0xb8;
	[tilespmem:$0x18200] =	vst v63  }
0xb0: {  	s15 =	simm.s32 $0xCA00  }
0xb1: {  	[tilespmem:s15], [sflag:$0x1] =	stream.indirect_vreg.gather [hbm4b:s8+s2], $0x80, v5, vm1, $0xb8;
	[tilespmem:$0x18200] =	vst v63  }
0xb2: {  	s17 =	simm.s32 $0xCE00  }
0xb3: {  	[tilespmem:s17], [sflag:$0x1] =	stream.indirect_vreg.gather [hbm4b:s3+s2], $0x80, v4, vm0, $0xb8;
	[tilespmem:$0x18200] =	vst v63  }
0xb4: {  	s18 =	simm.s32 $0xD600  }
0xb5: {  	[tilespmem:s18], [sflag:$0x1] =	stream.indirect_vreg.gather [hbm4b:s8+s2], $0x80, v4, vm1, $0xb8;
	[tilespmem:$0x18200] =	vst v63  }
0xb6: {  	v4 =	vld [tilespmem:$0x110];
	_ =	sdelay $0x4  }
0xb7: {  	v5 =	vshrl.u32 v4, $0x3  }
0xb8: {  	v5 =	vmul.u32 $0x18, v5  }
0xb9: {  	v4 =	vand.u32 $0x7, v4  }
0xba: {  	v4 =	vor.u32 v4, v5  }
0xbb: {  	v5 =	vperm.xlane v4, v0;
	_ =	sdelay $0x1  }
0xbc: {  	v5 =	vadd.s32 v1, v5;
	_ =	sdelay $0x1  }
0xbd: {  	v4 =	vperm.xlane v4, v2;
	_ =	sdelay $0x1  }
0xbe: {  	s10 =	simm.s32 $0xDA00;
	v4 =	vadd.s32 v1, v4  }
0xbf: {  	[tilespmem:s10], [sflag:$0x1] =	stream.indirect_vreg.gather [hbm4b:s3+s2], $0x80, v5, vm0, $0xb8;
	[tilespmem:$0x18200] =	vst v63  }
0xc0: {  	s15 =	simm.s32 $0xE200  }
0xc1: {  	[tilespmem:s15], [sflag:$0x1] =	stream.indirect_vreg.gather [hbm4b:s8+s2], $0x80, v5, vm1, $0xb8;
	[tilespmem:$0x18200] =	vst v63  }
0xc2: {  	s17 =	simm.s32 $0xE600  }
0xc3: {  	[tilespmem:s17], [sflag:$0x1] =	stream.indirect_vreg.gather [hbm4b:s3+s2], $0x80, v4, vm0, $0xb8;
	[tilespmem:$0x18200] =	vst v63  }
0xc4: {  	s18 =	simm.s32 $0xEE00  }
0xc5: {  	[tilespmem:s18], [sflag:$0x1] =	stream.indirect_vreg.gather [hbm4b:s8+s2], $0x80, v4, vm1, $0xb8;
	[tilespmem:$0x18200] =	vst v63  }
0xc6: {  	v4 =	vld [tilespmem:$0x120];
	_ =	sdelay $0x4  }
0xc7: {  	v5 =	vshrl.u32 v4, $0x3  }
0xc8: {  	v5 =	vmul.u32 $0x18, v5  }
0xc9: {  	v4 =	vand.u32 $0x7, v4  }
0xca: {  	v4 =	vor.u32 v4, v5  }
0xcb: {  	v5 =	vperm.xlane v4, v0;
	_ =	sdelay $0x1  }
0xcc: {  	v5 =	vadd.s32 v1, v5;
	_ =	sdelay $0x1  }
0xcd: {  	v4 =	vperm.xlane v4, v2;
	_ =	sdelay $0x1  }
0xce: {  	s10 =	simm.s32 $0xF200;
	v4 =	vadd.s32 v1, v4  }
0xcf: {  	[tilespmem:s10], [sflag:$0x1] =	stream.indirect_vreg.gather [hbm4b:s3+s2], $0x80, v5, vm0, $0xb8;
	[tilespmem:$0x18200] =	vst v63  }
0xd0: {  	s15 =	simm.s32 $0xFA00  }
0xd1: {  	[tilespmem:s15], [sflag:$0x1] =	stream.indirect_vreg.gather [hbm4b:s8+s2], $0x80, v5, vm1, $0xb8;
	[tilespmem:$0x18200] =	vst v63  }
0xd2: {  	s17 =	simm.s32 $0xFE00  }
0xd3: {  	[tilespmem:s17], [sflag:$0x1] =	stream.indirect_vreg.gather [hbm4b:s3+s2], $0x80, v4, vm0, $0xb8;
	[tilespmem:$0x18200] =	vst v63  }
0xd4: {  	s18 =	simm.s32 $0x10600  }
0xd5: {  	[tilespmem:s18], [sflag:$0x1] =	stream.indirect_vreg.gather [hbm4b:s8+s2], $0x80, v4, vm1, $0xb8;
	[tilespmem:$0x18200] =	vst v63  }
0xd6: {  	v4 =	vld [tilespmem:$0x130];
	_ =	sdelay $0x4  }
0xd7: {  	v5 =	vshrl.u32 v4, $0x3  }
0xd8: {  	v5 =	vmul.u32 $0x18, v5  }
0xd9: {  	v4 =	vand.u32 $0x7, v4  }
0xda: {  	v4 =	vor.u32 v4, v5  }
0xdb: {  	v5 =	vperm.xlane v4, v0;
	_ =	sdelay $0x1  }
0xdc: {  	v5 =	vadd.s32 v1, v5;
	_ =	sdelay $0x1  }
0xdd: {  	v4 =	vperm.xlane v4, v2;
	_ =	sdelay $0x1  }
0xde: {  	s10 =	simm.s32 $0x10A00;
	v4 =	vadd.s32 v1, v4  }
0xdf: {  	[tilespmem:s10], [sflag:$0x1] =	stream.indirect_vreg.gather [hbm4b:s3+s2], $0x80, v5, vm0, $0xb8;
	[tilespmem:$0x18200] =	vst v63  }
0xe0: {  	s15 =	simm.s32 $0x11200  }
0xe1: {  	[tilespmem:s15], [sflag:$0x1] =	stream.indirect_vreg.gather [hbm4b:s8+s2], $0x80, v5, vm1, $0xb8;
	[tilespmem:$0x18200] =	vst v63  }
0xe2: {  	_ = 	snop  }
0xe3: {  	[tilespmem:s11], [sflag:$0x1] =	stream.indirect_vreg.gather [hbm4b:s3+s2], $0x80, v4, vm0, $0xb8;
	[tilespmem:$0x18200] =	vst v63  }
0xe4: {  	_ = 	snop  }
0xe5: {  	[tilespmem:s19], [sflag:$0x1] =	stream.indirect_vreg.gather [hbm4b:s8+s2], $0x80, v4, vm1, $0xb8;
	[tilespmem:$0x18200] =	vst v63  }
0xe6: {  	v4 =	vld [tilespmem:$0x180];
	_ =	sdelay $0x4  }
0xe7: {  	v5 =	vshrl.u32 v4, $0x3  }
0xe8: {  	v5 =	vmul.u32 $0x18, v5  }
0xe9: {  	v4 =	vand.u32 $0x7, v4  }
0xea: {  	v4 =	vor.u32 v4, v5  }
0xeb: {  	v5 =	vperm.xlane v4, v0;
	_ =	sdelay $0x1  }
0xec: {  	v5 =	vadd.s32 v1, v5;
	_ =	sdelay $0x1  }
0xed: {  	v4 =	vperm.xlane v4, v2;
	_ =	sdelay $0x1  }
0xee: {  	v4 =	vadd.s32 v1, v4  }
0xef: {  	[tilespmem:s20], [sflag:$0x1] =	stream.indirect_vreg.gather [hbm4b:s3+s2], $0x80, v5, vm0, $0xb8;
	[tilespmem:$0x18200] =	vst v63  }
0xf0: {  	_ = 	snop  }
0xf1: {  	[tilespmem:s21], [sflag:$0x1] =	stream.indirect_vreg.gather [hbm4b:s8+s2], $0x80, v5, vm1, $0xb8;
	[tilespmem:$0x18200] =	vst v63  }
0xf2: {  	_ = 	snop  }
0xf3: {  	[tilespmem:s22], [sflag:$0x1] =	stream.indirect_vreg.gather [hbm4b:s3+s2], $0x80, v4, vm0, $0xb8;
	[tilespmem:$0x18200] =	vst v63  }
0xf4: {  	_ = 	snop  }
0xf5: {  	[tilespmem:s23], [sflag:$0x1] =	stream.indirect_vreg.gather [hbm4b:s8+s2], $0x80, v4, vm1, $0xb8;
	[tilespmem:$0x18200] =	vst v63  }
0xf6: {  	v4 =	vld [tilespmem:$0x190];
	_ =	sdelay $0x4  }
0xf7: {  	v5 =	vshrl.u32 v4, $0x3  }
0xf8: {  	v5 =	vmul.u32 $0x18, v5  }
0xf9: {  	v4 =	vand.u32 $0x7, v4  }
0xfa: {  	v4 =	vor.u32 v4, v5  }
0xfb: {  	v5 =	vperm.xlane v4, v0;
	_ =	sdelay $0x1  }
0xfc: {  	v5 =	vadd.s32 v1, v5;
	_ =	sdelay $0x1  }
0xfd: {  	v4 =	vperm.xlane v4, v2;
	_ =	sdelay $0x1  }
0xfe: {  	v4 =	vadd.s32 v1, v4  }
0xff: {  	[tilespmem:s24], [sflag:$0x1] =	stream.indirect_vreg.gather [hbm4b:s3+s2], $0x80, v5, vm0, $0xb8;
	[tilespmem:$0x18200] =	vst v63  }
0x100: {  	_ = 	snop  }
0x101: {  	[tilespmem:s25], [sflag:$0x1] =	stream.indirect_vreg.gather [hbm4b:s8+s2], $0x80, v5, vm1, $0xb8;
	[tilespmem:$0x18200] =	vst v63  }
0x102: {  	_ = 	snop  }
0x103: {  	[tilespmem:s26], [sflag:$0x1] =	stream.indirect_vreg.gather [hbm4b:s3+s2], $0x80, v4, vm0, $0xb8;
	[tilespmem:$0x18200] =	vst v63  }
0x104: {  	_ = 	snop  }
0x105: {  	[tilespmem:s28], [sflag:$0x1] =	stream.indirect_vreg.gather [hbm4b:s8+s2], $0x80, v4, vm1, $0xb8;
	[tilespmem:$0x18200] =	vst v63  }
0x106: {  	v4 =	vld [tilespmem:$0x1A0];
	_ =	sdelay $0x4  }
0x107: {  	v5 =	vshrl.u32 v4, $0x3  }
0x108: {  	v5 =	vmul.u32 $0x18, v5  }
0x109: {  	v4 =	vand.u32 $0x7, v4  }
0x10a: {  	v4 =	vor.u32 v4, v5  }
0x10b: {  	v5 =	vperm.xlane v4, v0;
	_ =	sdelay $0x1  }
0x10c: {  	v5 =	vadd.s32 v1, v5;
	_ =	sdelay $0x1  }
0x10d: {  	v4 =	vperm.xlane v4, v2;
	_ =	sdelay $0x1  }
0x10e: {  	v4 =	vadd.s32 v1, v4  }
0x10f: {  	[tilespmem:s29], [sflag:$0x1] =	stream.indirect_vreg.gather [hbm4b:s3+s2], $0x80, v5, vm0, $0xb8;
	[tilespmem:$0x18200] =	vst v63  }
0x110: {  	_ = 	snop  }
0x111: {  	[tilespmem:s5], [sflag:$0x1] =	stream.indirect_vreg.gather [hbm4b:s8+s2], $0x80, v5, vm1, $0xb8;
	[tilespmem:$0x18200] =	vst v63  }
0x112: {  	_ = 	snop  }
0x113: {  	[tilespmem:s30], [sflag:$0x1] =	stream.indirect_vreg.gather [hbm4b:s3+s2], $0x80, v4, vm0, $0xb8;
	[tilespmem:$0x18200] =	vst v63  }
0x114: {  	_ = 	snop  }
0x115: {  	[tilespmem:s31], [sflag:$0x1] =	stream.indirect_vreg.gather [hbm4b:s8+s2], $0x80, v4, vm1, $0xb8;
	[tilespmem:$0x18200] =	vst v63  }
0x116: {  	v4 =	vld [tilespmem:$0x1B0];
	_ =	sdelay $0x4  }
0x117: {  	v5 =	vshrl.u32 v4, $0x3  }
0x118: {  	v5 =	vmul.u32 $0x18, v5  }
0x119: {  	v4 =	vand.u32 $0x7, v4  }
0x11a: {  	v4 =	vor.u32 v4, v5  }
0x11b: {  	v5 =	vperm.xlane v4, v0;
	_ =	sdelay $0x1  }
0x11c: {  	v5 =	vadd.s32 v1, v5;
	_ =	sdelay $0x1  }
0x11d: {  	v4 =	vperm.xlane v4, v2;
	_ =	sdelay $0x1  }
0x11e: {  	v4 =	vadd.s32 v1, v4  }
0x11f: {  	[tilespmem:s6], [sflag:$0x1] =	stream.indirect_vreg.gather [hbm4b:s3+s2], $0x80, v5, vm0, $0xb8;
	[tilespmem:$0x18200] =	vst v63  }
0x120: {  	_ = 	snop  }
0x121: {  	[tilespmem:s0], [sflag:$0x1] =	stream.indirect_vreg.gather [hbm4b:s8+s2], $0x80, v5, vm1, $0xb8;
	[tilespmem:$0x18200] =	vst v63  }
0x122: {  	_ = 	snop  }
0x123: {  	[tilespmem:s7], [sflag:$0x1] =	stream.indirect_vreg.gather [hbm4b:s3+s2], $0x80, v4, vm0, $0xb8;
	[tilespmem:$0x18200] =	vst v63  }
0x124: {  	_ = 	snop  }
0x125: {  	[tilespmem:s1], [sflag:$0x1] =	stream.indirect_vreg.gather [hbm4b:s8+s2], $0x80, v4, vm1, $0xb8;
	[tilespmem:$0x18200] =	vst v63  }
0x126: {  	_ =	swait.ge [sflag:s13], $0x6000  }
0x127: {  	[sflag:s13] =	ssyncset.done $0x0  }
0x128: {  	[sflag:s13] =	ssyncadd.s32 $0xFFFFA000  }
0x129: {  	_ =	swait.ge [sflag:s13], $0x6000  }
0x12a: {  	[sflag:s13] =	ssyncset.done $0x0  }
0x12b: {  	[sflag:s13] =	ssyncadd.s32 $0xFFFFA000  }
0x12c: {  	_ =	swait.ge [sflag:s13], $0x6000  }
0x12d: {  	[sflag:s13] =	ssyncset.done $0x0  }
0x12e: {  	s17 =	simm.s32 $0x0;
	[sflag:s13] =	ssyncadd.s32 $0xFFFFA000  }
0x12f: {  	s9 =	smul.u32 $0xC00, s17;
	_ =	swait.ge [sflag:s13], $0x6000  }
0x130: {  	s18 =	sand.u32 $0x380, s2;
	[sflag:s13] =	ssyncset.done $0x0  }
0x131: {  	s9 =	sor.u32 s18, s9;
	[sflag:s13] =	ssyncadd.s32 $0xFFFFA000  }
0x132: {  	v5 =	vld [tilespmem:s9+$0x6200]  }
0x133: {  	v6 =	vld [tilespmem:s9+$0xC200]  }
0x134: {  	v7 =	vld [tilespmem:s9+$0x12200]  }
0x135: {  	v13 =	vld [tilespmem:s9+$0x6210]  }
0x136: {  	v8 =	vld [tilespmem:s9+$0xC210]  }
0x137: {  	v9 =	vld [tilespmem:s9+$0x12210]  }
0x138: {  	v16 =	vld [tilespmem:s9+$0x6220]  }
0x139: {  	v10 =	vld [tilespmem:s9+$0xC220]  }
0x13a: {  	v11 =	vld [tilespmem:s9+$0x12220]  }
0x13b: {  	v17 =	vld [tilespmem:s9+$0x6230]  }
0x13c: {  	v12 =	vld [tilespmem:s9+$0xC230]  }
0x13d: {  	v14 =	vld [tilespmem:s9+$0x12230]  }
0x13e: {  	v18 =	vld [tilespmem:s9+$0x6240]  }
0x13f: {  	v15 =	vld [tilespmem:s9+$0xC240]  }
0x140: {  	v23 =	vld [tilespmem:s9+$0x12240]  }
0x141: {  	v24 =	vld [tilespmem:s9+$0x6250]  }
0x142: {  	v25 =	vld [tilespmem:s9+$0xC250]  }
0x143: {  	v26 =	vld [tilespmem:s9+$0x12250]  }
0x144: {  	v27 =	vld [tilespmem:s9+$0x6260]  }
0x145: {  	v28 =	vld [tilespmem:s9+$0xC260]  }
0x146: {  	v29 =	vld [tilespmem:s9+$0x12260]  }
0x147: {  	v30 =	vld [tilespmem:s9+$0x6270]  }
0x148: {  	v31 =	vld [tilespmem:s9+$0xC270]  }
0x149: {  	v32 =	vld [tilespmem:s9+$0x12270]  }
0x14a: {  	v19 =	vld [tilespmem:s9+$0x6600]  }
0x14b: {  	v34 =	vld [tilespmem:s9+$0xC600]  }
0x14c: {  	v35 =	vld [tilespmem:s9+$0x12600]  }
0x14d: {  	v20 =	vld [tilespmem:s9+$0x6610]  }
0x14e: {  	v37 =	vld [tilespmem:s9+$0xC610]  }
0x14f: {  	v38 =	vld [tilespmem:s9+$0x12610]  }
0x150: {  	v21 =	vld [tilespmem:s9+$0x6620]  }
0x151: {  	v40 =	vld [tilespmem:s9+$0xC620]  }
0x152: {  	v41 =	vld [tilespmem:s9+$0x12620]  }
0x153: {  	v22 =	vld [tilespmem:s9+$0x6630]  }
0x154: {  	v43 =	vld [tilespmem:s9+$0xC630]  }
0x155: {  	v44 =	vld [tilespmem:s9+$0x12630]  }
0x156: {  	v0 =	vld [tilespmem:s9+$0x6640]  }
0x157: {  	v46 =	vld [tilespmem:s9+$0xC640]  }
0x158: {  	v47 =	vld [tilespmem:s9+$0x12640]  }
0x159: {  	v48 =	vld [tilespmem:s9+$0xC650]  }
0x15a: {  	v49 =	vld [tilespmem:s9+$0x12650]  }
0x15b: {  	v52 =	vld [tilespmem:s9+$0xC670]  }
0x15c: {  	v53 =	vld [tilespmem:s9+$0x12670]  }
0x15d: {  	v56 =	vld [tilespmem:s9+$0xCA10]  }
0x15e: {  	v57 =	vld [tilespmem:s9+$0x12A10]  }
0x15f: {  	v58 =	vld [tilespmem:s9+$0xCA20]  }
0x160: {  	v59 =	vld [tilespmem:s9+$0x12A20]  }
0x161: {  	[tilespmem:$0x1FF90] =	vst v0;
	v0 =	vld [tilespmem:s9+$0x6650]  }
0x162: {  	v60 =	vld [tilespmem:s9+$0xCA30]  }
0x163: {  	v61 =	vld [tilespmem:s9+$0x12A30]  }
0x164: {  	v62 =	vld [tilespmem:s9+$0xCA40]  }
0x165: {  	v63 =	vld [tilespmem:s9+$0x12A40]  }
0x166: {  	[tilespmem:$0x1FFA0] =	vst v0;
	v0 =	vld [tilespmem:s9+$0x6660]  }
0x167: {  	v45 =	vld [tilespmem:s9+$0x12A50]  }
0x168: {  	v39 =	vld [tilespmem:s9+$0xCA60]  }
0x169: {  	v2 =	vld [tilespmem:s9+$0x12A60]  }
0x16a: {  	v25 =	vadd.f32 v26, v25;
	v26 =	vld [tilespmem:s9+$0xCA70]  }
0x16b: {  	v6 =	vadd.f32 v7, v6;
	v42 =	vadd.f32 v9, v8;
	[tilespmem:$0x1FFB0] =	vst v0;
	v0 =	vld [tilespmem:s9+$0x6670]  }
0x16c: {  	v36 =	vadd.f32 v11, v10;
	v28 =	vadd.f32 v29, v28;
	v7 =	vld [tilespmem:s9+$0x200]  }
0x16d: {  	v29 =	vadd.f32 v32, v31;
	v32 =	vadd.f32 v38, v37;
	v38 =	vld [tilespmem:s9+$0x210]  }
0x16e: {  	v33 =	vadd.f32 v14, v12;
	v37 =	vadd.f32 v44, v43;
	v43 =	vld [tilespmem:s9+$0x220]  }
0x16f: {  	v23 =	vadd.f32 v23, v15;
	v14 =	vadd.f32 v53, v52;
	v53 =	vld [tilespmem:s9+$0x230]  }
0x170: {  	v31 =	vadd.f32 v35, v34;
	v11 =	vadd.f32 v57, v56;
	[tilespmem:$0x1FFC0] =	vst v0;
	v0 =	vld [tilespmem:s9+$0xCA50]  }
0x171: {  	v56 =	vld [tilespmem:s9+$0x240];
	v10 =	vadd.f32 v59, v58;
	v9 =	vadd.f32 v61, v60  }
0x172: {  	v34 =	vld [tilespmem:s9+$0x12A70];
	v8 =	vadd.f32 v63, v62;
	v58 =	vadd.f32 v5, v7  }
0x173: {  	v57 =	vld [tilespmem:s9+$0x250];
	v5 =	vadd.f32 v2, v39;
	v38 =	vadd.f32 v13, v38  }
0x174: {  	v50 =	vld [tilespmem:s9+$0xC660];
	v16 =	vadd.f32 v16, v43;
	v2 =	vadd.f32 v6, v58  }
0x175: {  	v17 =	vadd.f32 v17, v53;
	v7 =	vadd.f32 v45, v0;
	v0 =	vld [tilespmem:s9+$0x260]  }
0x176: {  	v51 =	vld [tilespmem:s9+$0x12660];
	v18 =	vadd.f32 v18, v56;
	vm2 =	vgt.f32 v2, $0.0e+00;
	v2 =	vadd.f32 v42, v38  }
0x177: {  	v6 =	vadd.f32 v34, v26;
	v26 =	vld [tilespmem:s9+$0x270];
	v16 =	vadd.f32 v36, v16;
	v60 =	vsel vm2, $0x3F800000, v3  }
0x178: {  	v1 =	vld [tilespmem:s9+$0x6A00];
	vm2 =	vgt.f32 v2, $0.0e+00;
	v2 =	vadd.f32 v33, v17;
	v17 =	vadd.f32 v24, v57  }
0x179: {  	v61 =	vld [tilespmem:s9+$0x610];
	v18 =	vadd.f32 v23, v18;
	v62 =	vsel vm2, $0x3F800000, v3;
	vm2 =	vgt.f32 v16, $0.0e+00  }
0x17a: {  	v54 =	vld [tilespmem:s9+$0xCA00];
	vm3 =	vgt.f32 v2, $0.0e+00;
	v2 =	vadd.f32 v25, v17;
	v0 =	vadd.f32 v27, v0  }
0x17b: {  	v23 =	vld [tilespmem:s9+$0x630];
	v25 =	vsel vm2, $0x3F800000, v3;
	vm2 =	vgt.f32 v18, $0.0e+00;
	v27 =	vsel vm3, $0x3F800000, v3  }
0x17c: {  	v55 =	vld [tilespmem:s9+$0x12A00];
	vm3 =	vgt.f32 v2, $0.0e+00;
	v2 =	vadd.f32 v30, v26;
	v0 =	vadd.f32 v28, v0  }
0x17d: {  	v4 =	vld [tilespmem:s9+$0x6A10];
	v26 =	vsel vm2, $0x3F800000, v3  }
0x17e: {  	v59 =	vld [tilespmem:s9+$0x600];
	vm2 =	vgt.f32 v0, $0.0e+00;
	v0 =	vadd.f32 v29, v2;
	v2 =	vadd.f32 v20, v61  }
0x17f: {  	v15 =	vld [tilespmem:s9+$0x6A20];
	[tilespmem:s9+$0x220] =	vst v25;
	v25 =	vsel vm2, $0x3F800000, v3  }
0x180: {  	v24 =	vld [tilespmem:s9+$0x620];
	vm2 =	vgt.f32 v0, $0.0e+00;
	v0 =	vadd.f32 v32, v2;
	v2 =	vadd.f32 v22, v23  }
0x181: {  	v18 =	vld [tilespmem:s9+$0x640]  }
0x182: {  	v28 =	vsel vm3, $0x3F800000, v3;
	vm3 =	vgt.f32 v0, $0.0e+00;
	v0 =	vadd.f32 v37, v2;
	v2 =	vld [tilespmem:$0x1FF90]  }
0x183: {  	v63 =	vld [tilespmem:s9+$0xA00];
	v19 =	vadd.f32 v19, v59  }
0x184: {  	v13 =	vld [tilespmem:s9+$0x6A30]  }
0x185: {  	v19 =	vadd.f32 v31, v19;
	v31 =	vld [tilespmem:s9+$0x670]  }
0x186: {  	v35 =	vadd.f32 v41, v40;
	v16 =	vld [tilespmem:s9+$0x6A40];
	v21 =	vadd.f32 v21, v24  }
0x187: {  	v40 =	vadd.f32 v47, v46;
	v30 =	vld [tilespmem:s9+$0x650];
	v2 =	vadd.f32 v2, v18  }
0x188: {  	v20 =	vld [tilespmem:s9+$0x660];
	v22 =	vsel vm2, $0x3F800000, v3;
	vm2 =	vgt.f32 v19, $0.0e+00;
	v19 =	vadd.f32 v35, v21  }
0x189: {  	[tilespmem:s9+$0x240] =	vst v26;
	v26 =	vsel vm3, $0x3F800000, v3;
	vm3 =	vgt.f32 v0, $0.0e+00;
	v0 =	vadd.f32 v40, v2;
	v2 =	vld [tilespmem:$0x1FFA0]  }
0x18a: {  	v21 =	vsel vm2, $0x3F800000, v3;
	vm2 =	vgt.f32 v19, $0.0e+00;
	v19 =	vld [tilespmem:$0x1FFB0]  }
0x18b: {  	[tilespmem:s9+$0x230] =	vst v27;
	v27 =	vsel vm2, $0x3F800000, v3;
	vm2 =	vgt.f32 v0, $0.0e+00;
	v0 =	vld [tilespmem:$0x1FFC0]  }
0x18c: {  	[tilespmem:s9+$0x200] =	vst v60;
	v17 =	vld [tilespmem:s9+$0x6A50]  }
0x18d: {  	v41 =	vadd.f32 v49, v48;
	v44 =	vadd.f32 v51, v50;
	[tilespmem:s9+$0x210] =	vst v62;
	v24 =	vld [tilespmem:s9+$0xA10]  }
0x18e: {  	v12 =	vadd.f32 v55, v54;
	v23 =	vld [tilespmem:s9+$0xA20];
	[tilespmem:s9+$0x270] =	vst v22;
	v2 =	vadd.f32 v2, v30  }
0x18f: {  	v22 =	vld [tilespmem:s9+$0x6A70];
	[tilespmem:s9+$0x600] =	vst v21;
	v21 =	vadd.f32 v1, v63;
	v19 =	vadd.f32 v19, v20  }
0x190: {  	[tilespmem:s9+$0x250] =	vst v28;
	v18 =	vld [tilespmem:s9+$0x6A60];
	v29 =	vadd.f32 v41, v2;
	v30 =	vadd.f32 v0, v31  }
0x191: {  	s17 =	simm.s32 $0x0;
	s15 =	simm.s32 $0x1;
	[tilespmem:s9+$0x260] =	vst v25;
	v25 =	vsel vm3, $0x3F800000, v3;
	v28 =	vadd.f32 v44, v19;
	v19 =	vld [tilespmem:s9+$0xA30];
	v20 =	vsel vm2, $0x3F800000, v3  }
.LBB2_2:
0x192: {  	s10 =	sshrl.u32 s15, $0x3;
	p0 =	sne.s32 s15, $0x3F;
	[tilespmem:s9+$0x610] =	vst v26;
	vm2 =	vgt.f32 v29, $0.0e+00;
	v0 =	vadd.f32 v14, v30;
	v2 =	vadd.f32 v4, v24;
	v4 =	vld [tilespmem:s9+$0xA40]  }
0x193: {  	s17 =	sadd.s32 $0x80, s17;
	s10 =	smul.u32 $0xC00, s10;
	[tilespmem:s9+$0x620] =	vst v27;
	v14 =	vsel vm2, $0x3F800000, v3;
	vm2 =	vgt.f32 v28, $0.0e+00;
	v12 =	vadd.f32 v12, v21;
	v21 =	vld [tilespmem:s9+$0xA50]  }
0x194: {  	s18 =	sand.u32 $0x380, s17;
	[tilespmem:s9+$0x630] =	vst v25;
	vm3 =	vgt.f32 v0, $0.0e+00;
	v0 =	vadd.f32 v11, v2;
	v2 =	vadd.f32 v15, v23;
	v23 =	vld [tilespmem:s9+$0xA60]  }
0x195: {  	v11 =	vsel vm2, $0x3F800000, v3;
	s10 =	sor.u32 s18, s10;
	[tilespmem:s9+$0x640] =	vst v20;
	v20 =	vsel vm3, $0x3F800000, v3;
	vm2 =	vgt.f32 v12, $0.0e+00;
	v12 =	vld [tilespmem:s9+$0xA70]  }
0x196: {  	v15 =	vld [tilespmem:s10+$0x6200];
	[tilespmem:s9+$0x650] =	vst v14;
	vm3 =	vgt.f32 v0, $0.0e+00;
	v0 =	vadd.f32 v10, v2;
	v2 =	vadd.f32 v13, v19  }
0x197: {  	v14 =	vsel vm2, $0x3F800000, v3;
	v10 =	vld [tilespmem:s10+$0xC200];
	[tilespmem:s9+$0x660] =	vst v11;
	v19 =	vsel vm3, $0x3F800000, v3;
	v4 =	vadd.f32 v16, v4  }
0x198: {  	v11 =	vld [tilespmem:s10+$0x12200];
	[tilespmem:s9+$0x670] =	vst v20;
	vm2 =	vgt.f32 v0, $0.0e+00;
	v0 =	vadd.f32 v9, v2;
	v2 =	vadd.f32 v17, v21  }
0x199: {  	v13 =	vld [tilespmem:s10+$0x6210];
	[tilespmem:s9+$0xA00] =	vst v14;
	v9 =	vsel vm2, $0x3F800000, v3;
	v4 =	vadd.f32 v8, v4;
	v14 =	vadd.f32 v18, v23  }
0x19a: {  	v8 =	vld [tilespmem:s10+$0xC210];
	[tilespmem:s9+$0xA10] =	vst v19;
	vm2 =	vgt.f32 v0, $0.0e+00;
	v0 =	vadd.f32 v7, v2;
	v2 =	vadd.f32 v22, v12  }
0x19b: {  	v7 =	vld [tilespmem:s10+$0x12210];
	[tilespmem:s9+$0xA20] =	vst v9;
	v9 =	vsel vm2, $0x3F800000, v3;
	vm2 =	vgt.f32 v4, $0.0e+00;
	v4 =	vadd.f32 v5, v14  }
0x19c: {  	v16 =	vld [tilespmem:s10+$0x6220];
	[tilespmem:s9+$0xA30] =	vst v9;
	v5 =	vsel vm2, $0x3F800000, v3;
	vm2 =	vgt.f32 v0, $0.0e+00;
	v0 =	vadd.f32 v6, v2  }
0x19d: {  	v2 =	vld [tilespmem:s10+$0xC220];
	[tilespmem:s9+$0xA40] =	vst v5;
	v5 =	vsel vm2, $0x3F800000, v3;
	vm2 =	vgt.f32 v4, $0.0e+00  }
0x19e: {  	v6 =	vld [tilespmem:s10+$0x12220];
	[tilespmem:s9+$0xA50] =	vst v5;
	v4 =	vsel vm2, $0x3F800000, v3;
	vm2 =	vgt.f32 v0, $0.0e+00  }
0x19f: {  	v24 =	vld [tilespmem:s10+$0x6230];
	[tilespmem:s9+$0xA60] =	vst v4;
	v0 =	vsel vm2, $0x3F800000, v3  }
0x1a0: {  	v5 =	vld [tilespmem:s10+$0xC230];
	[tilespmem:s9+$0xA70] =	vst v0;
	s9 =	smov.u32 s10  }
0x1a1: {  	v0 =	vld [tilespmem:s9+$0x12230]  }
0x1a2: {  	v29 =	vld [tilespmem:s9+$0x6240]  }
0x1a3: {  	v9 =	vld [tilespmem:s9+$0xC240]  }
0x1a4: {  	v12 =	vld [tilespmem:s9+$0x12240]  }
0x1a5: {  	v30 =	vld [tilespmem:s9+$0x6250]  }
0x1a6: {  	v14 =	vld [tilespmem:s9+$0xC250]  }
0x1a7: {  	v31 =	vld [tilespmem:s9+$0x12250]  }
0x1a8: {  	v28 =	vld [tilespmem:s9+$0x6260]  }
0x1a9: {  	v32 =	vld [tilespmem:s9+$0xC260]  }
0x1aa: {  	v33 =	vld [tilespmem:s9+$0x12260]  }
0x1ab: {  	v17 =	vld [tilespmem:s9+$0x6270]  }
0x1ac: {  	v34 =	vld [tilespmem:s9+$0xC270]  }
0x1ad: {  	v35 =	vld [tilespmem:s9+$0x12270]  }
0x1ae: {  	v23 =	vld [tilespmem:s9+$0x6600]  }
0x1af: {  	v36 =	vld [tilespmem:s9+$0xC600]  }
0x1b0: {  	v37 =	vld [tilespmem:s9+$0x12600]  }
0x1b1: {  	v25 =	vld [tilespmem:s9+$0x6610]  }
0x1b2: {  	v38 =	vld [tilespmem:s9+$0xC610]  }
0x1b3: {  	v39 =	vld [tilespmem:s9+$0x12610]  }
0x1b4: {  	v26 =	vld [tilespmem:s9+$0x6620]  }
0x1b5: {  	v40 =	vld [tilespmem:s9+$0xC620]  }
0x1b6: {  	v41 =	vld [tilespmem:s9+$0x12620]  }
0x1b7: {  	v27 =	vld [tilespmem:s9+$0x6630]  }
0x1b8: {  	v42 =	vld [tilespmem:s9+$0xC630]  }
0x1b9: {  	v43 =	vld [tilespmem:s9+$0x12630]  }
0x1ba: {  	v22 =	vld [tilespmem:s9+$0x6640]  }
0x1bb: {  	v44 =	vld [tilespmem:s9+$0xC640]  }
0x1bc: {  	v45 =	vld [tilespmem:s9+$0x12640]  }
0x1bd: {  	v18 =	vld [tilespmem:s9+$0x6650]  }
0x1be: {  	v46 =	vld [tilespmem:s9+$0xC650]  }
0x1bf: {  	v47 =	vld [tilespmem:s9+$0x12650]  }
0x1c0: {  	v19 =	vld [tilespmem:s9+$0x6660]  }
0x1c1: {  	v48 =	vld [tilespmem:s9+$0xC660]  }
0x1c2: {  	v49 =	vld [tilespmem:s9+$0x12660]  }
0x1c3: {  	v20 =	vld [tilespmem:s9+$0x6670]  }
0x1c4: {  	v50 =	vld [tilespmem:s9+$0xC670]  }
0x1c5: {  	v51 =	vld [tilespmem:s9+$0x12670]  }
0x1c6: {  	v21 =	vld [tilespmem:s9+$0x6A00]  }
0x1c7: {  	v52 =	vld [tilespmem:s9+$0xCA00]  }
0x1c8: {  	v53 =	vld [tilespmem:s9+$0x12A00]  }
0x1c9: {  	v4 =	vld [tilespmem:s9+$0x6A10]  }
0x1ca: {  	v54 =	vld [tilespmem:s9+$0xCA10]  }
0x1cb: {  	v55 =	vld [tilespmem:s9+$0x12A10]  }
0x1cc: {  	v56 =	vld [tilespmem:s9+$0xCA20]  }
0x1cd: {  	v57 =	vld [tilespmem:s9+$0x12A20]  }
0x1ce: {  	v58 =	vld [tilespmem:s9+$0xCA30]  }
0x1cf: {  	v59 =	vld [tilespmem:s9+$0x12A30]  }
0x1d0: {  	v60 =	vld [tilespmem:s9+$0xCA40]  }
0x1d1: {  	v61 =	vld [tilespmem:s9+$0x12A40]  }
0x1d2: {  	v62 =	vadd.f32 v11, v10;
	v63 =	vadd.f32 v7, v8;
	v7 =	vld [tilespmem:s9+$0xCA50]  }
0x1d3: {  	v2 =	vadd.f32 v6, v2;
	v0 =	vadd.f32 v0, v5;
	v5 =	vld [tilespmem:s9+$0x12A50]  }
0x1d4: {  	v1 =	vadd.f32 v12, v9;
	v31 =	vadd.f32 v31, v14;
	v6 =	vld [tilespmem:s9+$0xCA60]  }
0x1d5: {  	v32 =	vadd.f32 v33, v32;
	v33 =	vadd.f32 v35, v34;
	v34 =	vld [tilespmem:s9+$0x12A60]  }
0x1d6: {  	v35 =	vadd.f32 v37, v36;
	v36 =	vadd.f32 v39, v38;
	v37 =	vld [tilespmem:s9+$0xCA70]  }
0x1d7: {  	v38 =	vadd.f32 v41, v40;
	v39 =	vadd.f32 v43, v42;
	v8 =	vld [tilespmem:s9+$0x200]  }
0x1d8: {  	v40 =	vadd.f32 v45, v44;
	v41 =	vadd.f32 v47, v46;
	v42 =	vld [tilespmem:s9+$0x12A70]  }
0x1d9: {  	v44 =	vadd.f32 v49, v48;
	v14 =	vadd.f32 v51, v50;
	v43 =	vld [tilespmem:s9+$0x210]  }
0x1da: {  	v12 =	vadd.f32 v53, v52;
	v11 =	vadd.f32 v55, v54;
	v45 =	vld [tilespmem:s9+$0x220]  }
0x1db: {  	v10 =	vadd.f32 v57, v56;
	v9 =	vadd.f32 v59, v58;
	v46 =	vld [tilespmem:s9+$0x230]  }
0x1dc: {  	v15 =	vadd.f32 v15, v8;
	v47 =	vld [tilespmem:s9+$0x240];
	v8 =	vadd.f32 v61, v60  }
0x1dd: {  	v7 =	vadd.f32 v5, v7;
	v5 =	vadd.f32 v34, v6;
	v48 =	vld [tilespmem:s9+$0x250]  }
0x1de: {  	v34 =	vadd.f32 v62, v15;
	v13 =	vadd.f32 v13, v43;
	v15 =	vld [tilespmem:s9+$0x6A20]  }
0x1df: {  	v6 =	vadd.f32 v42, v37;
	v16 =	vadd.f32 v16, v45;
	v43 =	vld [tilespmem:s9+$0x260]  }
0x1e0: {  	vm2 =	vgt.f32 v34, $0.0e+00;
	v34 =	vadd.f32 v63, v13;
	v24 =	vadd.f32 v24, v46;
	v13 =	vld [tilespmem:s9+$0x6A30]  }
0x1e1: {  	v37 =	vsel vm2, $0x3F800000, v3;
	v2 =	vadd.f32 v2, v16;
	v16 =	vadd.f32 v29, v47;
	v29 =	vld [tilespmem:s9+$0x270]  }
0x1e2: {  	vm2 =	vgt.f32 v34, $0.0e+00;
	v0 =	vadd.f32 v0, v24;
	v24 =	vadd.f32 v30, v48;
	v30 =	vld [tilespmem:s9+$0x600]  }
0x1e3: {  	v34 =	vsel vm2, $0x3F800000, v3;
	vm2 =	vgt.f32 v2, $0.0e+00;
	v1 =	vadd.f32 v1, v16;
	v2 =	vld [tilespmem:s9+$0x610]  }
0x1e4: {  	vm3 =	vgt.f32 v0, $0.0e+00;
	v0 =	vadd.f32 v31, v24;
	v16 =	vadd.f32 v28, v43;
	v24 =	vld [tilespmem:s9+$0x620]  }
0x1e5: {  	v28 =	vsel vm2, $0x3F800000, v3;
	v31 =	vsel vm3, $0x3F800000, v3;
	vm2 =	vgt.f32 v1, $0.0e+00;
	v1 =	vld [tilespmem:s9+$0x630]  }
0x1e6: {  	vm3 =	vgt.f32 v0, $0.0e+00;
	v0 =	vadd.f32 v32, v16;
	v17 =	vadd.f32 v17, v29;
	v16 =	vld [tilespmem:s9+$0x6A40]  }
0x1e7: {  	v29 =	vsel vm2, $0x3F800000, v3;
	v32 =	vsel vm3, $0x3F800000, v3;
	v23 =	vadd.f32 v23, v30;
	v30 =	vld [tilespmem:s9+$0x640]  }
0x1e8: {  	vm2 =	vgt.f32 v0, $0.0e+00;
	v0 =	vadd.f32 v33, v17;
	v2 =	vadd.f32 v25, v2;
	v17 =	vld [tilespmem:s9+$0x6A50]  }
0x1e9: {  	[tilespmem:s9+$0x200] =	vst v37;
	v25 =	vsel vm2, $0x3F800000, v3;
	v23 =	vadd.f32 v35, v23;
	v24 =	vadd.f32 v26, v24;
	v33 =	vld [tilespmem:s9+$0x650]  }
0x1ea: {  	[tilespmem:s9+$0x210] =	vst v34;
	vm2 =	vgt.f32 v0, $0.0e+00;
	v0 =	vadd.f32 v36, v2;
	v1 =	vadd.f32 v27, v1;
	v2 =	vld [tilespmem:s9+$0x660]  }
0x1eb: {  	[tilespmem:s9+$0x220] =	vst v28;
	v28 =	vsel vm2, $0x3F800000, v3;
	vm2 =	vgt.f32 v23, $0.0e+00;
	v23 =	vadd.f32 v38, v24;
	v34 =	vld [tilespmem:s9+$0x670]  }
0x1ec: {  	[tilespmem:s9+$0x230] =	vst v31;
	vm3 =	vgt.f32 v0, $0.0e+00;
	v0 =	vadd.f32 v39, v1;
	v1 =	vadd.f32 v22, v30;
	v31 =	vld [tilespmem:s9+$0xA00]  }
.Ltmp0:
0x1ed: {  	v35 =	vsel vm2, $0x3F800000, v3;
	[tilespmem:s9+$0x240] =	vst v29;
	v26 =	vsel vm3, $0x3F800000, v3;
	vm2 =	vgt.f32 v23, $0.0e+00;
	v24 =	vld [tilespmem:s9+$0xA10];
	(pc) =	sbr.rel @p0 .LBB2_2-.Ltmp0, $4  }
0x1ee: {  	[tilespmem:s9+$0x250] =	vst v32;
	vm3 =	vgt.f32 v0, $0.0e+00;
	v0 =	vadd.f32 v40, v1;
	v1 =	vadd.f32 v18, v33;
	v18 =	vld [tilespmem:s9+$0x6A60]  }
0x1ef: {  	v27 =	vsel vm2, $0x3F800000, v3;
	[tilespmem:s9+$0x260] =	vst v25;
	v25 =	vsel vm3, $0x3F800000, v3;
	v2 =	vadd.f32 v19, v2;
	v23 =	vld [tilespmem:s9+$0xA20]  }
0x1f0: {  	[tilespmem:s9+$0x270] =	vst v28;
	vm2 =	vgt.f32 v0, $0.0e+00;
	v29 =	vadd.f32 v41, v1;
	v30 =	vadd.f32 v20, v34;
	v22 =	vld [tilespmem:s9+$0x6A70]  }
0x1f1: {  	s15 =	sadd.s32 $0x1, s15;
	[tilespmem:s9+$0x600] =	vst v35;
	v20 =	vsel vm2, $0x3F800000, v3;
	v28 =	vadd.f32 v44, v2;
	v21 =	vadd.f32 v21, v31;
	v19 =	vld [tilespmem:s9+$0xA30]  }
0x1f2: {  	[tilespmem:s9+$0x610] =	vst v26;
	v0 =	vld [tilespmem:s9+$0xA40];
	vm2 =	vgt.f32 v29, $0.0e+00;
	v2 =	vadd.f32 v14, v30;
	v4 =	vadd.f32 v4, v24  }
0x1f3: {  	[tilespmem:s9+$0x620] =	vst v27;
	v1 =	vld [tilespmem:s9+$0xA50];
	v14 =	vsel vm2, $0x3F800000, v3;
	vm2 =	vgt.f32 v28, $0.0e+00;
	v12 =	vadd.f32 v12, v21  }
0x1f4: {  	[tilespmem:s9+$0x630] =	vst v25;
	v21 =	vld [tilespmem:s9+$0xA60];
	vm3 =	vgt.f32 v2, $0.0e+00;
	v2 =	vadd.f32 v11, v4;
	v4 =	vadd.f32 v15, v23  }
0x1f5: {  	[tilespmem:s9+$0x640] =	vst v20;
	v11 =	vsel vm2, $0x3F800000, v3;
	v15 =	vsel vm3, $0x3F800000, v3;
	vm2 =	vgt.f32 v12, $0.0e+00;
	v12 =	vld [tilespmem:s9+$0xA70]  }
0x1f6: {  	[tilespmem:s9+$0x650] =	vst v14;
	vm3 =	vgt.f32 v2, $0.0e+00;
	v2 =	vadd.f32 v10, v4;
	v4 =	vadd.f32 v13, v19  }
0x1f7: {  	[tilespmem:s9+$0x660] =	vst v11;
	v10 =	vsel vm2, $0x3F800000, v3;
	v11 =	vsel vm3, $0x3F800000, v3;
	v0 =	vadd.f32 v16, v0  }
0x1f8: {  	[tilespmem:s9+$0x670] =	vst v15;
	v1 =	vadd.f32 v17, v1;
	vm2 =	vgt.f32 v2, $0.0e+00;
	v2 =	vadd.f32 v9, v4  }
0x1f9: {  	[tilespmem:s9+$0xA00] =	vst v10;
	v4 =	vsel vm2, $0x3F800000, v3;
	v0 =	vadd.f32 v8, v0;
	v8 =	vadd.f32 v18, v21  }
0x1fa: {  	[tilespmem:s9+$0xA10] =	vst v11;
	v1 =	vadd.f32 v7, v1;
	vm2 =	vgt.f32 v2, $0.0e+00;
	v2 =	vadd.f32 v22, v12  }
0x1fb: {  	[tilespmem:s9+$0xA20] =	vst v4;
	v4 =	vsel vm2, $0x3F800000, v3;
	vm2 =	vgt.f32 v0, $0.0e+00;
	v0 =	vadd.f32 v5, v8  }
0x1fc: {  	[tilespmem:s9+$0xA30] =	vst v4;
	v4 =	vsel vm2, $0x3F800000, v3;
	vm2 =	vgt.f32 v1, $0.0e+00;
	v1 =	vadd.f32 v6, v2  }
0x1fd: {  	[tilespmem:s9+$0xA40] =	vst v4;
	v2 =	vsel vm2, $0x3F800000, v3;
	vm2 =	vgt.f32 v0, $0.0e+00  }
0x1fe: {  	[tilespmem:s9+$0xA50] =	vst v2;
	v0 =	vsel vm2, $0x3F800000, v3;
	vm2 =	vgt.f32 v1, $0.0e+00  }
0x1ff: {  	[tilespmem:s9+$0xA60] =	vst v0;
	v0 =	vsel vm2, $0x3F800000, v3  }
0x200: {  	s10 =	rddreg [dreg:$0x6];
	[tilespmem:s9+$0xA70] =	vst v0;
	s9 =	simm.s32 $0x0  }
0x201: {  	[hbm4b:s10+s9] =	stream.linear.scatter [tilespmem:s16], [sflag:$0x2], $0x6000, $0x38;
	[tilespmem:$0x18200] =	vst v63  }
0x202: {  	_ =	swait.ge [sflag:s12], $0x6000  }
0x203: {  	[sflag:s12] =	ssyncset.done $0x0  }
0x204: {  	[sflag:s12] =	ssyncadd.s32 $0xFFFFA000  }
0x205: {  	v0 =	vld [tilespmem:$0x40];
	_ =	sdelay $0x3  }
0x206: {  	v2 =	vld [tilespmem:$0x1FFD0]  }
0x207: {  	v1 =	vshrl.u32 v0, $0x3  }
0x208: {  	v4 =	vld [tilespmem:$0x1FFE0];
	v1 =	vmul.u32 $0x18, v1  }
0x209: {  	v0 =	vand.u32 $0x7, v0  }
0x20a: {  	v5 =	vld [tilespmem:$0x1FFF0];
	v0 =	vor.u32 v0, v1  }
0x20b: {  	v1 =	vperm.xlane v0, v2;
	_ =	sdelay $0x1  }
0x20c: {  	v1 =	vadd.s32 v4, v1;
	_ =	sdelay $0x1  }
0x20d: {  	v0 =	vperm.xlane v0, v5;
	_ =	sdelay $0x1  }
0x20e: {  	v0 =	vadd.s32 v4, v0  }
0x20f: {  	[tilespmem:s16], [sflag:$0x1] =	stream.indirect_vreg.gather [hbm4b:s3+s9], $0x80, v1, vm0, $0xb8;
	[tilespmem:$0x18200] =	vst v63  }
0x210: {  	s18 =	simm.s32 $0xA00  }
0x211: {  	[tilespmem:s18], [sflag:$0x1] =	stream.indirect_vreg.gather [hbm4b:s8+s9], $0x80, v1, vm1, $0xb8;
	[tilespmem:$0x18200] =	vst v63  }
0x212: {  	s15 =	simm.s32 $0xE00  }
0x213: {  	[tilespmem:s15], [sflag:$0x1] =	stream.indirect_vreg.gather [hbm4b:s3+s9], $0x80, v0, vm0, $0xb8;
	[tilespmem:$0x18200] =	vst v63  }
0x214: {  	s17 =	simm.s32 $0x1600  }
0x215: {  	[tilespmem:s17], [sflag:$0x1] =	stream.indirect_vreg.gather [hbm4b:s8+s9], $0x80, v0, vm1, $0xb8;
	[tilespmem:$0x18200] =	vst v63  }
0x216: {  	v0 =	vld [tilespmem:$0x50];
	_ =	sdelay $0x4  }
0x217: {  	v1 =	vshrl.u32 v0, $0x3  }
0x218: {  	v1 =	vmul.u32 $0x18, v1  }
0x219: {  	v0 =	vand.u32 $0x7, v0  }
0x21a: {  	v0 =	vor.u32 v0, v1  }
0x21b: {  	v1 =	vperm.xlane v0, v2;
	_ =	sdelay $0x1  }
0x21c: {  	v1 =	vadd.s32 v4, v1;
	_ =	sdelay $0x1  }
0x21d: {  	v0 =	vperm.xlane v0, v5;
	_ =	sdelay $0x1  }
0x21e: {  	s18 =	simm.s32 $0x1A00;
	v0 =	vadd.s32 v4, v0  }
0x21f: {  	[tilespmem:s18], [sflag:$0x1] =	stream.indirect_vreg.gather [hbm4b:s3+s9], $0x80, v1, vm0, $0xb8;
	[tilespmem:$0x18200] =	vst v63  }
0x220: {  	s15 =	simm.s32 $0x2200  }
0x221: {  	[tilespmem:s15], [sflag:$0x1] =	stream.indirect_vreg.gather [hbm4b:s8+s9], $0x80, v1, vm1, $0xb8;
	[tilespmem:$0x18200] =	vst v63  }
0x222: {  	s17 =	simm.s32 $0x2600  }
0x223: {  	[tilespmem:s17], [sflag:$0x1] =	stream.indirect_vreg.gather [hbm4b:s3+s9], $0x80, v0, vm0, $0xb8;
	[tilespmem:$0x18200] =	vst v63  }
0x224: {  	s18 =	simm.s32 $0x2E00  }
0x225: {  	[tilespmem:s18], [sflag:$0x1] =	stream.indirect_vreg.gather [hbm4b:s8+s9], $0x80, v0, vm1, $0xb8;
	[tilespmem:$0x18200] =	vst v63  }
0x226: {  	v0 =	vld [tilespmem:$0x60];
	_ =	sdelay $0x4  }
0x227: {  	v1 =	vshrl.u32 v0, $0x3  }
0x228: {  	v1 =	vmul.u32 $0x18, v1  }
0x229: {  	v0 =	vand.u32 $0x7, v0  }
0x22a: {  	v0 =	vor.u32 v0, v1  }
0x22b: {  	v1 =	vperm.xlane v0, v2;
	_ =	sdelay $0x1  }
0x22c: {  	v1 =	vadd.s32 v4, v1;
	_ =	sdelay $0x1  }
0x22d: {  	v0 =	vperm.xlane v0, v5;
	_ =	sdelay $0x1  }
0x22e: {  	s15 =	simm.s32 $0x3200;
	v0 =	vadd.s32 v4, v0  }
0x22f: {  	[tilespmem:s15], [sflag:$0x1] =	stream.indirect_vreg.gather [hbm4b:s3+s9], $0x80, v1, vm0, $0xb8;
	[tilespmem:$0x18200] =	vst v63  }
0x230: {  	s17 =	simm.s32 $0x3A00  }
0x231: {  	[tilespmem:s17], [sflag:$0x1] =	stream.indirect_vreg.gather [hbm4b:s8+s9], $0x80, v1, vm1, $0xb8;
	[tilespmem:$0x18200] =	vst v63  }
0x232: {  	s18 =	simm.s32 $0x3E00  }
0x233: {  	[tilespmem:s18], [sflag:$0x1] =	stream.indirect_vreg.gather [hbm4b:s3+s9], $0x80, v0, vm0, $0xb8;
	[tilespmem:$0x18200] =	vst v63  }
0x234: {  	s15 =	simm.s32 $0x4600  }
0x235: {  	[tilespmem:s15], [sflag:$0x1] =	stream.indirect_vreg.gather [hbm4b:s8+s9], $0x80, v0, vm1, $0xb8;
	[tilespmem:$0x18200] =	vst v63  }
0x236: {  	v0 =	vld [tilespmem:$0x70];
	_ =	sdelay $0x4  }
0x237: {  	v1 =	vshrl.u32 v0, $0x3  }
0x238: {  	v1 =	vmul.u32 $0x18, v1  }
0x239: {  	v0 =	vand.u32 $0x7, v0  }
0x23a: {  	v0 =	vor.u32 v0, v1  }
0x23b: {  	v1 =	vperm.xlane v0, v2;
	_ =	sdelay $0x1  }
0x23c: {  	v1 =	vadd.s32 v4, v1;
	_ =	sdelay $0x1  }
0x23d: {  	v0 =	vperm.xlane v0, v5;
	_ =	sdelay $0x1  }
0x23e: {  	s17 =	simm.s32 $0x4A00;
	v0 =	vadd.s32 v4, v0  }
0x23f: {  	[tilespmem:s17], [sflag:$0x1] =	stream.indirect_vreg.gather [hbm4b:s3+s9], $0x80, v1, vm0, $0xb8;
	[tilespmem:$0x18200] =	vst v63  }
0x240: {  	s18 =	simm.s32 $0x5200  }
0x241: {  	[tilespmem:s18], [sflag:$0x1] =	stream.indirect_vreg.gather [hbm4b:s8+s9], $0x80, v1, vm1, $0xb8;
	[tilespmem:$0x18200] =	vst v63  }
0x242: {  	s15 =	simm.s32 $0x5600  }
0x243: {  	[tilespmem:s15], [sflag:$0x1] =	stream.indirect_vreg.gather [hbm4b:s3+s9], $0x80, v0, vm0, $0xb8;
	[tilespmem:$0x18200] =	vst v63  }
0x244: {  	s17 =	simm.s32 $0x5E00  }
0x245: {  	[tilespmem:s17], [sflag:$0x1] =	stream.indirect_vreg.gather [hbm4b:s8+s9], $0x80, v0, vm1, $0xb8;
	[tilespmem:$0x18200] =	vst v63  }
0x246: {  	v0 =	vld [tilespmem:$0xC0];
	_ =	sdelay $0x4  }
0x247: {  	v1 =	vshrl.u32 v0, $0x3  }
0x248: {  	v1 =	vmul.u32 $0x18, v1  }
0x249: {  	v0 =	vand.u32 $0x7, v0  }
0x24a: {  	v0 =	vor.u32 v0, v1  }
0x24b: {  	v1 =	vperm.xlane v0, v2;
	_ =	sdelay $0x1  }
0x24c: {  	v1 =	vadd.s32 v4, v1;
	_ =	sdelay $0x1  }
0x24d: {  	v0 =	vperm.xlane v0, v5;
	_ =	sdelay $0x1  }
0x24e: {  	s18 =	simm.s32 $0x6200;
	v0 =	vadd.s32 v4, v0  }
0x24f: {  	[tilespmem:s18], [sflag:$0x1] =	stream.indirect_vreg.gather [hbm4b:s3+s9], $0x80, v1, vm0, $0xb8;
	[tilespmem:$0x18200] =	vst v63  }
0x250: {  	s15 =	simm.s32 $0x6A00  }
0x251: {  	[tilespmem:s15], [sflag:$0x1] =	stream.indirect_vreg.gather [hbm4b:s8+s9], $0x80, v1, vm1, $0xb8;
	[tilespmem:$0x18200] =	vst v63  }
0x252: {  	s17 =	simm.s32 $0x6E00  }
0x253: {  	[tilespmem:s17], [sflag:$0x1] =	stream.indirect_vreg.gather [hbm4b:s3+s9], $0x80, v0, vm0, $0xb8;
	[tilespmem:$0x18200] =	vst v63  }
0x254: {  	s18 =	simm.s32 $0x7600  }
0x255: {  	[tilespmem:s18], [sflag:$0x1] =	stream.indirect_vreg.gather [hbm4b:s8+s9], $0x80, v0, vm1, $0xb8;
	[tilespmem:$0x18200] =	vst v63  }
0x256: {  	v0 =	vld [tilespmem:$0xD0];
	_ =	sdelay $0x4  }
0x257: {  	v1 =	vshrl.u32 v0, $0x3  }
0x258: {  	v1 =	vmul.u32 $0x18, v1  }
0x259: {  	v0 =	vand.u32 $0x7, v0  }
0x25a: {  	v0 =	vor.u32 v0, v1  }
0x25b: {  	v1 =	vperm.xlane v0, v2;
	_ =	sdelay $0x1  }
0x25c: {  	v1 =	vadd.s32 v4, v1;
	_ =	sdelay $0x1  }
0x25d: {  	v0 =	vperm.xlane v0, v5;
	_ =	sdelay $0x1  }
0x25e: {  	s15 =	simm.s32 $0x7A00;
	v0 =	vadd.s32 v4, v0  }
0x25f: {  	[tilespmem:s15], [sflag:$0x1] =	stream.indirect_vreg.gather [hbm4b:s3+s9], $0x80, v1, vm0, $0xb8;
	[tilespmem:$0x18200] =	vst v63  }
0x260: {  	s17 =	simm.s32 $0x8200  }
0x261: {  	[tilespmem:s17], [sflag:$0x1] =	stream.indirect_vreg.gather [hbm4b:s8+s9], $0x80, v1, vm1, $0xb8;
	[tilespmem:$0x18200] =	vst v63  }
0x262: {  	s18 =	simm.s32 $0x8600  }
0x263: {  	[tilespmem:s18], [sflag:$0x1] =	stream.indirect_vreg.gather [hbm4b:s3+s9], $0x80, v0, vm0, $0xb8;
	[tilespmem:$0x18200] =	vst v63  }
0x264: {  	s15 =	simm.s32 $0x8E00  }
0x265: {  	[tilespmem:s15], [sflag:$0x1] =	stream.indirect_vreg.gather [hbm4b:s8+s9], $0x80, v0, vm1, $0xb8;
	[tilespmem:$0x18200] =	vst v63  }
0x266: {  	v0 =	vld [tilespmem:$0xE0];
	_ =	sdelay $0x4  }
0x267: {  	v1 =	vshrl.u32 v0, $0x3  }
0x268: {  	v1 =	vmul.u32 $0x18, v1  }
0x269: {  	v0 =	vand.u32 $0x7, v0  }
0x26a: {  	v0 =	vor.u32 v0, v1  }
0x26b: {  	v1 =	vperm.xlane v0, v2;
	_ =	sdelay $0x1  }
0x26c: {  	v1 =	vadd.s32 v4, v1;
	_ =	sdelay $0x1  }
0x26d: {  	v0 =	vperm.xlane v0, v5;
	_ =	sdelay $0x1  }
0x26e: {  	s17 =	simm.s32 $0x9200;
	v0 =	vadd.s32 v4, v0  }
0x26f: {  	[tilespmem:s17], [sflag:$0x1] =	stream.indirect_vreg.gather [hbm4b:s3+s9], $0x80, v1, vm0, $0xb8;
	[tilespmem:$0x18200] =	vst v63  }
0x270: {  	s18 =	simm.s32 $0x9A00  }
0x271: {  	[tilespmem:s18], [sflag:$0x1] =	stream.indirect_vreg.gather [hbm4b:s8+s9], $0x80, v1, vm1, $0xb8;
	[tilespmem:$0x18200] =	vst v63  }
0x272: {  	s15 =	simm.s32 $0x9E00  }
0x273: {  	[tilespmem:s15], [sflag:$0x1] =	stream.indirect_vreg.gather [hbm4b:s3+s9], $0x80, v0, vm0, $0xb8;
	[tilespmem:$0x18200] =	vst v63  }
0x274: {  	s17 =	simm.s32 $0xA600  }
0x275: {  	[tilespmem:s17], [sflag:$0x1] =	stream.indirect_vreg.gather [hbm4b:s8+s9], $0x80, v0, vm1, $0xb8;
	[tilespmem:$0x18200] =	vst v63  }
0x276: {  	v0 =	vld [tilespmem:$0xF0];
	_ =	sdelay $0x4  }
0x277: {  	v1 =	vshrl.u32 v0, $0x3  }
0x278: {  	v1 =	vmul.u32 $0x18, v1  }
0x279: {  	v0 =	vand.u32 $0x7, v0  }
0x27a: {  	v0 =	vor.u32 v0, v1  }
0x27b: {  	v1 =	vperm.xlane v0, v2;
	_ =	sdelay $0x1  }
0x27c: {  	v1 =	vadd.s32 v4, v1;
	_ =	sdelay $0x1  }
0x27d: {  	v0 =	vperm.xlane v0, v5;
	_ =	sdelay $0x1  }
0x27e: {  	s18 =	simm.s32 $0xAA00;
	v0 =	vadd.s32 v4, v0  }
0x27f: {  	[tilespmem:s18], [sflag:$0x1] =	stream.indirect_vreg.gather [hbm4b:s3+s9], $0x80, v1, vm0, $0xb8;
	[tilespmem:$0x18200] =	vst v63  }
0x280: {  	s15 =	simm.s32 $0xB200  }
0x281: {  	[tilespmem:s15], [sflag:$0x1] =	stream.indirect_vreg.gather [hbm4b:s8+s9], $0x80, v1, vm1, $0xb8;
	[tilespmem:$0x18200] =	vst v63  }
0x282: {  	s17 =	simm.s32 $0xB600  }
0x283: {  	[tilespmem:s17], [sflag:$0x1] =	stream.indirect_vreg.gather [hbm4b:s3+s9], $0x80, v0, vm0, $0xb8;
	[tilespmem:$0x18200] =	vst v63  }
0x284: {  	s18 =	simm.s32 $0xBE00  }
0x285: {  	[tilespmem:s18], [sflag:$0x1] =	stream.indirect_vreg.gather [hbm4b:s8+s9], $0x80, v0, vm1, $0xb8;
	[tilespmem:$0x18200] =	vst v63  }
0x286: {  	v0 =	vld [tilespmem:$0x140];
	_ =	sdelay $0x4  }
0x287: {  	v1 =	vshrl.u32 v0, $0x3  }
0x288: {  	v1 =	vmul.u32 $0x18, v1  }
0x289: {  	v0 =	vand.u32 $0x7, v0  }
0x28a: {  	v0 =	vor.u32 v0, v1  }
0x28b: {  	v1 =	vperm.xlane v0, v2;
	_ =	sdelay $0x1  }
0x28c: {  	v1 =	vadd.s32 v4, v1;
	_ =	sdelay $0x1  }
0x28d: {  	v0 =	vperm.xlane v0, v5;
	_ =	sdelay $0x1  }
0x28e: {  	s15 =	simm.s32 $0xC200;
	v0 =	vadd.s32 v4, v0  }
0x28f: {  	[tilespmem:s15], [sflag:$0x1] =	stream.indirect_vreg.gather [hbm4b:s3+s9], $0x80, v1, vm0, $0xb8;
	[tilespmem:$0x18200] =	vst v63  }
0x290: {  	s17 =	simm.s32 $0xCA00  }
0x291: {  	[tilespmem:s17], [sflag:$0x1] =	stream.indirect_vreg.gather [hbm4b:s8+s9], $0x80, v1, vm1, $0xb8;
	[tilespmem:$0x18200] =	vst v63  }
0x292: {  	s18 =	simm.s32 $0xCE00  }
0x293: {  	[tilespmem:s18], [sflag:$0x1] =	stream.indirect_vreg.gather [hbm4b:s3+s9], $0x80, v0, vm0, $0xb8;
	[tilespmem:$0x18200] =	vst v63  }
0x294: {  	s15 =	simm.s32 $0xD600  }
0x295: {  	[tilespmem:s15], [sflag:$0x1] =	stream.indirect_vreg.gather [hbm4b:s8+s9], $0x80, v0, vm1, $0xb8;
	[tilespmem:$0x18200] =	vst v63  }
0x296: {  	v0 =	vld [tilespmem:$0x150];
	_ =	sdelay $0x4  }
0x297: {  	v1 =	vshrl.u32 v0, $0x3  }
0x298: {  	v1 =	vmul.u32 $0x18, v1  }
0x299: {  	v0 =	vand.u32 $0x7, v0  }
0x29a: {  	v0 =	vor.u32 v0, v1  }
0x29b: {  	v1 =	vperm.xlane v0, v2;
	_ =	sdelay $0x1  }
0x29c: {  	v1 =	vadd.s32 v4, v1;
	_ =	sdelay $0x1  }
0x29d: {  	v0 =	vperm.xlane v0, v5;
	_ =	sdelay $0x1  }
0x29e: {  	s17 =	simm.s32 $0xDA00;
	v0 =	vadd.s32 v4, v0  }
0x29f: {  	[tilespmem:s17], [sflag:$0x1] =	stream.indirect_vreg.gather [hbm4b:s3+s9], $0x80, v1, vm0, $0xb8;
	[tilespmem:$0x18200] =	vst v63  }
0x2a0: {  	s18 =	simm.s32 $0xE200  }
0x2a1: {  	[tilespmem:s18], [sflag:$0x1] =	stream.indirect_vreg.gather [hbm4b:s8+s9], $0x80, v1, vm1, $0xb8;
	[tilespmem:$0x18200] =	vst v63  }
0x2a2: {  	s15 =	simm.s32 $0xE600  }
0x2a3: {  	[tilespmem:s15], [sflag:$0x1] =	stream.indirect_vreg.gather [hbm4b:s3+s9], $0x80, v0, vm0, $0xb8;
	[tilespmem:$0x18200] =	vst v63  }
0x2a4: {  	s17 =	simm.s32 $0xEE00  }
0x2a5: {  	[tilespmem:s17], [sflag:$0x1] =	stream.indirect_vreg.gather [hbm4b:s8+s9], $0x80, v0, vm1, $0xb8;
	[tilespmem:$0x18200] =	vst v63  }
0x2a6: {  	v0 =	vld [tilespmem:$0x160];
	_ =	sdelay $0x4  }
0x2a7: {  	v1 =	vshrl.u32 v0, $0x3  }
0x2a8: {  	v1 =	vmul.u32 $0x18, v1  }
0x2a9: {  	v0 =	vand.u32 $0x7, v0  }
0x2aa: {  	v0 =	vor.u32 v0, v1  }
0x2ab: {  	v1 =	vperm.xlane v0, v2;
	_ =	sdelay $0x1  }
0x2ac: {  	v1 =	vadd.s32 v4, v1;
	_ =	sdelay $0x1  }
0x2ad: {  	v0 =	vperm.xlane v0, v5;
	_ =	sdelay $0x1  }
0x2ae: {  	s18 =	simm.s32 $0xF200;
	v0 =	vadd.s32 v4, v0  }
0x2af: {  	[tilespmem:s18], [sflag:$0x1] =	stream.indirect_vreg.gather [hbm4b:s3+s9], $0x80, v1, vm0, $0xb8;
	[tilespmem:$0x18200] =	vst v63  }
0x2b0: {  	s15 =	simm.s32 $0xFA00  }
0x2b1: {  	[tilespmem:s15], [sflag:$0x1] =	stream.indirect_vreg.gather [hbm4b:s8+s9], $0x80, v1, vm1, $0xb8;
	[tilespmem:$0x18200] =	vst v63  }
0x2b2: {  	s17 =	simm.s32 $0xFE00  }
0x2b3: {  	[tilespmem:s17], [sflag:$0x1] =	stream.indirect_vreg.gather [hbm4b:s3+s9], $0x80, v0, vm0, $0xb8;
	[tilespmem:$0x18200] =	vst v63  }
0x2b4: {  	s18 =	simm.s32 $0x10600  }
0x2b5: {  	[tilespmem:s18], [sflag:$0x1] =	stream.indirect_vreg.gather [hbm4b:s8+s9], $0x80, v0, vm1, $0xb8;
	[tilespmem:$0x18200] =	vst v63  }
0x2b6: {  	v0 =	vld [tilespmem:$0x170];
	_ =	sdelay $0x4  }
0x2b7: {  	v1 =	vshrl.u32 v0, $0x3  }
0x2b8: {  	v1 =	vmul.u32 $0x18, v1  }
0x2b9: {  	v0 =	vand.u32 $0x7, v0  }
0x2ba: {  	v0 =	vor.u32 v0, v1  }
0x2bb: {  	v1 =	vperm.xlane v0, v2;
	_ =	sdelay $0x1  }
0x2bc: {  	v1 =	vadd.s32 v4, v1;
	_ =	sdelay $0x1  }
0x2bd: {  	v0 =	vperm.xlane v0, v5;
	_ =	sdelay $0x1  }
0x2be: {  	s15 =	simm.s32 $0x10A00;
	v0 =	vadd.s32 v4, v0  }
0x2bf: {  	[tilespmem:s15], [sflag:$0x1] =	stream.indirect_vreg.gather [hbm4b:s3+s9], $0x80, v1, vm0, $0xb8;
	[tilespmem:$0x18200] =	vst v63  }
0x2c0: {  	s17 =	simm.s32 $0x11200  }
0x2c1: {  	[tilespmem:s17], [sflag:$0x1] =	stream.indirect_vreg.gather [hbm4b:s8+s9], $0x80, v1, vm1, $0xb8;
	[tilespmem:$0x18200] =	vst v63  }
0x2c2: {  	_ = 	snop  }
0x2c3: {  	[tilespmem:s11], [sflag:$0x1] =	stream.indirect_vreg.gather [hbm4b:s3+s9], $0x80, v0, vm0, $0xb8;
	[tilespmem:$0x18200] =	vst v63  }
0x2c4: {  	_ = 	snop  }
0x2c5: {  	[tilespmem:s19], [sflag:$0x1] =	stream.indirect_vreg.gather [hbm4b:s8+s9], $0x80, v0, vm1, $0xb8;
	[tilespmem:$0x18200] =	vst v63  }
0x2c6: {  	v0 =	vld [tilespmem:$0x1C0];
	_ =	sdelay $0x4  }
0x2c7: {  	v1 =	vshrl.u32 v0, $0x3  }
0x2c8: {  	v1 =	vmul.u32 $0x18, v1  }
0x2c9: {  	v0 =	vand.u32 $0x7, v0  }
0x2ca: {  	v0 =	vor.u32 v0, v1  }
0x2cb: {  	v1 =	vperm.xlane v0, v2;
	_ =	sdelay $0x1  }
0x2cc: {  	v1 =	vadd.s32 v4, v1;
	_ =	sdelay $0x1  }
0x2cd: {  	v0 =	vperm.xlane v0, v5;
	_ =	sdelay $0x1  }
0x2ce: {  	v0 =	vadd.s32 v4, v0  }
0x2cf: {  	[tilespmem:s20], [sflag:$0x1] =	stream.indirect_vreg.gather [hbm4b:s3+s9], $0x80, v1, vm0, $0xb8;
	[tilespmem:$0x18200] =	vst v63  }
0x2d0: {  	_ = 	snop  }
0x2d1: {  	[tilespmem:s21], [sflag:$0x1] =	stream.indirect_vreg.gather [hbm4b:s8+s9], $0x80, v1, vm1, $0xb8;
	[tilespmem:$0x18200] =	vst v63  }
0x2d2: {  	_ = 	snop  }
0x2d3: {  	[tilespmem:s22], [sflag:$0x1] =	stream.indirect_vreg.gather [hbm4b:s3+s9], $0x80, v0, vm0, $0xb8;
	[tilespmem:$0x18200] =	vst v63  }
0x2d4: {  	_ = 	snop  }
0x2d5: {  	[tilespmem:s23], [sflag:$0x1] =	stream.indirect_vreg.gather [hbm4b:s8+s9], $0x80, v0, vm1, $0xb8;
	[tilespmem:$0x18200] =	vst v63  }
0x2d6: {  	v0 =	vld [tilespmem:$0x1D0];
	_ =	sdelay $0x4  }
0x2d7: {  	v1 =	vshrl.u32 v0, $0x3  }
0x2d8: {  	v1 =	vmul.u32 $0x18, v1  }
0x2d9: {  	v0 =	vand.u32 $0x7, v0  }
0x2da: {  	v0 =	vor.u32 v0, v1  }
0x2db: {  	v1 =	vperm.xlane v0, v2;
	_ =	sdelay $0x1  }
0x2dc: {  	v1 =	vadd.s32 v4, v1;
	_ =	sdelay $0x1  }
0x2dd: {  	v0 =	vperm.xlane v0, v5;
	_ =	sdelay $0x1  }
0x2de: {  	v0 =	vadd.s32 v4, v0  }
0x2df: {  	[tilespmem:s24], [sflag:$0x1] =	stream.indirect_vreg.gather [hbm4b:s3+s9], $0x80, v1, vm0, $0xb8;
	[tilespmem:$0x18200] =	vst v63  }
0x2e0: {  	_ = 	snop  }
0x2e1: {  	[tilespmem:s25], [sflag:$0x1] =	stream.indirect_vreg.gather [hbm4b:s8+s9], $0x80, v1, vm1, $0xb8;
	[tilespmem:$0x18200] =	vst v63  }
0x2e2: {  	_ = 	snop  }
0x2e3: {  	[tilespmem:s26], [sflag:$0x1] =	stream.indirect_vreg.gather [hbm4b:s3+s9], $0x80, v0, vm0, $0xb8;
	[tilespmem:$0x18200] =	vst v63  }
0x2e4: {  	_ = 	snop  }
0x2e5: {  	[tilespmem:s28], [sflag:$0x1] =	stream.indirect_vreg.gather [hbm4b:s8+s9], $0x80, v0, vm1, $0xb8;
	[tilespmem:$0x18200] =	vst v63  }
0x2e6: {  	v0 =	vld [tilespmem:$0x1E0];
	_ =	sdelay $0x4  }
0x2e7: {  	v1 =	vshrl.u32 v0, $0x3  }
0x2e8: {  	v1 =	vmul.u32 $0x18, v1  }
0x2e9: {  	v0 =	vand.u32 $0x7, v0  }
0x2ea: {  	v0 =	vor.u32 v0, v1  }
0x2eb: {  	v1 =	vperm.xlane v0, v2;
	_ =	sdelay $0x1  }
0x2ec: {  	v1 =	vadd.s32 v4, v1;
	_ =	sdelay $0x1  }
0x2ed: {  	v0 =	vperm.xlane v0, v5;
	_ =	sdelay $0x1  }
0x2ee: {  	v0 =	vadd.s32 v4, v0  }
0x2ef: {  	[tilespmem:s29], [sflag:$0x1] =	stream.indirect_vreg.gather [hbm4b:s3+s9], $0x80, v1, vm0, $0xb8;
	[tilespmem:$0x18200] =	vst v63  }
0x2f0: {  	_ = 	snop  }
0x2f1: {  	[tilespmem:s5], [sflag:$0x1] =	stream.indirect_vreg.gather [hbm4b:s8+s9], $0x80, v1, vm1, $0xb8;
	[tilespmem:$0x18200] =	vst v63  }
0x2f2: {  	_ = 	snop  }
0x2f3: {  	[tilespmem:s30], [sflag:$0x1] =	stream.indirect_vreg.gather [hbm4b:s3+s9], $0x80, v0, vm0, $0xb8;
	[tilespmem:$0x18200] =	vst v63  }
0x2f4: {  	_ = 	snop  }
0x2f5: {  	[tilespmem:s31], [sflag:$0x1] =	stream.indirect_vreg.gather [hbm4b:s8+s9], $0x80, v0, vm1, $0xb8;
	[tilespmem:$0x18200] =	vst v63  }
0x2f6: {  	v0 =	vld [tilespmem:$0x1F0];
	_ =	sdelay $0x4  }
0x2f7: {  	v1 =	vshrl.u32 v0, $0x3  }
0x2f8: {  	v1 =	vmul.u32 $0x18, v1  }
0x2f9: {  	v0 =	vand.u32 $0x7, v0  }
0x2fa: {  	v0 =	vor.u32 v0, v1  }
0x2fb: {  	v1 =	vperm.xlane v0, v2;
	_ =	sdelay $0x1  }
0x2fc: {  	v1 =	vadd.s32 v4, v1;
	_ =	sdelay $0x1  }
0x2fd: {  	v0 =	vperm.xlane v0, v5;
	_ =	sdelay $0x1  }
0x2fe: {  	v0 =	vadd.s32 v4, v0  }
0x2ff: {  	[tilespmem:s6], [sflag:$0x1] =	stream.indirect_vreg.gather [hbm4b:s3+s9], $0x80, v1, vm0, $0xb8;
	[tilespmem:$0x18200] =	vst v63  }
0x300: {  	_ = 	snop  }
0x301: {  	[tilespmem:s0], [sflag:$0x1] =	stream.indirect_vreg.gather [hbm4b:s8+s9], $0x80, v1, vm1, $0xb8;
	[tilespmem:$0x18200] =	vst v63  }
0x302: {  	_ = 	snop  }
0x303: {  	[tilespmem:s7], [sflag:$0x1] =	stream.indirect_vreg.gather [hbm4b:s3+s9], $0x80, v0, vm0, $0xb8;
	[tilespmem:$0x18200] =	vst v63  }
0x304: {  	_ = 	snop  }
0x305: {  	[tilespmem:s1], [sflag:$0x1] =	stream.indirect_vreg.gather [hbm4b:s8+s9], $0x80, v0, vm1, $0xb8;
	[tilespmem:$0x18200] =	vst v63  }
0x306: {  	_ =	swait.ge [sflag:s13], $0x6000  }
0x307: {  	[sflag:s13] =	ssyncset.done $0x0  }
0x308: {  	[sflag:s13] =	ssyncadd.s32 $0xFFFFA000  }
0x309: {  	_ =	swait.ge [sflag:s13], $0x6000  }
0x30a: {  	[sflag:s13] =	ssyncset.done $0x0  }
0x30b: {  	[sflag:s13] =	ssyncadd.s32 $0xFFFFA000  }
0x30c: {  	_ =	swait.ge [sflag:s13], $0x6000  }
0x30d: {  	[sflag:s13] =	ssyncset.done $0x0  }
0x30e: {  	s18 =	simm.s32 $0x0;
	[sflag:s13] =	ssyncadd.s32 $0xFFFFA000  }
0x30f: {  	s10 =	smul.u32 $0xC00, s18;
	_ =	swait.ge [sflag:s13], $0x6000  }
0x310: {  	s15 =	sand.u32 $0x380, s9;
	[sflag:s13] =	ssyncset.done $0x0  }
0x311: {  	s15 =	sor.u32 s15, s10;
	[sflag:s13] =	ssyncadd.s32 $0xFFFFA000  }
0x312: {  	v6 =	vld [tilespmem:s15+$0x6200]  }
0x313: {  	v1 =	vld [tilespmem:s15+$0xC200]  }
0x314: {  	v2 =	vld [tilespmem:s15+$0x12200]  }
0x315: {  	v20 =	vld [tilespmem:s15+$0x6210]  }
0x316: {  	v5 =	vld [tilespmem:s15+$0xC210]  }
0x317: {  	v7 =	vld [tilespmem:s15+$0x12210]  }
0x318: {  	v19 =	vld [tilespmem:s15+$0x6220]  }
0x319: {  	v8 =	vld [tilespmem:s15+$0xC220]  }
0x31a: {  	v9 =	vld [tilespmem:s15+$0x12220]  }
0x31b: {  	v21 =	vld [tilespmem:s15+$0x6230]  }
0x31c: {  	v10 =	vld [tilespmem:s15+$0xC230]  }
0x31d: {  	v11 =	vld [tilespmem:s15+$0x12230]  }
0x31e: {  	v22 =	vld [tilespmem:s15+$0x6240]  }
0x31f: {  	v12 =	vld [tilespmem:s15+$0xC240]  }
0x320: {  	v17 =	vld [tilespmem:s15+$0x12240]  }
0x321: {  	v23 =	vld [tilespmem:s15+$0x6250]  }
0x322: {  	v14 =	vld [tilespmem:s15+$0xC250]  }
0x323: {  	v15 =	vld [tilespmem:s15+$0x12250]  }
0x324: {  	v24 =	vld [tilespmem:s15+$0x6260]  }
0x325: {  	v25 =	vld [tilespmem:s15+$0xC260]  }
0x326: {  	v26 =	vld [tilespmem:s15+$0x12260]  }
0x327: {  	v27 =	vld [tilespmem:s15+$0x6270]  }
0x328: {  	v28 =	vld [tilespmem:s15+$0xC270]  }
0x329: {  	v29 =	vld [tilespmem:s15+$0x12270]  }
0x32a: {  	v30 =	vld [tilespmem:s15+$0x6600]  }
0x32b: {  	v31 =	vld [tilespmem:s15+$0xC600]  }
0x32c: {  	v32 =	vld [tilespmem:s15+$0x12600]  }
0x32d: {  	v33 =	vld [tilespmem:s15+$0x6610]  }
0x32e: {  	v34 =	vld [tilespmem:s15+$0xC610]  }
0x32f: {  	v35 =	vld [tilespmem:s15+$0x12610]  }
0x330: {  	v36 =	vld [tilespmem:s15+$0x6620]  }
0x331: {  	v37 =	vld [tilespmem:s15+$0xC620]  }
0x332: {  	v38 =	vld [tilespmem:s15+$0x12620]  }
0x333: {  	v39 =	vld [tilespmem:s15+$0x6630]  }
0x334: {  	v40 =	vld [tilespmem:s15+$0xC630]  }
0x335: {  	v41 =	vld [tilespmem:s15+$0x12630]  }
0x336: {  	v42 =	vld [tilespmem:s15+$0x6640]  }
0x337: {  	v43 =	vld [tilespmem:s15+$0xC640]  }
0x338: {  	v44 =	vld [tilespmem:s15+$0x12640]  }
0x339: {  	v0 =	vld [tilespmem:s15+$0x6650]  }
0x33a: {  	v45 =	vld [tilespmem:s15+$0xC650]  }
0x33b: {  	v46 =	vld [tilespmem:s15+$0x12650]  }
0x33c: {  	v47 =	vld [tilespmem:s15+$0xC660]  }
0x33d: {  	v49 =	vld [tilespmem:s15+$0xC670]  }
0x33e: {  	v50 =	vld [tilespmem:s15+$0x12670]  }
0x33f: {  	[tilespmem:$0x1FF50] =	vst v0;
	v0 =	vld [tilespmem:s15+$0x6660]  }
0x340: {  	v53 =	vld [tilespmem:s15+$0xCA10]  }
0x341: {  	v54 =	vld [tilespmem:s15+$0x12A10]  }
0x342: {  	v57 =	vld [tilespmem:s15+$0xCA30]  }
0x343: {  	v58 =	vld [tilespmem:s15+$0x12A30]  }
0x344: {  	[tilespmem:$0x1FF60] =	vst v0;
	v0 =	vld [tilespmem:s15+$0x6670]  }
0x345: {  	v61 =	vld [tilespmem:s15+$0xCA50]  }
0x346: {  	v62 =	vld [tilespmem:s15+$0x12A50]  }
0x347: {  	v13 =	vadd.f32 v2, v1;
	v2 =	vadd.f32 v7, v5;
	v5 =	vld [tilespmem:s15+$0xCA60]  }
0x348: {  	v1 =	vld [tilespmem:s15+$0xCA70]  }
0x349: {  	[tilespmem:$0x1FF70] =	vst v0;
	v0 =	vld [tilespmem:s15+$0x6A00]  }
0x34a: {  	v25 =	vadd.f32 v26, v25;
	v7 =	vld [tilespmem:s15+$0x200]  }
0x34b: {  	v26 =	vadd.f32 v29, v28;
	v28 =	vadd.f32 v32, v31;
	v31 =	vld [tilespmem:s15+$0x12A70]  }
0x34c: {  	v29 =	vadd.f32 v35, v34;
	v35 =	vld [tilespmem:s15+$0x210]  }
0x34d: {  	v63 =	vadd.f32 v9, v8;
	v34 =	vadd.f32 v41, v40;
	v40 =	vld [tilespmem:s15+$0x220]  }
0x34e: {  	v16 =	vadd.f32 v11, v10;
	v17 =	vadd.f32 v17, v12;
	[tilespmem:$0x1FF80] =	vst v0;
	v0 =	vld [tilespmem:s15+$0x12A60]  }
0x34f: {  	v18 =	vadd.f32 v15, v14;
	v11 =	vadd.f32 v54, v53;
	v54 =	vld [tilespmem:s15+$0x240]  }
0x350: {  	v14 =	vadd.f32 v50, v49;
	v50 =	vld [tilespmem:s15+$0x230];
	v9 =	vadd.f32 v58, v57  }
0x351: {  	v48 =	vld [tilespmem:s15+$0x12660];
	v6 =	vadd.f32 v6, v7;
	v7 =	vadd.f32 v62, v61  }
0x352: {  	v58 =	vld [tilespmem:s15+$0x250];
	v20 =	vadd.f32 v20, v35;
	v19 =	vadd.f32 v19, v40  }
0x353: {  	v62 =	vadd.f32 v13, v6;
	v5 =	vadd.f32 v0, v5;
	v0 =	vld [tilespmem:s15+$0x260]  }
0x354: {  	v51 =	vld [tilespmem:s15+$0xCA00];
	v22 =	vadd.f32 v22, v54;
	v6 =	vadd.f32 v31, v1  }
0x355: {  	v1 =	vld [tilespmem:s15+$0x270];
	v2 =	vadd.f32 v2, v20;
	v20 =	vadd.f32 v21, v50;
	vm2 =	vgt.f32 v62, $0.0e+00  }
0x356: {  	v52 =	vld [tilespmem:s15+$0x12A00];
	v19 =	vadd.f32 v63, v19;
	v17 =	vadd.f32 v17, v22;
	v31 =	vsel vm2, $0x3F800000, v3  }
0x357: {  	v63 =	vld [tilespmem:s15+$0x610];
	vm2 =	vgt.f32 v2, $0.0e+00;
	v2 =	vadd.f32 v16, v20;
	v16 =	vadd.f32 v23, v58  }
0x358: {  	v4 =	vld [tilespmem:s15+$0x6A10];
	v23 =	vsel vm2, $0x3F800000, v3;
	vm2 =	vgt.f32 v19, $0.0e+00;
	v0 =	vadd.f32 v24, v0  }
0x359: {  	v19 =	vld [tilespmem:s15+$0x630];
	vm3 =	vgt.f32 v2, $0.0e+00;
	v2 =	vadd.f32 v18, v16;
	v18 =	vsel vm2, $0x3F800000, v3  }
0x35a: {  	v21 =	vld [tilespmem:s15+$0x600];
	vm2 =	vgt.f32 v17, $0.0e+00;
	v1 =	vadd.f32 v27, v1;
	v0 =	vadd.f32 v25, v0  }
0x35b: {  	v22 =	vsel vm3, $0x3F800000, v3;
	vm3 =	vgt.f32 v2, $0.0e+00;
	v2 =	vld [tilespmem:s15+$0x640];
	v24 =	vsel vm2, $0x3F800000, v3  }
0x35c: {  	v20 =	vld [tilespmem:s15+$0x620];
	vm2 =	vgt.f32 v0, $0.0e+00;
	v0 =	vadd.f32 v26, v1;
	v1 =	vadd.f32 v33, v63  }
0x35d: {  	v55 =	vld [tilespmem:s15+$0xCA20];
	[tilespmem:s15+$0x210] =	vst v23;
	v23 =	vsel vm2, $0x3F800000, v3  }
0x35e: {  	v56 =	vld [tilespmem:s15+$0x12A20];
	vm2 =	vgt.f32 v0, $0.0e+00;
	v0 =	vadd.f32 v29, v1;
	v1 =	vadd.f32 v39, v19  }
0x35f: {  	v59 =	vld [tilespmem:s15+$0xCA40];
	v32 =	vadd.f32 v38, v37;
	v37 =	vadd.f32 v44, v43;
	v25 =	vsel vm3, $0x3F800000, v3  }
0x360: {  	v60 =	vld [tilespmem:s15+$0x12A40];
	vm3 =	vgt.f32 v0, $0.0e+00;
	v0 =	vadd.f32 v34, v1;
	v1 =	vadd.f32 v42, v2  }
0x361: {  	v21 =	vadd.f32 v30, v21;
	v27 =	vld [tilespmem:s15+$0x650];
	v20 =	vadd.f32 v36, v20  }
0x362: {  	v26 =	vsel vm3, $0x3F800000, v3;
	vm3 =	vgt.f32 v0, $0.0e+00;
	v0 =	vadd.f32 v37, v1;
	v1 =	vld [tilespmem:$0x1FF50]  }
0x363: {  	v15 =	vld [tilespmem:s15+$0x6A20];
	[tilespmem:s15+$0x220] =	vst v18;
	v18 =	vadd.f32 v28, v21  }
0x364: {  	v30 =	vld [tilespmem:s15+$0x660];
	v20 =	vadd.f32 v32, v20  }
0x365: {  	v21 =	vld [tilespmem:s15+$0x670];
	[tilespmem:s15+$0x230] =	vst v22;
	v22 =	vsel vm2, $0x3F800000, v3;
	vm2 =	vgt.f32 v18, $0.0e+00  }
0x366: {  	v2 =	vsel vm2, $0x3F800000, v3;
	vm2 =	vgt.f32 v20, $0.0e+00;
	v20 =	vld [tilespmem:$0x1FF60]  }
0x367: {  	v1 =	vadd.f32 v1, v27;
	v27 =	vsel vm2, $0x3F800000, v3;
	vm2 =	vgt.f32 v0, $0.0e+00;
	v0 =	vld [tilespmem:$0x1FF70]  }
0x368: {  	v13 =	vld [tilespmem:s15+$0x6A30]  }
0x369: {  	v16 =	vld [tilespmem:s15+$0x6A40]  }
0x36a: {  	v17 =	vld [tilespmem:s15+$0x6A50]  }
0x36b: {  	v19 =	vld [tilespmem:s15+$0xA00]  }
0x36c: {  	[tilespmem:s15+$0x200] =	vst v31;
	v28 =	vadd.f32 v20, v30;
	v30 =	vadd.f32 v0, v21;
	v0 =	vld [tilespmem:$0x1FF80]  }
0x36d: {  	[tilespmem:s15+$0x240] =	vst v24;
	v24 =	vld [tilespmem:s15+$0xA10]  }
0x36e: {  	v38 =	vadd.f32 v46, v45;
	v48 =	vadd.f32 v48, v47;
	[tilespmem:s15+$0x260] =	vst v23;
	v23 =	vld [tilespmem:s15+$0xA20]  }
0x36f: {  	v12 =	vadd.f32 v52, v51;
	v10 =	vadd.f32 v56, v55;
	[tilespmem:s15+$0x250] =	vst v25;
	v18 =	vld [tilespmem:s15+$0x6A60]  }
0x370: {  	v8 =	vadd.f32 v60, v59;
	[tilespmem:s15+$0x270] =	vst v22;
	v22 =	vld [tilespmem:s15+$0x6A70];
	v25 =	vsel vm3, $0x3F800000, v3;
	v28 =	vadd.f32 v48, v28  }
0x371: {  	s17 =	simm.s32 $0x1;
	[tilespmem:s15+$0x600] =	vst v2;
	v20 =	vsel vm2, $0x3F800000, v3;
	v29 =	vadd.f32 v38, v1;
	v21 =	vadd.f32 v0, v19;
	v19 =	vld [tilespmem:s15+$0xA30]  }
.LBB2_4:
0x372: {  	v2 =	vld [tilespmem:s15+$0xA40]  }
0x373: {  	v0 =	vadd.f32 v14, v30  }
0x374: {  	s10 =	sshrl.u32 s17, $0x3;
	[tilespmem:s15+$0x610] =	vst v26;
	vm2 =	vgt.f32 v29, $0.0e+00;
	v12 =	vadd.f32 v12, v21;
	v1 =	vadd.f32 v4, v24  }
0x375: {  	[tilespmem:s15+$0x620] =	vst v27;
	s9 =	sadd.s32 $0x80, s9;
	s10 =	smul.u32 $0xC00, s10;
	v14 =	vld [tilespmem:s15+$0xA50];
	vm3 =	vgt.f32 v0, $0.0e+00;
	v4 =	vsel vm2, $0x3F800000, v3;
	vm2 =	vgt.f32 v28, $0.0e+00  }
0x376: {  	[tilespmem:s15+$0x640] =	vst v20;
	s18 =	sand.u32 $0x380, s9;
	v21 =	vld [tilespmem:s15+$0xA60];
	v20 =	vsel vm3, $0x3F800000, v3;
	v0 =	vadd.f32 v11, v1;
	v1 =	vadd.f32 v15, v23  }
0x377: {  	[tilespmem:s15+$0x630] =	vst v25;
	s10 =	sor.u32 s18, s10;
	v2 =	vadd.f32 v16, v2;
	v11 =	vsel vm2, $0x3F800000, v3;
	vm2 =	vgt.f32 v12, $0.0e+00;
	v12 =	vld [tilespmem:s15+$0xA70]  }
0x378: {  	v15 =	vld [tilespmem:s10+$0x6200];
	[tilespmem:s15+$0x650] =	vst v4;
	vm3 =	vgt.f32 v0, $0.0e+00;
	v0 =	vadd.f32 v10, v1;
	v1 =	vadd.f32 v13, v19  }
0x379: {  	v4 =	vsel vm2, $0x3F800000, v3;
	v2 =	vadd.f32 v8, v2;
	v10 =	vld [tilespmem:s10+$0xC200];
	[tilespmem:s15+$0x660] =	vst v11  }
0x37a: {  	v11 =	vld [tilespmem:s10+$0x12200];
	[tilespmem:s15+$0x670] =	vst v20;
	vm2 =	vgt.f32 v0, $0.0e+00;
	v0 =	vadd.f32 v9, v1;
	v1 =	vadd.f32 v17, v14  }
0x37b: {  	v19 =	vsel vm3, $0x3F800000, v3;
	v13 =	vld [tilespmem:s10+$0x6210];
	[tilespmem:s15+$0xA00] =	vst v4;
	v9 =	vadd.f32 v18, v21;
	v4 =	vsel vm2, $0x3F800000, v3  }
0x37c: {  	v8 =	vld [tilespmem:s10+$0xC210];
	[tilespmem:s15+$0xA10] =	vst v19;
	vm2 =	vgt.f32 v0, $0.0e+00;
	v0 =	vadd.f32 v7, v1;
	v1 =	vadd.f32 v22, v12  }
0x37d: {  	v7 =	vld [tilespmem:s10+$0x12210];
	[tilespmem:s15+$0xA20] =	vst v4;
	v4 =	vsel vm2, $0x3F800000, v3;
	vm2 =	vgt.f32 v2, $0.0e+00;
	v2 =	vadd.f32 v5, v9  }
0x37e: {  	v16 =	vld [tilespmem:s10+$0x6220];
	[tilespmem:s15+$0xA30] =	vst v4;
	v4 =	vsel vm2, $0x3F800000, v3;
	vm2 =	vgt.f32 v0, $0.0e+00;
	v0 =	vadd.f32 v6, v1  }
0x37f: {  	v1 =	vld [tilespmem:s10+$0xC220];
	[tilespmem:s15+$0xA40] =	vst v4;
	v4 =	vsel vm2, $0x3F800000, v3;
	vm2 =	vgt.f32 v2, $0.0e+00  }
0x380: {  	v2 =	vld [tilespmem:s10+$0x12220];
	[tilespmem:s15+$0xA50] =	vst v4;
	v4 =	vsel vm2, $0x3F800000, v3;
	vm2 =	vgt.f32 v0, $0.0e+00  }
0x381: {  	v24 =	vld [tilespmem:s10+$0x6230];
	[tilespmem:s15+$0xA60] =	vst v4;
	v0 =	vsel vm2, $0x3F800000, v3  }
0x382: {  	v5 =	vld [tilespmem:s10+$0xC230];
	[tilespmem:s15+$0xA70] =	vst v0;
	s15 =	smov.u32 s10  }
0x383: {  	v0 =	vld [tilespmem:s15+$0x12230]  }
0x384: {  	v29 =	vld [tilespmem:s15+$0x6240]  }
0x385: {  	v6 =	vld [tilespmem:s15+$0xC240]  }
0x386: {  	v9 =	vld [tilespmem:s15+$0x12240]  }
0x387: {  	v30 =	vld [tilespmem:s15+$0x6250]  }
0x388: {  	v12 =	vld [tilespmem:s15+$0xC250]  }
0x389: {  	v14 =	vld [tilespmem:s15+$0x12250]  }
0x38a: {  	v28 =	vld [tilespmem:s15+$0x6260]  }
0x38b: {  	v31 =	vld [tilespmem:s15+$0xC260]  }
0x38c: {  	v32 =	vld [tilespmem:s15+$0x12260]  }
0x38d: {  	v17 =	vld [tilespmem:s15+$0x6270]  }
0x38e: {  	v33 =	vld [tilespmem:s15+$0xC270]  }
0x38f: {  	v34 =	vld [tilespmem:s15+$0x12270]  }
0x390: {  	v23 =	vld [tilespmem:s15+$0x6600]  }
0x391: {  	v35 =	vld [tilespmem:s15+$0xC600]  }
0x392: {  	v36 =	vld [tilespmem:s15+$0x12600]  }
0x393: {  	v25 =	vld [tilespmem:s15+$0x6610]  }
0x394: {  	v37 =	vld [tilespmem:s15+$0xC610]  }
0x395: {  	v38 =	vld [tilespmem:s15+$0x12610]  }
0x396: {  	v26 =	vld [tilespmem:s15+$0x6620]  }
0x397: {  	v39 =	vld [tilespmem:s15+$0xC620]  }
0x398: {  	v40 =	vld [tilespmem:s15+$0x12620]  }
0x399: {  	v27 =	vld [tilespmem:s15+$0x6630]  }
0x39a: {  	v41 =	vld [tilespmem:s15+$0xC630]  }
0x39b: {  	v42 =	vld [tilespmem:s15+$0x12630]  }
0x39c: {  	v22 =	vld [tilespmem:s15+$0x6640]  }
0x39d: {  	v43 =	vld [tilespmem:s15+$0xC640]  }
0x39e: {  	v44 =	vld [tilespmem:s15+$0x12640]  }
0x39f: {  	v4 =	vld [tilespmem:s15+$0x6650]  }
0x3a0: {  	v45 =	vld [tilespmem:s15+$0xC650]  }
0x3a1: {  	v46 =	vld [tilespmem:s15+$0x12650]  }
0x3a2: {  	v19 =	vld [tilespmem:s15+$0x6660]  }
0x3a3: {  	v47 =	vld [tilespmem:s15+$0xC660]  }
0x3a4: {  	v48 =	vld [tilespmem:s15+$0x12660]  }
0x3a5: {  	v20 =	vld [tilespmem:s15+$0x6670]  }
0x3a6: {  	v49 =	vld [tilespmem:s15+$0xC670]  }
0x3a7: {  	v50 =	vld [tilespmem:s15+$0x12670]  }
0x3a8: {  	v21 =	vld [tilespmem:s15+$0x6A00]  }
0x3a9: {  	v51 =	vld [tilespmem:s15+$0xCA00]  }
0x3aa: {  	v52 =	vld [tilespmem:s15+$0x12A00]  }
0x3ab: {  	v18 =	vld [tilespmem:s15+$0x6A10]  }
0x3ac: {  	v53 =	vld [tilespmem:s15+$0xCA10]  }
0x3ad: {  	v54 =	vld [tilespmem:s15+$0x12A10]  }
0x3ae: {  	v55 =	vld [tilespmem:s15+$0xCA20]  }
0x3af: {  	v56 =	vld [tilespmem:s15+$0x12A20]  }
0x3b0: {  	v57 =	vld [tilespmem:s15+$0xCA30]  }
0x3b1: {  	v58 =	vld [tilespmem:s15+$0x12A30]  }
0x3b2: {  	v59 =	vld [tilespmem:s15+$0xCA40]  }
0x3b3: {  	v60 =	vld [tilespmem:s15+$0x12A40]  }
0x3b4: {  	v61 =	vadd.f32 v11, v10;
	v62 =	vadd.f32 v7, v8;
	v7 =	vld [tilespmem:s15+$0xCA50]  }
0x3b5: {  	v8 =	vld [tilespmem:s15+$0x200];
	v1 =	vadd.f32 v2, v1;
	v0 =	vadd.f32 v0, v5  }
0x3b6: {  	v2 =	vld [tilespmem:s15+$0x12A50];
	[tilespmem:$0x1FF40] =	vst v4;
	v63 =	vadd.f32 v9, v6;
	v4 =	vadd.f32 v14, v12  }
0x3b7: {  	v5 =	vld [tilespmem:s15+$0xCA60];
	v31 =	vadd.f32 v32, v31;
	v32 =	vadd.f32 v34, v33  }
0x3b8: {  	v34 =	vadd.f32 v38, v37;
	v37 =	vadd.f32 v42, v41;
	v41 =	vld [tilespmem:s15+$0x210]  }
0x3b9: {  	v33 =	vadd.f32 v36, v35;
	v14 =	vadd.f32 v50, v49;
	v50 =	vld [tilespmem:s15+$0x220]  }
0x3ba: {  	v36 =	vadd.f32 v40, v39;
	v11 =	vadd.f32 v54, v53;
	v54 =	vld [tilespmem:s15+$0x230]  }
0x3bb: {  	v10 =	vadd.f32 v56, v55;
	v15 =	vadd.f32 v15, v8;
	v55 =	vld [tilespmem:s15+$0x240]  }
0x3bc: {  	v9 =	vadd.f32 v58, v57;
	v56 =	vld [tilespmem:s15+$0x250];
	v7 =	vadd.f32 v2, v7  }
0x3bd: {  	v6 =	vld [tilespmem:s15+$0x12A60];
	v2 =	vadd.f32 v61, v15;
	v13 =	vadd.f32 v13, v41  }
0x3be: {  	v8 =	vadd.f32 v60, v59;
	v57 =	vld [tilespmem:s15+$0x260];
	v16 =	vadd.f32 v16, v50  }
0x3bf: {  	v35 =	vld [tilespmem:s15+$0xCA70];
	vm2 =	vgt.f32 v2, $0.0e+00;
	v24 =	vadd.f32 v24, v54;
	v2 =	vadd.f32 v62, v13  }
0x3c0: {  	v58 =	vsel vm2, $0x3F800000, v3;
	v1 =	vadd.f32 v1, v16;
	v16 =	vadd.f32 v29, v55;
	v29 =	vld [tilespmem:s15+$0x270]  }
0x3c1: {  	v0 =	vadd.f32 v0, v24;
	v24 =	vld [tilespmem:s15+$0x600];
	vm2 =	vgt.f32 v2, $0.0e+00;
	v2 =	vadd.f32 v30, v56  }
0x3c2: {  	v59 =	vld [tilespmem:s15+$0x610];
	v30 =	vsel vm2, $0x3F800000, v3;
	vm2 =	vgt.f32 v1, $0.0e+00;
	v1 =	vadd.f32 v63, v16  }
0x3c3: {  	v40 =	vld [tilespmem:s15+$0x12A70];
	vm3 =	vgt.f32 v0, $0.0e+00;
	v0 =	vadd.f32 v4, v2;
	v2 =	vadd.f32 v28, v57  }
0x3c4: {  	v60 =	vsel vm3, $0x3F800000, v3;
	v28 =	vsel vm2, $0x3F800000, v3;
	vm2 =	vgt.f32 v1, $0.0e+00;
	v1 =	vld [tilespmem:s15+$0x630]  }
0x3c5: {  	v15 =	vld [tilespmem:s15+$0x6A20];
	vm3 =	vgt.f32 v0, $0.0e+00;
	v0 =	vadd.f32 v31, v2;
	v2 =	vadd.f32 v17, v29  }
0x3c6: {  	v23 =	vadd.f32 v23, v24;
	v24 =	vld [tilespmem:s15+$0x640];
	v29 =	vsel vm2, $0x3F800000, v3  }
0x3c7: {  	v4 =	vld [tilespmem:s15+$0x620];
	vm2 =	vgt.f32 v0, $0.0e+00;
	v0 =	vadd.f32 v32, v2;
	v2 =	vadd.f32 v25, v59  }
0x3c8: {  	v61 =	vld [tilespmem:s15+$0x650];
	v25 =	vsel vm2, $0x3F800000, v3  }
0x3c9: {  	v13 =	vld [tilespmem:s15+$0x6A30];
	vm2 =	vgt.f32 v0, $0.0e+00;
	v0 =	vadd.f32 v34, v2;
	v1 =	vadd.f32 v27, v1  }
0x3ca: {  	v38 =	vadd.f32 v44, v43;
	v39 =	vadd.f32 v46, v45;
	v62 =	vld [tilespmem:s15+$0xA00];
	v31 =	vsel vm3, $0x3F800000, v3  }
0x3cb: {  	[tilespmem:s15+$0x210] =	vst v30;
	v30 =	vld [tilespmem:s15+$0x670];
	vm3 =	vgt.f32 v0, $0.0e+00;
	v0 =	vadd.f32 v37, v1;
	v1 =	vadd.f32 v22, v24  }
0x3cc: {  	v48 =	vadd.f32 v48, v47;
	v4 =	vadd.f32 v26, v4;
	v2 =	vld [tilespmem:s15+$0x660]  }
0x3cd: {  	[tilespmem:s15+$0x200] =	vst v58;
	v26 =	vsel vm3, $0x3F800000, v3;
	vm3 =	vgt.f32 v0, $0.0e+00;
	v0 =	vadd.f32 v38, v1;
	v1 =	vld [tilespmem:$0x1FF40]  }
0x3ce: {  	v12 =	vadd.f32 v52, v51;
	v16 =	vld [tilespmem:s15+$0x6A40];
	[tilespmem:s15+$0x230] =	vst v60;
	v23 =	vadd.f32 v33, v23  }
0x3cf: {  	p0 =	sne.s32 s17, $0x3F;
	v5 =	vadd.f32 v6, v5;
	v6 =	vadd.f32 v40, v35;
	[tilespmem:s15+$0x220] =	vst v28;
	v17 =	vld [tilespmem:s15+$0x6A50]  }
.Ltmp1:
0x3d0: {  	[tilespmem:s15+$0x240] =	vst v29;
	v28 =	vsel vm2, $0x3F800000, v3;
	vm2 =	vgt.f32 v23, $0.0e+00;
	v23 =	vadd.f32 v36, v4;
	v24 =	vld [tilespmem:s15+$0xA10];
	(pc) =	sbr.rel @p0 .LBB2_4-.Ltmp1, $4  }
0x3d1: {  	v21 =	vadd.f32 v21, v62;
	[tilespmem:s15+$0x250] =	vst v31;
	v30 =	vadd.f32 v20, v30;
	v63 =	vsel vm2, $0x3F800000, v3;
	v22 =	vld [tilespmem:s15+$0x6A70]  }
0x3d2: {  	[tilespmem:s15+$0x260] =	vst v25;
	vm2 =	vgt.f32 v23, $0.0e+00;
	v4 =	vmovc v18;
	v18 =	vld [tilespmem:s15+$0x6A60];
	v2 =	vadd.f32 v19, v2;
	v1 =	vadd.f32 v1, v61  }
0x3d3: {  	[tilespmem:s15+$0x270] =	vst v28;
	v23 =	vld [tilespmem:s15+$0xA20];
	v27 =	vsel vm2, $0x3F800000, v3;
	v25 =	vsel vm3, $0x3F800000, v3;
	vm2 =	vgt.f32 v0, $0.0e+00  }
0x3d4: {  	s17 =	sadd.s32 $0x1, s17;
	[tilespmem:s15+$0x600] =	vst v63;
	v19 =	vld [tilespmem:s15+$0xA30];
	v20 =	vsel vm2, $0x3F800000, v3;
	v28 =	vadd.f32 v48, v2;
	v29 =	vadd.f32 v39, v1  }
0x3d5: {  	v0 =	vld [tilespmem:s15+$0xA40]  }
0x3d6: {  	[tilespmem:s15+$0x610] =	vst v26;
	v1 =	vld [tilespmem:s15+$0xA50];
	v2 =	vadd.f32 v14, v30;
	v4 =	vadd.f32 v4, v24;
	vm2 =	vgt.f32 v29, $0.0e+00  }
0x3d7: {  	[tilespmem:s15+$0x620] =	vst v27;
	v12 =	vadd.f32 v12, v21;
	v57 =	vld [tilespmem:s15+$0xA60];
	v56 =	vsel vm2, $0x3F800000, v3;
	vm2 =	vgt.f32 v28, $0.0e+00  }
0x3d8: {  	[tilespmem:s15+$0x630] =	vst v25;
	vm3 =	vgt.f32 v2, $0.0e+00;
	v2 =	vadd.f32 v11, v4;
	v4 =	vadd.f32 v15, v23  }
0x3d9: {  	[tilespmem:s15+$0x640] =	vst v20;
	v60 =	vld [tilespmem:s15+$0xA70];
	v58 =	vsel vm2, $0x3F800000, v3;
	v59 =	vsel vm3, $0x3F800000, v3;
	vm2 =	vgt.f32 v12, $0.0e+00  }
0x3da: {  	[tilespmem:s15+$0x650] =	vst v56;
	vm3 =	vgt.f32 v2, $0.0e+00;
	v2 =	vadd.f32 v10, v4;
	v4 =	vadd.f32 v13, v19  }
0x3db: {  	[tilespmem:s15+$0x660] =	vst v58;
	v61 =	vsel vm2, $0x3F800000, v3;
	v0 =	vadd.f32 v16, v0;
	v1 =	vadd.f32 v17, v1  }
0x3dc: {  	[tilespmem:s15+$0x670] =	vst v59;
	v63 =	vadd.f32 v18, v57;
	vm2 =	vgt.f32 v2, $0.0e+00;
	v2 =	vadd.f32 v9, v4  }
0x3dd: {  	v62 =	vsel vm3, $0x3F800000, v3;
	[tilespmem:s15+$0xA00] =	vst v61;
	v0 =	vadd.f32 v8, v0;
	v1 =	vadd.f32 v7, v1  }
0x3de: {  	[tilespmem:s15+$0xA10] =	vst v62;
	v4 =	vsel vm2, $0x3F800000, v3;
	vm2 =	vgt.f32 v2, $0.0e+00;
	v2 =	vadd.f32 v22, v60  }
0x3df: {  	[tilespmem:s15+$0xA20] =	vst v4;
	v4 =	vsel vm2, $0x3F800000, v3;
	vm2 =	vgt.f32 v0, $0.0e+00;
	v0 =	vadd.f32 v5, v63  }
0x3e0: {  	[tilespmem:s15+$0xA30] =	vst v4;
	v4 =	vsel vm2, $0x3F800000, v3;
	vm2 =	vgt.f32 v1, $0.0e+00;
	v1 =	vadd.f32 v6, v2  }
0x3e1: {  	[tilespmem:s15+$0xA40] =	vst v4;
	v2 =	vsel vm2, $0x3F800000, v3;
	vm2 =	vgt.f32 v0, $0.0e+00  }
0x3e2: {  	[tilespmem:s15+$0xA50] =	vst v2;
	v0 =	vsel vm2, $0x3F800000, v3;
	vm2 =	vgt.f32 v1, $0.0e+00  }
0x3e3: {  	[tilespmem:s15+$0xA60] =	vst v0;
	v0 =	vsel vm2, $0x3F800000, v3  }
0x3e4: {  	s9 =	rddreg [dreg:$0x7];
	[tilespmem:s15+$0xA70] =	vst v0  }
0x3e5: {  	[hbm4b:s9+s2] =	stream.linear.scatter [tilespmem:s16], [sflag:$0x2], $0x6000, $0x38;
	[tilespmem:$0x18200] =	vst v63  }
0x3e6: {  	_ =	swait.ge [sflag:s12], $0x6000  }
0x3e7: {  	s14 =	sadd.s32 $0x1, s14;
	s18 =	rddreg [dreg:$0x8]  }
0x3e8: {  	p0 =	sne.s32 s14, s18  }
.Ltmp2:
0x3e9: {  	_ = 	snop;
	(pc) =	sbr.rel @p0 .LBB2_1-.Ltmp2, $3  }
0x3ea: {  	_ =	sdelay $0x1  }
0x3eb: {  	[sflag:s12] =	ssyncset.done $0x0  }
0x3ec: {  	[sflag:s12] =	ssyncadd.s32 $0xFFFFA000  }
0x3ed: {  	_ =	sfence.sel $0x180000  }
0x3ee: {  	[bflag:$0x0] =	sbarrier.arrive $0xFFFF  }
0x3ef: {  	_ =	strace $0x90000047  }
0x3f0: {  	s0 =	stileid.u32;
	[bflag:$0x2] =	sbarrier.arrive $0xFFFF  }
0x3f1: {  	p0 =	sne.s32 s0, $0x0;
	s0 =	rddreg [dreg:$0x2]  }
0x3f2: {  	s0 =	sadd.s32 @!p0 $0x100000, s0  }
0x3f3: {  	[sflag:s0] =	ssyncadd.tile.s32 @!p0 $0x1;
	_ =	shalt  }
.Lfunc_end2:
_tile_overlayer_lowered:
.L_overlay_start_2:
0x3f4: {  	(tag) =	ssettag $0x2  }
0x3f5: {  	s0 =	rddreg [dreg:$0x0];
	s2 =	stileid.u32  }
0x3f6: {  	s1 =	rddreg [dreg:$0x1];
	p0 =	sne.s32 s2, $0x0  }
0x3f7: {  	s3 =	rddreg [dreg:$0x2];
	[bflag:$0x3] =	sbarrier.arrive $0xFFFF;
	s2 =	simm.s32 @!p0 $0x1C02  }
0x3f8: {  	[timem:s3], [sflag:s2] =	dma.local @!p0 [hbm:s0], s1  }
0x3f9: {  	s0 =	simm.s32 @!p0 $0x2  }
0x3fa: {  	_ =	swait.ge @!p0 [sflag:s0], s1  }
0x3fb: {  	s1 =	ssub.s32 @!p0 $0x0, s1;
	[sflag:s0] =	ssyncset.done @!p0 $0x0  }
0x3fc: {  	[sflag:s0] =	ssyncadd.s32 @!p0 s1  }
0x3fd: {  	[bflag:$0x3] =	sbarrier.arrive $0xFFFF  }
0x3fe: {  	_ =	shalt  }

</sc_bundles>
